<compile_context>
chip_gen: v7x
topology: tpu7x:2x2x1
jax: 0.10.2.dev20260603
libtpu: 0.0.44.dev20260713+nightly
codegen_flags: <defaults>
</compile_context>

<pallas_src>
import functools

import jax
import jax.numpy as jnp
from jax import lax
from jax.experimental import pallas as pl
from jax.experimental.pallas import tpu as pltpu
from jax.experimental.pallas import tpu_sc as plsc

_F32 = jnp.float32
_BF16 = jnp.bfloat16


def _message_body(et_ref, d0_ref, d1_ref, d2_ref, d3_ref,
                  cwide_ref, wcat_ref, fold_ref, out_ref,
                  *, be, g_off, g4, nrel, units):
    i = pl.program_id(0)
    xs = []
    for aa, d_ref in enumerate((d0_ref, d1_ref, d2_ref, d3_ref)):
        et = et_ref[pl.ds((g_off + aa * g4 + i) * be, be)][None, :]
        oh = (lax.broadcasted_iota(jnp.int32, (nrel, be), 0)
              == et).astype(_BF16)
        coefwide = lax.dot_general(oh, cwide_ref[...],
                                   (((0,), (0,)), ((), ())),
                                   preferred_element_type=_F32)
        h = jnp.dot(d_ref[...].astype(_BF16), wcat_ref[...],
                    preferred_element_type=_F32)
        xw = (coefwide * h).astype(_BF16)
        xs.append(jnp.dot(xw, fold_ref[...], preferred_element_type=_F32))
    out_ref[...] = jnp.concatenate(xs, axis=1)


def _messages(etype, dst, cwide, wcat, fold, *, be, g_off, g_cnt):
    e, in_dim = dst.shape
    g4 = g_cnt // 4
    nrel, bw = cwide.shape
    units = fold.shape[1]
    body = functools.partial(_message_body, be=be, g_off=g_off, g4=g4,
                             nrel=nrel, units=units)
    dspec = [pl.BlockSpec((be, in_dim),
                          lambda i, aa=aa, g4=g4: (g_off + aa * g4 + i, 0))
             for aa in range(4)]
    return pl.pallas_call(
        body,
        grid=(g4,),
        in_specs=[pl.BlockSpec((e,), lambda i: (0,))] + dspec + [
            pl.BlockSpec((nrel, bw), lambda i: (0, 0)),
            pl.BlockSpec((in_dim, bw), lambda i: (0, 0)),
            pl.BlockSpec((bw, units), lambda i: (0, 0)),
        ],
        out_specs=pl.BlockSpec((be, 4 * units), lambda i: (i, 0)),
        out_shape=jax.ShapeDtypeStruct((g_cnt * be // 4, 4 * units), _F32),
    )(etype, dst, dst, dst, dst, cwide, wcat, fold)


def _segment_partials(packed, seg, n_pad, *, batch, nb, e_off):
    e4, lanes = packed.shape
    e = e4 * 4
    units = lanes // 4
    nc, ns = 2, 16
    nw = nc * ns
    epw = e // nw
    ch = batch * nb
    nchunk = epw // ch
    stripe = n_pad // ns
    mesh = plsc.VectorSubcoreMesh(core_axis_name="c", subcore_axis_name="s")

    def body(x_hbm, seg_hbm, out_hbm, cnt_hbm,
             rows0, rows1, idx_v, zbuf, ones_v, acc_sh, cnt_sh, sem_g, sem_s):
        cid = lax.axis_index("c")
        sid = lax.axis_index("s")
        wid = sid * nc + cid
        lane_a = wid // 8
        row_j = wid % 8

        def zrow(r, carry):
            for k in range(units // 16):
                zbuf[r, pl.ds(k * 16, 16)] = jnp.zeros((16,), _F32)
            return carry
        lax.fori_loop(0, stripe, zrow, None)

        def orow(r, carry):
            for k in range(units // 16):
                ones_v[r, pl.ds(k * 16, 16)] = jnp.ones((16,), _F32)
            return carry
        lax.fori_loop(0, batch, orow, None)

        pltpu.sync_copy(zbuf, acc_sh.at[pl.ds(sid * stripe, stripe), :])
        pltpu.sync_copy(zbuf, cnt_sh.at[pl.ds(sid * stripe, stripe), :])
        pltpu.sync_copy(seg_hbm.at[pl.ds(e_off + wid * epw, epw)], idx_v)
        plsc.subcore_barrier()

        def xsrc(c):
            return x_hbm.at[pl.ds(row_j * epw + c * ch, ch),
                            pl.ds(lane_a * units, units)]

        rows = (rows0, rows1)
        pltpu.async_copy(xsrc(0), rows0, sem_g)

        def drain(c):
            for jj in range(2):
                @pl.when(c % 2 == jj)
                def _():
                    for bq in range(nb):
                        ids = idx_v.at[pl.ds((c * nb + bq) * batch, batch)]
                        pltpu.make_async_copy(
                            rows[jj].at[pl.ds(bq * batch, batch), :],
                            acc_sh.at[ids], sem_s).wait()
                        pltpu.make_async_copy(ones_v, cnt_sh.at[ids],
                                              sem_s).wait()

        def chunk(c, carry):
            for jj in range(2):
                @pl.when(c % 2 == jj)
                def _():
                    buf = rows[jj]
                    pltpu.make_async_copy(xsrc(c), buf, sem_g).wait()

                    @pl.when(c >= 1)
                    def _():
                        drain(c - 1)

                    @pl.when(c + 1 < nchunk)
                    def _():
                        pltpu.async_copy(xsrc(c + 1), rows[1 - jj], sem_g)

                    for bq in range(nb):
                        ids = idx_v.at[pl.ds((c * nb + bq) * batch, batch)]
                        pltpu.async_copy(buf.at[pl.ds(bq * batch, batch), :],
                                         acc_sh.at[ids], sem_s, add=True)
                        pltpu.async_copy(ones_v, cnt_sh.at[ids], sem_s,
                                         add=True)
            return carry
        lax.fori_loop(0, nchunk, chunk, None)
        drain(nchunk - 1)
        plsc.subcore_barrier()

        pltpu.sync_copy(acc_sh.at[pl.ds(sid * stripe, stripe), :],
                        out_hbm.at[cid, pl.ds(sid * stripe, stripe), :])
        pltpu.sync_copy(cnt_sh.at[pl.ds(sid * stripe, stripe), :],
                        cnt_hbm.at[cid, pl.ds(sid * stripe, stripe), :])

    fn = pl.kernel(
        body,
        out_type=(jax.ShapeDtypeStruct((nc, n_pad, units), _F32),
                  jax.ShapeDtypeStruct((nc, n_pad, units), _F32)),
        mesh=mesh,
        scratch_types=[
            pltpu.VMEM((ch, units), _F32),
            pltpu.VMEM((ch, units), _F32),
            pltpu.VMEM((epw,), jnp.int32),
            pltpu.VMEM((stripe, units), _F32),
            pltpu.VMEM((batch, units), _F32),
            pltpu.VMEM_SHARED((n_pad, units), _F32),
            pltpu.VMEM_SHARED((n_pad, units), _F32),
            pltpu.SemaphoreType.DMA,
            pltpu.SemaphoreType.DMA,
        ],
        compiler_params=pltpu.CompilerParams(use_tc_tiling_on_sc=False),
    )
    return fn(packed, seg)


def _final_body(pa_ref, pb_ref, ca_ref, cb_ref, srcq_ref, w4_ref, b4_ref,
                out_ref, *, nq):
    sp = pa_ref[0] + pa_ref[1] + pb_ref[0] + pb_ref[1]
    cp = ca_ref[0] + ca_ref[1] + cb_ref[0] + cb_ref[1]
    mean = jnp.where(cp > 0, sp / jnp.maximum(cp, 1.0), 0.0)[0:nq]
    res = jnp.dot(srcq_ref[...], w4_ref[...], preferred_element_type=_F32)
    out_ref[...] = jnp.maximum(mean + res + b4_ref[...], 0.0)


def _finalize(pa, pb, ca, cb, srcq, w4, b4):
    nq = srcq.shape[0]
    body = functools.partial(_final_body, nq=nq)
    return pl.pallas_call(
        body,
        out_shape=jax.ShapeDtypeStruct((nq, w4.shape[1]), _F32),
    )(pa, pb, ca, cb, srcq, w4, b4)


def kernel(src, etype, dst, segment_ids, w, coefficients, w0, b):
    n, in_dim = src.shape
    e = dst.shape[0]
    nbasis, _, units = w.shape
    nrel = coefficients.shape[0]
    bw = nbasis * units

    coef_table = coefficients[:, :, 0, 0]
    cwide = jnp.repeat(coef_table, units, axis=1).astype(_BF16)
    wcat = jnp.transpose(w, (1, 0, 2)).reshape(in_dim, bw).astype(_BF16)
    fold = (jnp.arange(bw)[:, None] % units
            == jnp.arange(units)[None, :]).astype(_BF16)

    be = 3200
    batch, nb = 80, 5
    n_pad = ((n + 511) // 512) * 512
    g = e // be
    g_a = (3 * g // 5 + 3) // 4 * 4
    e_a = g_a * be
    packed_a = _messages(etype, dst, cwide, wcat, fold,
                         be=be, g_off=0, g_cnt=g_a)
    pa, ca = _segment_partials(packed_a, segment_ids, n_pad,
                               batch=batch, nb=nb, e_off=0)
    packed_b = _messages(etype, dst, cwide, wcat, fold,
                         be=be, g_off=g_a, g_cnt=g - g_a)
    pb, cb = _segment_partials(packed_b, segment_ids, n_pad,
                               batch=batch, nb=nb, e_off=e_a)

    npq = n_pad // 4
    srcq = src.reshape(n // 4, 4 * in_dim)
    w4 = jnp.kron(jnp.eye(4, dtype=_F32), w0)
    b4 = jnp.tile(b, 4).reshape(1, 4 * units)
    out_p = _finalize(pa.reshape(2, npq, 4 * units),
                      pb.reshape(2, npq, 4 * units),
                      ca.reshape(2, npq, 4 * units),
                      cb.reshape(2, npq, 4 * units), srcq, w4, b4)
    return out_p.reshape(n, units)

# --- scband reference (transcript-rebuilt; emitter-appended) ---
"""Pipeline reference for scband-rgcnconv-69080253988972 (READ-ONLY COPY).

The authoritative reference and input builder live on the scoring server;
editing this copy changes nothing except your own understanding.
"""

import jax, jax.numpy as jnp
import numpy as np

N_NODES = 10000
N_EDGES = 320000
IN_DIM = 128
UNITS = 32
NUM_REL = 8
NUM_BASIS = 4


def setup_inputs(seed: int = 0) -> dict:
    key = jax.random.key(seed)
    ks = jax.random.split(key, 8)
    src = jax.random.normal(ks[0], (N_NODES, IN_DIM), dtype=jnp.float32)
    dst = jax.random.normal(ks[1], (N_EDGES, IN_DIM), dtype=jnp.float32)
    etype = jax.random.randint(ks[2], (N_EDGES,), 0, NUM_REL, dtype=jnp.int32)
    segment_ids = jnp.sort(jax.random.randint(ks[3], (N_EDGES,), 0, N_NODES, dtype=jnp.int32))
    # learned parameters (keras 'random_normal' initializer ~ stddev 0.05)
    w = jax.random.normal(ks[4], (NUM_BASIS, IN_DIM, UNITS), dtype=jnp.float32) * 0.05
    coefficients = jax.random.normal(ks[5], (NUM_REL, NUM_BASIS, 1, 1), dtype=jnp.float32) * 0.05
    w0 = jax.random.normal(ks[6], (IN_DIM, UNITS), dtype=jnp.float32) * 0.05
    b = jnp.zeros((UNITS,), dtype=jnp.float32)
    return {"src": src, "etype": etype, "dst": dst, "segment_ids": segment_ids,
            "w": w, "coefficients": coefficients, "w0": w0, "b": b}


def reference(src, etype, dst, segment_ids, w, coefficients, w0, b):
    # basis regularizing: W_r = sum_b a_{rb} V_b ; per-edge message m_e = dst_e @ W_{etype_e}
    # TF code materializes w_e = sum_b coef[e,b]*V_b -> [E,in,out] then contracts with dst.
    # Mathematically identical (reassociated to avoid the E*in*out intermediate):
    # m_e = sum_b coef[e,b] * (dst_e @ V_b)
    coef = jnp.take(coefficients, etype, axis=0)[:, :, 0, 0]  # [E, B] (embedding lookup + squeeze)
    h = jnp.einsum('ei,bio->ebo', dst, w)                      # [E, B, units]
    x = jnp.einsum('eb,ebo->eo', coef, h)                      # [E, units]
    # tf.math.segment_mean over sorted segment_ids (empty segments -> 0)
    sums = jax.ops.segment_sum(x, segment_ids, num_segments=N_NODES)
    counts = jax.ops.segment_sum(jnp.ones((x.shape[0],), x.dtype), segment_ids, num_segments=N_NODES)
    mean = jnp.where(counts[:, None] > 0, sums / jnp.maximum(counts[:, None], 1.0), 0.0)
    out = mean + src @ w0
    out = out + b
    return jax.nn.relu(out)

if __name__ == "__main__":
    import jax
    _d = setup_inputs()
    print(jax.jit(kernel)(*tuple(_d.values())))

</pallas_src>

<mosaic_0001>
#map = affine_map<(d0, d1) -> (0, 0)>
#map1 = affine_map<(d0, d1) -> (0)>
#map2 = affine_map<(d0, d1) -> (0, 0, 0)>
module attributes {stable_mosaic.version = 14 : i64} {
  func.func @body(%arg0: i32, %arg1: i32, %arg2: memref<32000x128xf32, #tpu.memory_space<hbm>>, %arg3: memref<320000xi32, #tpu.memory_space<hbm>>, %arg4: memref<2x10240x32xf32, #tpu.memory_space<hbm>>, %arg5: memref<2x10240x32xf32, #tpu.memory_space<hbm>>, %arg6: memref<400x32xf32, #tpu.memory_space<vmem>>, %arg7: memref<400x32xf32, #tpu.memory_space<vmem>>, %arg8: memref<4000xi32, #tpu.memory_space<vmem>>, %arg9: memref<640x32xf32, #tpu.memory_space<vmem>>, %arg10: memref<80x32xf32, #tpu.memory_space<vmem>>, %arg11: memref<10240x32xf32, #tpu.memory_space<vmem_shared>>, %arg12: memref<10240x32xf32, #tpu.memory_space<vmem_shared>>, %arg13: memref<!tpu.dma_semaphore, #tpu.memory_space<semaphore_mem>>, %arg14: memref<!tpu.dma_semaphore, #tpu.memory_space<semaphore_mem>>) attributes {dimension_semantics = [#tpu.dimension_semantics<core_parallel>, #tpu.dimension_semantics<subcore_parallel>], iteration_bounds = array<i64: 2, 16>, scalar_prefetch = 0 : i64, scratch_operands = 9 : i64, tpu.core_type = #tpu.core_type<sc_vector_subcore>, window_params = [{transform_indices = #map}, {transform_indices = #map1}, {transform_indices = #map2}, {transform_indices = #map2}]} {
    %mul3A = arith.constant 2 : i32
    %mul3A_0 = arith.muli %arg1, %mul3A : i32
    %add3A = arith.addi %mul3A_0, %arg0 : i32
    %jit3A = arith.constant 8 : i32
    %div3A = arith.divsi %add3A, %jit3A : i32
    %sign3A = arith.constant 0 : i32
    %sign3A_1 = arith.cmpi sgt, %add3A, %sign3A : i32
    %sign3A_2 = arith.extui %sign3A_1 : i1 to i32
    %sign3A_3 = arith.constant 0 : i32
    %sign3A_4 = arith.cmpi slt, %add3A, %sign3A_3 : i32
    %sign3A_5 = arith.extui %sign3A_4 : i1 to i32
    %sign3A_6 = arith.subi %sign3A_2, %sign3A_5 : i32
    %sign3A_7 = arith.constant 0 : i32
    %sign3A_8 = arith.cmpi sgt, %jit3A, %sign3A_7 : i32
    %sign3A_9 = arith.extui %sign3A_8 : i1 to i32
    %sign3A_10 = arith.constant 0 : i32
    %sign3A_11 = arith.cmpi slt, %jit3A, %sign3A_10 : i32
    %sign3A_12 = arith.extui %sign3A_11 : i1 to i32
    %sign3A_13 = arith.subi %sign3A_9, %sign3A_12 : i32
    %ne3A = arith.cmpi ne, %sign3A_6, %sign3A_13 : i32
    %rem3A = arith.remsi %add3A, %jit3A : i32
    %ne3A_14 = arith.constant 0 : i32
    %ne3A_15 = arith.cmpi ne, %rem3A, %ne3A_14 : i32
    %and3A = arith.andi %ne3A, %ne3A_15 : i1
    %sub3A = arith.constant 1 : i32
    %sub3A_16 = arith.subi %div3A, %sub3A : i32
    %select_n3A = arith.select %and3A, %sub3A_16, %div3A : i32
    %jit3A_17 = arith.constant 8 : i32
    %eq3A = arith.constant 0 : i32
    %eq3A_18 = arith.cmpi eq, %jit3A_17, %eq3A : i32
    %jit3A_19 = arith.constant 1 : i32
    %select_n3A_20 = arith.select %eq3A_18, %jit3A_19, %jit3A_17 : i32
    %rem3A_21 = arith.remsi %add3A, %select_n3A_20 : i32
    %ne3A_22 = arith.constant 0 : i32
    %ne3A_23 = arith.cmpi ne, %rem3A_21, %ne3A_22 : i32
    %lt3A = arith.constant 0 : i32
    %lt3A_24 = arith.cmpi slt, %rem3A_21, %lt3A : i32
    %lt3A_25 = arith.constant 0 : i32
    %lt3A_26 = arith.cmpi slt, %select_n3A_20, %lt3A_25 : i32
    %ne3A_27 = arith.xori %lt3A_24, %lt3A_26 : i1
    %and3A_28 = arith.andi %ne3A_27, %ne3A_23 : i1
    %add3A_29 = arith.addi %rem3A_21, %select_n3A_20 : i32
    %select_n3A_30 = arith.select %and3A_28, %add3A_29, %rem3A_21 : i32
    %scan3A = arith.constant 0 : i32
    %scan3A_31 = arith.constant 640 : i32
    %scan3A_32 = arith.addi %scan3A, %scan3A_31 : i32
    %scan3A_33 = arith.constant 1 : i32
    scf.for %scan3A_133 = %scan3A to %scan3A_32 step %scan3A_33  : i32 {
      %broadcast_in_dim3A = arith.constant 0.000000e+00 : f32
      %broadcast_in_dim3A_134 = vector.broadcast %broadcast_in_dim3A : f32 to vector<16xf32>
      %swap3A = arith.index_cast %scan3A_133 : i32 to index
      %swap3A_135 = arith.constant 0 : index
      %swap3A_136 = tpu.vector_load %arg9[%swap3A, %swap3A_135] {strides = array<i32>} : memref<640x32xf32, #tpu.memory_space<vmem>>, vector<1x16xf32>,
      %swap3A_137 = vector.shape_cast %swap3A_136 : vector<1x16xf32> to vector<16xf32>
      %swap3A_138 = vector.shape_cast %broadcast_in_dim3A_134 : vector<16xf32> to vector<1x16xf32>
      tpu.vector_store %arg9[%swap3A, %swap3A_135], %swap3A_138 {strides = array<i32>} : memref<640x32xf32, #tpu.memory_space<vmem>>, vector<1x16xf32>,
      %broadcast_in_dim3A_139 = arith.constant 0.000000e+00 : f32
      %broadcast_in_dim3A_140 = vector.broadcast %broadcast_in_dim3A_139 : f32 to vector<16xf32>
      %swap3A_141 = arith.index_cast %scan3A_133 : i32 to index
      %swap3A_142 = arith.constant 16 : index
      %swap3A_143 = tpu.vector_load %arg9[%swap3A_141, %swap3A_142] {strides = array<i32>} : memref<640x32xf32, #tpu.memory_space<vmem>>, vector<1x16xf32>,
      %swap3A_144 = vector.shape_cast %swap3A_143 : vector<1x16xf32> to vector<16xf32>
      %swap3A_145 = vector.shape_cast %broadcast_in_dim3A_140 : vector<16xf32> to vector<1x16xf32>
      tpu.vector_store %arg9[%swap3A_141, %swap3A_142], %swap3A_145 {strides = array<i32>} : memref<640x32xf32, #tpu.memory_space<vmem>>, vector<1x16xf32>,
    }
    %scan3A_34 = arith.constant 640 : i32
    %scan3A_35 = arith.constant 0 : i32
    %scan3A_36 = arith.constant 80 : i32
    %scan3A_37 = arith.addi %scan3A_35, %scan3A_36 : i32
    %scan3A_38 = arith.constant 1 : i32
    scf.for %scan3A_133 = %scan3A_35 to %scan3A_37 step %scan3A_38  : i32 {
      %broadcast_in_dim3A = arith.constant 1.000000e+00 : f32
      %broadcast_in_dim3A_134 = vector.broadcast %broadcast_in_dim3A : f32 to vector<16xf32>
      %swap3A = arith.index_cast %scan3A_133 : i32 to index
      %swap3A_135 = arith.constant 0 : index
      %swap3A_136 = tpu.vector_load %arg10[%swap3A, %swap3A_135] {strides = array<i32>} : memref<80x32xf32, #tpu.memory_space<vmem>>, vector<1x16xf32>,
      %swap3A_137 = vector.shape_cast %swap3A_136 : vector<1x16xf32> to vector<16xf32>
      %swap3A_138 = vector.shape_cast %broadcast_in_dim3A_134 : vector<16xf32> to vector<1x16xf32>
      tpu.vector_store %arg10[%swap3A, %swap3A_135], %swap3A_138 {strides = array<i32>} : memref<80x32xf32, #tpu.memory_space<vmem>>, vector<1x16xf32>,
      %broadcast_in_dim3A_139 = arith.constant 1.000000e+00 : f32
      %broadcast_in_dim3A_140 = vector.broadcast %broadcast_in_dim3A_139 : f32 to vector<16xf32>
      %swap3A_141 = arith.index_cast %scan3A_133 : i32 to index
      %swap3A_142 = arith.constant 16 : index
      %swap3A_143 = tpu.vector_load %arg10[%swap3A_141, %swap3A_142] {strides = array<i32>} : memref<80x32xf32, #tpu.memory_space<vmem>>, vector<1x16xf32>,
      %swap3A_144 = vector.shape_cast %swap3A_143 : vector<1x16xf32> to vector<16xf32>
      %swap3A_145 = vector.shape_cast %broadcast_in_dim3A_140 : vector<16xf32> to vector<1x16xf32>
      tpu.vector_store %arg10[%swap3A_141, %swap3A_142], %swap3A_145 {strides = array<i32>} : memref<80x32xf32, #tpu.memory_space<vmem>>, vector<1x16xf32>,
    }
    %scan3A_39 = arith.constant 80 : i32
    %mul3A_40 = arith.constant 640 : i32
    %mul3A_41 = arith.muli %arg1, %mul3A_40 : i32
    "tpu.region"() ({
      %run_scoped3A = tpu.sem_alloc : memref<!tpu.dma_semaphore, #tpu.memory_space<semaphore_mem>>
      %dma_start3A_133 = arith.constant 0 : i32
      %dma_start3A_134 = tpu.memref_slice %arg11[%mul3A_41, %dma_start3A_133] : memref<10240x32xf32, #tpu.memory_space<vmem_shared>> -> memref<640x32xf32, #tpu.memory_space<vmem_shared>>
      %dma_start3A_135 = arith.constant 0 : i32
      %dma_start3A_136 = tpu.memref_slice %arg11[%mul3A_41, %dma_start3A_135] : memref<10240x32xf32, #tpu.memory_space<vmem_shared>> -> memref<640x32xf32, #tpu.memory_space<vmem_shared>>
      tpu.enqueue_dma source(%arg9 : memref<640x32xf32, #tpu.memory_space<vmem>>) target(%dma_start3A_136 : memref<640x32xf32, #tpu.memory_space<vmem_shared>>) target_semaphore(%run_scoped3A : memref<!tpu.dma_semaphore, #tpu.memory_space<semaphore_mem>>)
      %dma_wait3A_137 = arith.constant 0 : i32
      %dma_wait3A_138 = tpu.memref_slice %arg11[%mul3A_41, %dma_wait3A_137] : memref<10240x32xf32, #tpu.memory_space<vmem_shared>> -> memref<640x32xf32, #tpu.memory_space<vmem_shared>>
      %dma_wait3A_139 = arith.constant 0 : i32
      %dma_wait3A_140 = tpu.memref_slice %arg11[%mul3A_41, %dma_wait3A_139] : memref<10240x32xf32, #tpu.memory_space<vmem_shared>> -> memref<640x32xf32, #tpu.memory_space<vmem_shared>>
      tpu.wait_dma2 semaphore(%run_scoped3A : memref<!tpu.dma_semaphore, #tpu.memory_space<semaphore_mem>>) src(%arg9 : memref<640x32xf32, #tpu.memory_space<vmem>>) dst(%dma_wait3A_140 : memref<640x32xf32, #tpu.memory_space<vmem_shared>>)
      tpu.yield
    }) : () -> ()
    %mul3A_42 = arith.constant 640 : i32
    %mul3A_43 = arith.muli %arg1, %mul3A_42 : i32
    "tpu.region"() ({
      %run_scoped3A = tpu.sem_alloc : memref<!tpu.dma_semaphore, #tpu.memory_space<semaphore_mem>>
      %dma_start3A_133 = arith.constant 0 : i32
      %dma_start3A_134 = tpu.memref_slice %arg12[%mul3A_43, %dma_start3A_133] : memref<10240x32xf32, #tpu.memory_space<vmem_shared>> -> memref<640x32xf32, #tpu.memory_space<vmem_shared>>
      %dma_start3A_135 = arith.constant 0 : i32
      %dma_start3A_136 = tpu.memref_slice %arg12[%mul3A_43, %dma_start3A_135] : memref<10240x32xf32, #tpu.memory_space<vmem_shared>> -> memref<640x32xf32, #tpu.memory_space<vmem_shared>>
      tpu.enqueue_dma source(%arg9 : memref<640x32xf32, #tpu.memory_space<vmem>>) target(%dma_start3A_136 : memref<640x32xf32, #tpu.memory_space<vmem_shared>>) target_semaphore(%run_scoped3A : memref<!tpu.dma_semaphore, #tpu.memory_space<semaphore_mem>>)
      %dma_wait3A_137 = arith.constant 0 : i32
      %dma_wait3A_138 = tpu.memref_slice %arg12[%mul3A_43, %dma_wait3A_137] : memref<10240x32xf32, #tpu.memory_space<vmem_shared>> -> memref<640x32xf32, #tpu.memory_space<vmem_shared>>
      %dma_wait3A_139 = arith.constant 0 : i32
      %dma_wait3A_140 = tpu.memref_slice %arg12[%mul3A_43, %dma_wait3A_139] : memref<10240x32xf32, #tpu.memory_space<vmem_shared>> -> memref<640x32xf32, #tpu.memory_space<vmem_shared>>
      tpu.wait_dma2 semaphore(%run_scoped3A : memref<!tpu.dma_semaphore, #tpu.memory_space<semaphore_mem>>) src(%arg9 : memref<640x32xf32, #tpu.memory_space<vmem>>) dst(%dma_wait3A_140 : memref<640x32xf32, #tpu.memory_space<vmem_shared>>)
      tpu.yield
    }) : () -> ()
    %mul3A_44 = arith.constant 4000 : i32
    %mul3A_45 = arith.muli %add3A, %mul3A_44 : i32
    %add3A_46 = arith.constant 192000 : i32
    %add3A_47 = arith.addi %add3A_46, %mul3A_45 : i32
    "tpu.region"() ({
      %run_scoped3A = tpu.sem_alloc : memref<!tpu.dma_semaphore, #tpu.memory_space<semaphore_mem>>
      %dma_start3A_133 = tpu.memref_slice %arg3[%add3A_47] : memref<320000xi32, #tpu.memory_space<hbm>> -> memref<4000xi32, #tpu.memory_space<hbm>>
      %dma_start3A_134 = tpu.memref_slice %arg3[%add3A_47] : memref<320000xi32, #tpu.memory_space<hbm>> -> memref<4000xi32, #tpu.memory_space<hbm>>
      tpu.enqueue_dma source(%dma_start3A_134 : memref<4000xi32, #tpu.memory_space<hbm>>) target(%arg8 : memref<4000xi32, #tpu.memory_space<vmem>>) target_semaphore(%run_scoped3A : memref<!tpu.dma_semaphore, #tpu.memory_space<semaphore_mem>>)
      %dma_wait3A_135 = tpu.memref_slice %arg3[%add3A_47] : memref<320000xi32, #tpu.memory_space<hbm>> -> memref<4000xi32, #tpu.memory_space<hbm>>
      %dma_wait3A_136 = tpu.memref_slice %arg3[%add3A_47] : memref<320000xi32, #tpu.memory_space<hbm>> -> memref<4000xi32, #tpu.memory_space<hbm>>
      tpu.wait_dma2 semaphore(%run_scoped3A : memref<!tpu.dma_semaphore, #tpu.memory_space<semaphore_mem>>) src(%dma_wait3A_136 : memref<4000xi32, #tpu.memory_space<hbm>>) dst(%arg8 : memref<4000xi32, #tpu.memory_space<vmem>>)
      tpu.yield
    }) : () -> ()
    %barrier3A = arith.constant 0 : index
    tpu.barrier barrier_id(%barrier3A)
    %mul3A_48 = arith.constant 4000 : i32
    %mul3A_49 = arith.muli %select_n3A_30, %mul3A_48 : i32
    %add3A_50 = arith.constant 0 : i32
    %add3A_51 = arith.addi %mul3A_49, %add3A_50 : i32
    %mul3A_52 = arith.constant 32 : i32
    %mul3A_53 = arith.muli %select_n3A, %mul3A_52 : i32
    %dma_start3A = tpu.memref_slice %arg2[%add3A_51, %mul3A_53] : memref<32000x128xf32, #tpu.memory_space<hbm>> -> memref<400x32xf32, #tpu.memory_space<hbm>>
    %dma_start3A_54 = tpu.memref_slice %arg2[%add3A_51, %mul3A_53] : memref<32000x128xf32, #tpu.memory_space<hbm>> -> memref<400x32xf32, #tpu.memory_space<hbm>>
    tpu.enqueue_dma source(%dma_start3A_54 : memref<400x32xf32, #tpu.memory_space<hbm>>) target(%arg6 : memref<400x32xf32, #tpu.memory_space<vmem>>) target_semaphore(%arg13 : memref<!tpu.dma_semaphore, #tpu.memory_space<semaphore_mem>>)
    %scan3A_55 = arith.constant 0 : i32
    %scan3A_56 = arith.constant 10 : i32
    %scan3A_57 = arith.addi %scan3A_55, %scan3A_56 : i32
    %scan3A_58 = arith.constant 1 : i32
    scf.for %scan3A_133 = %scan3A_55 to %scan3A_57 step %scan3A_58  : i32 {
      %jit3A_134 = arith.constant 2 : i32
      %eq3A_135 = arith.constant 0 : i32
      %eq3A_136 = arith.cmpi eq, %jit3A_134, %eq3A_135 : i32
      %jit3A_137 = arith.constant 1 : i32
      %select_n3A_138 = arith.select %eq3A_136, %jit3A_137, %jit3A_134 : i32
      %rem3A_139 = arith.remsi %scan3A_133, %select_n3A_138 : i32
      %ne3A_140 = arith.constant 0 : i32
      %ne3A_141 = arith.cmpi ne, %rem3A_139, %ne3A_140 : i32
      %lt3A_142 = arith.constant 0 : i32
      %lt3A_143 = arith.cmpi slt, %rem3A_139, %lt3A_142 : i32
      %lt3A_144 = arith.constant 0 : i32
      %lt3A_145 = arith.cmpi slt, %select_n3A_138, %lt3A_144 : i32
      %ne3A_146 = arith.xori %lt3A_143, %lt3A_145 : i1
      %and3A_147 = arith.andi %ne3A_146, %ne3A_141 : i1
      %add3A_148 = arith.addi %rem3A_139, %select_n3A_138 : i32
      %select_n3A_149 = arith.select %and3A_147, %add3A_148, %rem3A_139 : i32
      %eq3A_150 = arith.constant 0 : i32
      %eq3A_151 = arith.cmpi eq, %select_n3A_149, %eq3A_150 : i32
      %convert_element_type3A = arith.extui %eq3A_151 : i1 to i32
      %cond3A = arith.constant 0 : i32
      %cond3A_152 = arith.cmpi ne, %convert_element_type3A, %cond3A : i32
      scf.if %cond3A_152 {
        %mul3A_174 = arith.constant 4000 : i32
        %mul3A_175 = arith.muli %select_n3A_30, %mul3A_174 : i32
        %mul3A_176 = arith.constant 400 : i32
        %mul3A_177 = arith.muli %scan3A_133, %mul3A_176 : i32
        %add3A_178 = arith.addi %mul3A_175, %mul3A_177 : i32
        %mul3A_179 = arith.constant 32 : i32
        %mul3A_180 = arith.muli %select_n3A, %mul3A_179 : i32
        %dma_wait3A_181 = tpu.memref_slice %arg2[%add3A_178, %mul3A_180] : memref<32000x128xf32, #tpu.memory_space<hbm>> -> memref<400x32xf32, #tpu.memory_space<hbm>>
        %dma_wait3A_182 = tpu.memref_slice %arg2[%add3A_178, %mul3A_180] : memref<32000x128xf32, #tpu.memory_space<hbm>> -> memref<400x32xf32, #tpu.memory_space<hbm>>
        tpu.wait_dma2 semaphore(%arg13 : memref<!tpu.dma_semaphore, #tpu.memory_space<semaphore_mem>>) src(%dma_wait3A_182 : memref<400x32xf32, #tpu.memory_space<hbm>>) dst(%arg6 : memref<400x32xf32, #tpu.memory_space<vmem>>)
        %ge3A = arith.constant 1 : i32
        %ge3A_183 = arith.cmpi sge, %scan3A_133, %ge3A : i32
        %convert_element_type3A_184 = arith.extui %ge3A_183 : i1 to i32
        %cond3A_185 = arith.constant 0 : i32
        %cond3A_186 = arith.cmpi ne, %convert_element_type3A_184, %cond3A_185 : i32
        scf.if %cond3A_186 {
          %sub3A_279 = arith.constant 1 : i32
          %sub3A_280 = arith.subi %scan3A_133, %sub3A_279 : i32
          %jit3A_281 = arith.constant 2 : i32
          %eq3A_282 = arith.constant 0 : i32
          %eq3A_283 = arith.cmpi eq, %jit3A_281, %eq3A_282 : i32
          %jit3A_284 = arith.constant 1 : i32
          %select_n3A_285 = arith.select %eq3A_283, %jit3A_284, %jit3A_281 : i32
          %rem3A_286 = arith.remsi %sub3A_280, %select_n3A_285 : i32
          %ne3A_287 = arith.constant 0 : i32
          %ne3A_288 = arith.cmpi ne, %rem3A_286, %ne3A_287 : i32
          %lt3A_289 = arith.constant 0 : i32
          %lt3A_290 = arith.cmpi slt, %rem3A_286, %lt3A_289 : i32
          %lt3A_291 = arith.constant 0 : i32
          %lt3A_292 = arith.cmpi slt, %select_n3A_285, %lt3A_291 : i32
          %ne3A_293 = arith.xori %lt3A_290, %lt3A_292 : i1
          %and3A_294 = arith.andi %ne3A_293, %ne3A_288 : i1
          %add3A_295 = arith.addi %rem3A_286, %select_n3A_285 : i32
          %select_n3A_296 = arith.select %and3A_294, %add3A_295, %rem3A_286 : i32
          %eq3A_297 = arith.constant 0 : i32
          %eq3A_298 = arith.cmpi eq, %select_n3A_296, %eq3A_297 : i32
          %convert_element_type3A_299 = arith.extui %eq3A_298 : i1 to i32
          %cond3A_300 = arith.constant 0 : i32
          %cond3A_301 = arith.cmpi ne, %convert_element_type3A_299, %cond3A_300 : i32
          scf.if %cond3A_301 {
            %mul3A_323 = arith.constant 5 : i32
            %mul3A_324 = arith.muli %sub3A_280, %mul3A_323 : i32
            %add3A_325 = arith.constant 0 : i32
            %add3A_326 = arith.addi %mul3A_324, %add3A_325 : i32
            %mul3A_327 = arith.constant 80 : i32
            %mul3A_328 = arith.muli %add3A_326, %mul3A_327 : i32
            %dma_wait3A_329 = arith.constant 0 : i32
            %dma_wait3A_330 = arith.constant 0 : i32
            %dma_wait3A_331 = tpu.memref_slice %arg6[%dma_wait3A_329, %dma_wait3A_330] : memref<400x32xf32, #tpu.memory_space<vmem>> -> memref<80x32xf32, #tpu.memory_space<vmem>>
            %dma_wait3A_332 = tpu.memref_slice %arg8[%mul3A_328] : memref<4000xi32, #tpu.memory_space<vmem>> -> memref<80xi32, #tpu.memory_space<vmem>>
            %dma_wait3A_333 = arith.constant 0 : i32
            %dma_wait3A_334 = arith.constant 0 : i32
            %dma_wait3A_335 = tpu.memref_slice %arg11[%dma_wait3A_333, %dma_wait3A_334] : memref<10240x32xf32, #tpu.memory_space<vmem_shared>> -> memref<10240x32xf32, #tpu.memory_space<vmem_shared>>
            tpu.wait_indirect_dma semaphore(%arg14 : memref<!tpu.dma_semaphore, #tpu.memory_space<semaphore_mem>>) src(%dma_wait3A_331 : memref<80x32xf32, #tpu.memory_space<vmem>>) dst(%dma_wait3A_335 : memref<10240x32xf32, #tpu.memory_space<vmem_shared>>)
            %dma_wait3A_336 = tpu.memref_slice %arg8[%mul3A_328] : memref<4000xi32, #tpu.memory_space<vmem>> -> memref<80xi32, #tpu.memory_space<vmem>>
            %dma_wait3A_337 = arith.constant 0 : i32
            %dma_wait3A_338 = arith.constant 0 : i32
            %dma_wait3A_339 = tpu.memref_slice %arg12[%dma_wait3A_337, %dma_wait3A_338] : memref<10240x32xf32, #tpu.memory_space<vmem_shared>> -> memref<10240x32xf32, #tpu.memory_space<vmem_shared>>
            tpu.wait_indirect_dma semaphore(%arg14 : memref<!tpu.dma_semaphore, #tpu.memory_space<semaphore_mem>>) src(%arg10 : memref<80x32xf32, #tpu.memory_space<vmem>>) dst(%dma_wait3A_339 : memref<10240x32xf32, #tpu.memory_space<vmem_shared>>)
            %mul3A_340 = arith.constant 5 : i32
            %mul3A_341 = arith.muli %sub3A_280, %mul3A_340 : i32
            %add3A_342 = arith.constant 1 : i32
            %add3A_343 = arith.addi %mul3A_341, %add3A_342 : i32
            %mul3A_344 = arith.constant 80 : i32
            %mul3A_345 = arith.muli %add3A_343, %mul3A_344 : i32
            %dma_wait3A_346 = arith.constant 80 : i32
            %dma_wait3A_347 = arith.constant 0 : i32
            %dma_wait3A_348 = tpu.memref_slice %arg6[%dma_wait3A_346, %dma_wait3A_347] : memref<400x32xf32, #tpu.memory_space<vmem>> -> memref<80x32xf32, #tpu.memory_space<vmem>>
            %dma_wait3A_349 = tpu.memref_slice %arg8[%mul3A_345] : memref<4000xi32, #tpu.memory_space<vmem>> -> memref<80xi32, #tpu.memory_space<vmem>>
            %dma_wait3A_350 = arith.constant 0 : i32
            %dma_wait3A_351 = arith.constant 0 : i32
            %dma_wait3A_352 = tpu.memref_slice %arg11[%dma_wait3A_350, %dma_wait3A_351] : memref<10240x32xf32, #tpu.memory_space<vmem_shared>> -> memref<10240x32xf32, #tpu.memory_space<vmem_shared>>
            tpu.wait_indirect_dma semaphore(%arg14 : memref<!tpu.dma_semaphore, #tpu.memory_space<semaphore_mem>>) src(%dma_wait3A_348 : memref<80x32xf32, #tpu.memory_space<vmem>>) dst(%dma_wait3A_352 : memref<10240x32xf32, #tpu.memory_space<vmem_shared>>)
            %dma_wait3A_353 = tpu.memref_slice %arg8[%mul3A_345] : memref<4000xi32, #tpu.memory_space<vmem>> -> memref<80xi32, #tpu.memory_space<vmem>>
            %dma_wait3A_354 = arith.constant 0 : i32
            %dma_wait3A_355 = arith.constant 0 : i32
            %dma_wait3A_356 = tpu.memref_slice %arg12[%dma_wait3A_354, %dma_wait3A_355] : memref<10240x32xf32, #tpu.memory_space<vmem_shared>> -> memref<10240x32xf32, #tpu.memory_space<vmem_shared>>
            tpu.wait_indirect_dma semaphore(%arg14 : memref<!tpu.dma_semaphore, #tpu.memory_space<semaphore_mem>>) src(%arg10 : memref<80x32xf32, #tpu.memory_space<vmem>>) dst(%dma_wait3A_356 : memref<10240x32xf32, #tpu.memory_space<vmem_shared>>)
            %mul3A_357 = arith.constant 5 : i32
            %mul3A_358 = arith.muli %sub3A_280, %mul3A_357 : i32
            %add3A_359 = arith.constant 2 : i32
            %add3A_360 = arith.addi %mul3A_358, %add3A_359 : i32
            %mul3A_361 = arith.constant 80 : i32
            %mul3A_362 = arith.muli %add3A_360, %mul3A_361 : i32
            %dma_wait3A_363 = arith.constant 160 : i32
            %dma_wait3A_364 = arith.constant 0 : i32
            %dma_wait3A_365 = tpu.memref_slice %arg6[%dma_wait3A_363, %dma_wait3A_364] : memref<400x32xf32, #tpu.memory_space<vmem>> -> memref<80x32xf32, #tpu.memory_space<vmem>>
            %dma_wait3A_366 = tpu.memref_slice %arg8[%mul3A_362] : memref<4000xi32, #tpu.memory_space<vmem>> -> memref<80xi32, #tpu.memory_space<vmem>>
            %dma_wait3A_367 = arith.constant 0 : i32
            %dma_wait3A_368 = arith.constant 0 : i32
            %dma_wait3A_369 = tpu.memref_slice %arg11[%dma_wait3A_367, %dma_wait3A_368] : memref<10240x32xf32, #tpu.memory_space<vmem_shared>> -> memref<10240x32xf32, #tpu.memory_space<vmem_shared>>
            tpu.wait_indirect_dma semaphore(%arg14 : memref<!tpu.dma_semaphore, #tpu.memory_space<semaphore_mem>>) src(%dma_wait3A_365 : memref<80x32xf32, #tpu.memory_space<vmem>>) dst(%dma_wait3A_369 : memref<10240x32xf32, #tpu.memory_space<vmem_shared>>)
            %dma_wait3A_370 = tpu.memref_slice %arg8[%mul3A_362] : memref<4000xi32, #tpu.memory_space<vmem>> -> memref<80xi32, #tpu.memory_space<vmem>>
            %dma_wait3A_371 = arith.constant 0 : i32
            %dma_wait3A_372 = arith.constant 0 : i32
            %dma_wait3A_373 = tpu.memref_slice %arg12[%dma_wait3A_371, %dma_wait3A_372] : memref<10240x32xf32, #tpu.memory_space<vmem_shared>> -> memref<10240x32xf32, #tpu.memory_space<vmem_shared>>
            tpu.wait_indirect_dma semaphore(%arg14 : memref<!tpu.dma_semaphore, #tpu.memory_space<semaphore_mem>>) src(%arg10 : memref<80x32xf32, #tpu.memory_space<vmem>>) dst(%dma_wait3A_373 : memref<10240x32xf32, #tpu.memory_space<vmem_shared>>)
            %mul3A_374 = arith.constant 5 : i32
            %mul3A_375 = arith.muli %sub3A_280, %mul3A_374 : i32
            %add3A_376 = arith.constant 3 : i32
            %add3A_377 = arith.addi %mul3A_375, %add3A_376 : i32
            %mul3A_378 = arith.constant 80 : i32
            %mul3A_379 = arith.muli %add3A_377, %mul3A_378 : i32
            %dma_wait3A_380 = arith.constant 240 : i32
            %dma_wait3A_381 = arith.constant 0 : i32
            %dma_wait3A_382 = tpu.memref_slice %arg6[%dma_wait3A_380, %dma_wait3A_381] : memref<400x32xf32, #tpu.memory_space<vmem>> -> memref<80x32xf32, #tpu.memory_space<vmem>>
            %dma_wait3A_383 = tpu.memref_slice %arg8[%mul3A_379] : memref<4000xi32, #tpu.memory_space<vmem>> -> memref<80xi32, #tpu.memory_space<vmem>>
            %dma_wait3A_384 = arith.constant 0 : i32
            %dma_wait3A_385 = arith.constant 0 : i32
            %dma_wait3A_386 = tpu.memref_slice %arg11[%dma_wait3A_384, %dma_wait3A_385] : memref<10240x32xf32, #tpu.memory_space<vmem_shared>> -> memref<10240x32xf32, #tpu.memory_space<vmem_shared>>
            tpu.wait_indirect_dma semaphore(%arg14 : memref<!tpu.dma_semaphore, #tpu.memory_space<semaphore_mem>>) src(%dma_wait3A_382 : memref<80x32xf32, #tpu.memory_space<vmem>>) dst(%dma_wait3A_386 : memref<10240x32xf32, #tpu.memory_space<vmem_shared>>)
            %dma_wait3A_387 = tpu.memref_slice %arg8[%mul3A_379] : memref<4000xi32, #tpu.memory_space<vmem>> -> memref<80xi32, #tpu.memory_space<vmem>>
            %dma_wait3A_388 = arith.constant 0 : i32
            %dma_wait3A_389 = arith.constant 0 : i32
            %dma_wait3A_390 = tpu.memref_slice %arg12[%dma_wait3A_388, %dma_wait3A_389] : memref<10240x32xf32, #tpu.memory_space<vmem_shared>> -> memref<10240x32xf32, #tpu.memory_space<vmem_shared>>
            tpu.wait_indirect_dma semaphore(%arg14 : memref<!tpu.dma_semaphore, #tpu.memory_space<semaphore_mem>>) src(%arg10 : memref<80x32xf32, #tpu.memory_space<vmem>>) dst(%dma_wait3A_390 : memref<10240x32xf32, #tpu.memory_space<vmem_shared>>)
            %mul3A_391 = arith.constant 5 : i32
            %mul3A_392 = arith.muli %sub3A_280, %mul3A_391 : i32
            %add3A_393 = arith.constant 4 : i32
            %add3A_394 = arith.addi %mul3A_392, %add3A_393 : i32
            %mul3A_395 = arith.constant 80 : i32
            %mul3A_396 = arith.muli %add3A_394, %mul3A_395 : i32
            %dma_wait3A_397 = arith.constant 320 : i32
            %dma_wait3A_398 = arith.constant 0 : i32
            %dma_wait3A_399 = tpu.memref_slice %arg6[%dma_wait3A_397, %dma_wait3A_398] : memref<400x32xf32, #tpu.memory_space<vmem>> -> memref<80x32xf32, #tpu.memory_space<vmem>>
            %dma_wait3A_400 = tpu.memref_slice %arg8[%mul3A_396] : memref<4000xi32, #tpu.memory_space<vmem>> -> memref<80xi32, #tpu.memory_space<vmem>>
            %dma_wait3A_401 = arith.constant 0 : i32
            %dma_wait3A_402 = arith.constant 0 : i32
            %dma_wait3A_403 = tpu.memref_slice %arg11[%dma_wait3A_401, %dma_wait3A_402] : memref<10240x32xf32, #tpu.memory_space<vmem_shared>> -> memref<10240x32xf32, #tpu.memory_space<vmem_shared>>
            tpu.wait_indirect_dma semaphore(%arg14 : memref<!tpu.dma_semaphore, #tpu.memory_space<semaphore_mem>>) src(%dma_wait3A_399 : memref<80x32xf32, #tpu.memory_space<vmem>>) dst(%dma_wait3A_403 : memref<10240x32xf32, #tpu.memory_space<vmem_shared>>)
            %dma_wait3A_404 = tpu.memref_slice %arg8[%mul3A_396] : memref<4000xi32, #tpu.memory_space<vmem>> -> memref<80xi32, #tpu.memory_space<vmem>>
            %dma_wait3A_405 = arith.constant 0 : i32
            %dma_wait3A_406 = arith.constant 0 : i32
            %dma_wait3A_407 = tpu.memref_slice %arg12[%dma_wait3A_405, %dma_wait3A_406] : memref<10240x32xf32, #tpu.memory_space<vmem_shared>> -> memref<10240x32xf32, #tpu.memory_space<vmem_shared>>
            tpu.wait_indirect_dma semaphore(%arg14 : memref<!tpu.dma_semaphore, #tpu.memory_space<semaphore_mem>>) src(%arg10 : memref<80x32xf32, #tpu.memory_space<vmem>>) dst(%dma_wait3A_407 : memref<10240x32xf32, #tpu.memory_space<vmem_shared>>)
          } else {
          }
          %jit3A_302 = arith.constant 2 : i32
          %eq3A_303 = arith.constant 0 : i32
          %eq3A_304 = arith.cmpi eq, %jit3A_302, %eq3A_303 : i32
          %jit3A_305 = arith.constant 1 : i32
          %select_n3A_306 = arith.select %eq3A_304, %jit3A_305, %jit3A_302 : i32
          %rem3A_307 = arith.remsi %sub3A_280, %select_n3A_306 : i32
          %ne3A_308 = arith.constant 0 : i32
          %ne3A_309 = arith.cmpi ne, %rem3A_307, %ne3A_308 : i32
          %lt3A_310 = arith.constant 0 : i32
          %lt3A_311 = arith.cmpi slt, %rem3A_307, %lt3A_310 : i32
          %lt3A_312 = arith.constant 0 : i32
          %lt3A_313 = arith.cmpi slt, %select_n3A_306, %lt3A_312 : i32
          %ne3A_314 = arith.xori %lt3A_311, %lt3A_313 : i1
          %and3A_315 = arith.andi %ne3A_314, %ne3A_309 : i1
          %add3A_316 = arith.addi %rem3A_307, %select_n3A_306 : i32
          %select_n3A_317 = arith.select %and3A_315, %add3A_316, %rem3A_307 : i32
          %eq3A_318 = arith.constant 1 : i32
          %eq3A_319 = arith.cmpi eq, %select_n3A_317, %eq3A_318 : i32
          %convert_element_type3A_320 = arith.extui %eq3A_319 : i1 to i32
          %cond3A_321 = arith.constant 0 : i32
          %cond3A_322 = arith.cmpi ne, %convert_element_type3A_320, %cond3A_321 : i32
          scf.if %cond3A_322 {
            %mul3A_323 = arith.constant 5 : i32
            %mul3A_324 = arith.muli %sub3A_280, %mul3A_323 : i32
            %add3A_325 = arith.constant 0 : i32
            %add3A_326 = arith.addi %mul3A_324, %add3A_325 : i32
            %mul3A_327 = arith.constant 80 : i32
            %mul3A_328 = arith.muli %add3A_326, %mul3A_327 : i32
            %dma_wait3A_329 = arith.constant 0 : i32
            %dma_wait3A_330 = arith.constant 0 : i32
            %dma_wait3A_331 = tpu.memref_slice %arg7[%dma_wait3A_329, %dma_wait3A_330] : memref<400x32xf32, #tpu.memory_space<vmem>> -> memref<80x32xf32, #tpu.memory_space<vmem>>
            %dma_wait3A_332 = tpu.memref_slice %arg8[%mul3A_328] : memref<4000xi32, #tpu.memory_space<vmem>> -> memref<80xi32, #tpu.memory_space<vmem>>
            %dma_wait3A_333 = arith.constant 0 : i32
            %dma_wait3A_334 = arith.constant 0 : i32
            %dma_wait3A_335 = tpu.memref_slice %arg11[%dma_wait3A_333, %dma_wait3A_334] : memref<10240x32xf32, #tpu.memory_space<vmem_shared>> -> memref<10240x32xf32, #tpu.memory_space<vmem_shared>>
            tpu.wait_indirect_dma semaphore(%arg14 : memref<!tpu.dma_semaphore, #tpu.memory_space<semaphore_mem>>) src(%dma_wait3A_331 : memref<80x32xf32, #tpu.memory_space<vmem>>) dst(%dma_wait3A_335 : memref<10240x32xf32, #tpu.memory_space<vmem_shared>>)
            %dma_wait3A_336 = tpu.memref_slice %arg8[%mul3A_328] : memref<4000xi32, #tpu.memory_space<vmem>> -> memref<80xi32, #tpu.memory_space<vmem>>
            %dma_wait3A_337 = arith.constant 0 : i32
            %dma_wait3A_338 = arith.constant 0 : i32
            %dma_wait3A_339 = tpu.memref_slice %arg12[%dma_wait3A_337, %dma_wait3A_338] : memref<10240x32xf32, #tpu.memory_space<vmem_shared>> -> memref<10240x32xf32, #tpu.memory_space<vmem_shared>>
            tpu.wait_indirect_dma semaphore(%arg14 : memref<!tpu.dma_semaphore, #tpu.memory_space<semaphore_mem>>) src(%arg10 : memref<80x32xf32, #tpu.memory_space<vmem>>) dst(%dma_wait3A_339 : memref<10240x32xf32, #tpu.memory_space<vmem_shared>>)
            %mul3A_340 = arith.constant 5 : i32
            %mul3A_341 = arith.muli %sub3A_280, %mul3A_340 : i32
            %add3A_342 = arith.constant 1 : i32
            %add3A_343 = arith.addi %mul3A_341, %add3A_342 : i32
            %mul3A_344 = arith.constant 80 : i32
            %mul3A_345 = arith.muli %add3A_343, %mul3A_344 : i32
            %dma_wait3A_346 = arith.constant 80 : i32
            %dma_wait3A_347 = arith.constant 0 : i32
            %dma_wait3A_348 = tpu.memref_slice %arg7[%dma_wait3A_346, %dma_wait3A_347] : memref<400x32xf32, #tpu.memory_space<vmem>> -> memref<80x32xf32, #tpu.memory_space<vmem>>
            %dma_wait3A_349 = tpu.memref_slice %arg8[%mul3A_345] : memref<4000xi32, #tpu.memory_space<vmem>> -> memref<80xi32, #tpu.memory_space<vmem>>
            %dma_wait3A_350 = arith.constant 0 : i32
            %dma_wait3A_351 = arith.constant 0 : i32
            %dma_wait3A_352 = tpu.memref_slice %arg11[%dma_wait3A_350, %dma_wait3A_351] : memref<10240x32xf32, #tpu.memory_space<vmem_shared>> -> memref<10240x32xf32, #tpu.memory_space<vmem_shared>>
            tpu.wait_indirect_dma semaphore(%arg14 : memref<!tpu.dma_semaphore, #tpu.memory_space<semaphore_mem>>) src(%dma_wait3A_348 : memref<80x32xf32, #tpu.memory_space<vmem>>) dst(%dma_wait3A_352 : memref<10240x32xf32, #tpu.memory_space<vmem_shared>>)
            %dma_wait3A_353 = tpu.memref_slice %arg8[%mul3A_345] : memref<4000xi32, #tpu.memory_space<vmem>> -> memref<80xi32, #tpu.memory_space<vmem>>
            %dma_wait3A_354 = arith.constant 0 : i32
            %dma_wait3A_355 = arith.constant 0 : i32
            %dma_wait3A_356 = tpu.memref_slice %arg12[%dma_wait3A_354, %dma_wait3A_355] : memref<10240x32xf32, #tpu.memory_space<vmem_shared>> -> memref<10240x32xf32, #tpu.memory_space<vmem_shared>>
            tpu.wait_indirect_dma semaphore(%arg14 : memref<!tpu.dma_semaphore, #tpu.memory_space<semaphore_mem>>) src(%arg10 : memref<80x32xf32, #tpu.memory_space<vmem>>) dst(%dma_wait3A_356 : memref<10240x32xf32, #tpu.memory_space<vmem_shared>>)
            %mul3A_357 = arith.constant 5 : i32
            %mul3A_358 = arith.muli %sub3A_280, %mul3A_357 : i32
            %add3A_359 = arith.constant 2 : i32
            %add3A_360 = arith.addi %mul3A_358, %add3A_359 : i32
            %mul3A_361 = arith.constant 80 : i32
            %mul3A_362 = arith.muli %add3A_360, %mul3A_361 : i32
            %dma_wait3A_363 = arith.constant 160 : i32
            %dma_wait3A_364 = arith.constant 0 : i32
            %dma_wait3A_365 = tpu.memref_slice %arg7[%dma_wait3A_363, %dma_wait3A_364] : memref<400x32xf32, #tpu.memory_space<vmem>> -> memref<80x32xf32, #tpu.memory_space<vmem>>
            %dma_wait3A_366 = tpu.memref_slice %arg8[%mul3A_362] : memref<4000xi32, #tpu.memory_space<vmem>> -> memref<80xi32, #tpu.memory_space<vmem>>
            %dma_wait3A_367 = arith.constant 0 : i32
            %dma_wait3A_368 = arith.constant 0 : i32
            %dma_wait3A_369 = tpu.memref_slice %arg11[%dma_wait3A_367, %dma_wait3A_368] : memref<10240x32xf32, #tpu.memory_space<vmem_shared>> -> memref<10240x32xf32, #tpu.memory_space<vmem_shared>>
            tpu.wait_indirect_dma semaphore(%arg14 : memref<!tpu.dma_semaphore, #tpu.memory_space<semaphore_mem>>) src(%dma_wait3A_365 : memref<80x32xf32, #tpu.memory_space<vmem>>) dst(%dma_wait3A_369 : memref<10240x32xf32, #tpu.memory_space<vmem_shared>>)
            %dma_wait3A_370 = tpu.memref_slice %arg8[%mul3A_362] : memref<4000xi32, #tpu.memory_space<vmem>> -> memref<80xi32, #tpu.memory_space<vmem>>
            %dma_wait3A_371 = arith.constant 0 : i32
            %dma_wait3A_372 = arith.constant 0 : i32
            %dma_wait3A_373 = tpu.memref_slice %arg12[%dma_wait3A_371, %dma_wait3A_372] : memref<10240x32xf32, #tpu.memory_space<vmem_shared>> -> memref<10240x32xf32, #tpu.memory_space<vmem_shared>>
            tpu.wait_indirect_dma semaphore(%arg14 : memref<!tpu.dma_semaphore, #tpu.memory_space<semaphore_mem>>) src(%arg10 : memref<80x32xf32, #tpu.memory_space<vmem>>) dst(%dma_wait3A_373 : memref<10240x32xf32, #tpu.memory_space<vmem_shared>>)
            %mul3A_374 = arith.constant 5 : i32
            %mul3A_375 = arith.muli %sub3A_280, %mul3A_374 : i32
            %add3A_376 = arith.constant 3 : i32
            %add3A_377 = arith.addi %mul3A_375, %add3A_376 : i32
            %mul3A_378 = arith.constant 80 : i32
            %mul3A_379 = arith.muli %add3A_377, %mul3A_378 : i32
            %dma_wait3A_380 = arith.constant 240 : i32
            %dma_wait3A_381 = arith.constant 0 : i32
            %dma_wait3A_382 = tpu.memref_slice %arg7[%dma_wait3A_380, %dma_wait3A_381] : memref<400x32xf32, #tpu.memory_space<vmem>> -> memref<80x32xf32, #tpu.memory_space<vmem>>
            %dma_wait3A_383 = tpu.memref_slice %arg8[%mul3A_379] : memref<4000xi32, #tpu.memory_space<vmem>> -> memref<80xi32, #tpu.memory_space<vmem>>
            %dma_wait3A_384 = arith.constant 0 : i32
            %dma_wait3A_385 = arith.constant 0 : i32
            %dma_wait3A_386 = tpu.memref_slice %arg11[%dma_wait3A_384, %dma_wait3A_385] : memref<10240x32xf32, #tpu.memory_space<vmem_shared>> -> memref<10240x32xf32, #tpu.memory_space<vmem_shared>>
            tpu.wait_indirect_dma semaphore(%arg14 : memref<!tpu.dma_semaphore, #tpu.memory_space<semaphore_mem>>) src(%dma_wait3A_382 : memref<80x32xf32, #tpu.memory_space<vmem>>) dst(%dma_wait3A_386 : memref<10240x32xf32, #tpu.memory_space<vmem_shared>>)
            %dma_wait3A_387 = tpu.memref_slice %arg8[%mul3A_379] : memref<4000xi32, #tpu.memory_space<vmem>> -> memref<80xi32, #tpu.memory_space<vmem>>
            %dma_wait3A_388 = arith.constant 0 : i32
            %dma_wait3A_389 = arith.constant 0 : i32
            %dma_wait3A_390 = tpu.memref_slice %arg12[%dma_wait3A_388, %dma_wait3A_389] : memref<10240x32xf32, #tpu.memory_space<vmem_shared>> -> memref<10240x32xf32, #tpu.memory_space<vmem_shared>>
            tpu.wait_indirect_dma semaphore(%arg14 : memref<!tpu.dma_semaphore, #tpu.memory_space<semaphore_mem>>) src(%arg10 : memref<80x32xf32, #tpu.memory_space<vmem>>) dst(%dma_wait3A_390 : memref<10240x32xf32, #tpu.memory_space<vmem_shared>>)
            %mul3A_391 = arith.constant 5 : i32
            %mul3A_392 = arith.muli %sub3A_280, %mul3A_391 : i32
            %add3A_393 = arith.constant 4 : i32
            %add3A_394 = arith.addi %mul3A_392, %add3A_393 : i32
            %mul3A_395 = arith.constant 80 : i32
            %mul3A_396 = arith.muli %add3A_394, %mul3A_395 : i32
            %dma_wait3A_397 = arith.constant 320 : i32
            %dma_wait3A_398 = arith.constant 0 : i32
            %dma_wait3A_399 = tpu.memref_slice %arg7[%dma_wait3A_397, %dma_wait3A_398] : memref<400x32xf32, #tpu.memory_space<vmem>> -> memref<80x32xf32, #tpu.memory_space<vmem>>
            %dma_wait3A_400 = tpu.memref_slice %arg8[%mul3A_396] : memref<4000xi32, #tpu.memory_space<vmem>> -> memref<80xi32, #tpu.memory_space<vmem>>
            %dma_wait3A_401 = arith.constant 0 : i32
            %dma_wait3A_402 = arith.constant 0 : i32
            %dma_wait3A_403 = tpu.memref_slice %arg11[%dma_wait3A_401, %dma_wait3A_402] : memref<10240x32xf32, #tpu.memory_space<vmem_shared>> -> memref<10240x32xf32, #tpu.memory_space<vmem_shared>>
            tpu.wait_indirect_dma semaphore(%arg14 : memref<!tpu.dma_semaphore, #tpu.memory_space<semaphore_mem>>) src(%dma_wait3A_399 : memref<80x32xf32, #tpu.memory_space<vmem>>) dst(%dma_wait3A_403 : memref<10240x32xf32, #tpu.memory_space<vmem_shared>>)
            %dma_wait3A_404 = tpu.memref_slice %arg8[%mul3A_396] : memref<4000xi32, #tpu.memory_space<vmem>> -> memref<80xi32, #tpu.memory_space<vmem>>
            %dma_wait3A_405 = arith.constant 0 : i32
            %dma_wait3A_406 = arith.constant 0 : i32
            %dma_wait3A_407 = tpu.memref_slice %arg12[%dma_wait3A_405, %dma_wait3A_406] : memref<10240x32xf32, #tpu.memory_space<vmem_shared>> -> memref<10240x32xf32, #tpu.memory_space<vmem_shared>>
            tpu.wait_indirect_dma semaphore(%arg14 : memref<!tpu.dma_semaphore, #tpu.memory_space<semaphore_mem>>) src(%arg10 : memref<80x32xf32, #tpu.memory_space<vmem>>) dst(%dma_wait3A_407 : memref<10240x32xf32, #tpu.memory_space<vmem_shared>>)
          } else {
          }
        } else {
        }
        %add3A_187 = arith.constant 1 : i32
        %add3A_188 = arith.addi %scan3A_133, %add3A_187 : i32
        %lt3A_189 = arith.constant 10 : i32
        %lt3A_190 = arith.cmpi slt, %add3A_188, %lt3A_189 : i32
        %convert_element_type3A_191 = arith.extui %lt3A_190 : i1 to i32
        %cond3A_192 = arith.constant 0 : i32
        %cond3A_193 = arith.cmpi ne, %convert_element_type3A_191, %cond3A_192 : i32
        scf.if %cond3A_193 {
          %add3A_279 = arith.constant 1 : i32
          %add3A_280 = arith.addi %scan3A_133, %add3A_279 : i32
          %mul3A_281 = arith.constant 4000 : i32
          %mul3A_282 = arith.muli %select_n3A_30, %mul3A_281 : i32
          %mul3A_283 = arith.constant 400 : i32
          %mul3A_284 = arith.muli %add3A_280, %mul3A_283 : i32
          %add3A_285 = arith.addi %mul3A_282, %mul3A_284 : i32
          %mul3A_286 = arith.constant 32 : i32
          %mul3A_287 = arith.muli %select_n3A, %mul3A_286 : i32
          %dma_start3A_288 = tpu.memref_slice %arg2[%add3A_285, %mul3A_287] : memref<32000x128xf32, #tpu.memory_space<hbm>> -> memref<400x32xf32, #tpu.memory_space<hbm>>
          %dma_start3A_289 = tpu.memref_slice %arg2[%add3A_285, %mul3A_287] : memref<32000x128xf32, #tpu.memory_space<hbm>> -> memref<400x32xf32, #tpu.memory_space<hbm>>
          tpu.enqueue_dma source(%dma_start3A_289 : memref<400x32xf32, #tpu.memory_space<hbm>>) target(%arg7 : memref<400x32xf32, #tpu.memory_space<vmem>>) target_semaphore(%arg13 : memref<!tpu.dma_semaphore, #tpu.memory_space<semaphore_mem>>)
        } else {
        }
        %mul3A_194 = arith.constant 5 : i32
        %mul3A_195 = arith.muli %scan3A_133, %mul3A_194 : i32
        %add3A_196 = arith.constant 0 : i32
        %add3A_197 = arith.addi %mul3A_195, %add3A_196 : i32
        %mul3A_198 = arith.constant 80 : i32
        %mul3A_199 = arith.muli %add3A_197, %mul3A_198 : i32
        %dma_start3A_200 = arith.constant 0 : i32
        %dma_start3A_201 = arith.constant 0 : i32
        %dma_start3A_202 = tpu.memref_slice %arg6[%dma_start3A_200, %dma_start3A_201] : memref<400x32xf32, #tpu.memory_space<vmem>> -> memref<80x32xf32, #tpu.memory_space<vmem>>
        %dma_start3A_203 = tpu.memref_slice %arg8[%mul3A_199] : memref<4000xi32, #tpu.memory_space<vmem>> -> memref<80xi32, #tpu.memory_space<vmem>>
        %dma_start3A_204 = arith.constant 0 : i32
        %dma_start3A_205 = arith.constant 0 : i32
        %dma_start3A_206 = tpu.memref_slice %arg11[%dma_start3A_204, %dma_start3A_205] : memref<10240x32xf32, #tpu.memory_space<vmem_shared>> -> memref<10240x32xf32, #tpu.memory_space<vmem_shared>>
        tpu.enqueue_indirect_dma source(%dma_start3A_202 : memref<80x32xf32, #tpu.memory_space<vmem>>) target(%dma_start3A_206 : memref<10240x32xf32, #tpu.memory_space<vmem_shared>>) offsets(%dma_start3A_203 : memref<80xi32, #tpu.memory_space<vmem>>) semaphore(%arg14 : memref<!tpu.dma_semaphore, #tpu.memory_space<semaphore_mem>>) {add = true}
        %dma_start3A_207 = tpu.memref_slice %arg8[%mul3A_199] : memref<4000xi32, #tpu.memory_space<vmem>> -> memref<80xi32, #tpu.memory_space<vmem>>
        %dma_start3A_208 = arith.constant 0 : i32
        %dma_start3A_209 = arith.constant 0 : i32
        %dma_start3A_210 = tpu.memref_slice %arg12[%dma_start3A_208, %dma_start3A_209] : memref<10240x32xf32, #tpu.memory_space<vmem_shared>> -> memref<10240x32xf32, #tpu.memory_space<vmem_shared>>
        tpu.enqueue_indirect_dma source(%arg10 : memref<80x32xf32, #tpu.memory_space<vmem>>) target(%dma_start3A_210 : memref<10240x32xf32, #tpu.memory_space<vmem_shared>>) offsets(%dma_start3A_207 : memref<80xi32, #tpu.memory_space<vmem>>) semaphore(%arg14 : memref<!tpu.dma_semaphore, #tpu.memory_space<semaphore_mem>>) {add = true}
        %mul3A_211 = arith.constant 5 : i32
        %mul3A_212 = arith.muli %scan3A_133, %mul3A_211 : i32
        %add3A_213 = arith.constant 1 : i32
        %add3A_214 = arith.addi %mul3A_212, %add3A_213 : i32
        %mul3A_215 = arith.constant 80 : i32
        %mul3A_216 = arith.muli %add3A_214, %mul3A_215 : i32
        %dma_start3A_217 = arith.constant 80 : i32
        %dma_start3A_218 = arith.constant 0 : i32
        %dma_start3A_219 = tpu.memref_slice %arg6[%dma_start3A_217, %dma_start3A_218] : memref<400x32xf32, #tpu.memory_space<vmem>> -> memref<80x32xf32, #tpu.memory_space<vmem>>
        %dma_start3A_220 = tpu.memref_slice %arg8[%mul3A_216] : memref<4000xi32, #tpu.memory_space<vmem>> -> memref<80xi32, #tpu.memory_space<vmem>>
        %dma_start3A_221 = arith.constant 0 : i32
        %dma_start3A_222 = arith.constant 0 : i32
        %dma_start3A_223 = tpu.memref_slice %arg11[%dma_start3A_221, %dma_start3A_222] : memref<10240x32xf32, #tpu.memory_space<vmem_shared>> -> memref<10240x32xf32, #tpu.memory_space<vmem_shared>>
        tpu.enqueue_indirect_dma source(%dma_start3A_219 : memref<80x32xf32, #tpu.memory_space<vmem>>) target(%dma_start3A_223 : memref<10240x32xf32, #tpu.memory_space<vmem_shared>>) offsets(%dma_start3A_220 : memref<80xi32, #tpu.memory_space<vmem>>) semaphore(%arg14 : memref<!tpu.dma_semaphore, #tpu.memory_space<semaphore_mem>>) {add = true}
        %dma_start3A_224 = tpu.memref_slice %arg8[%mul3A_216] : memref<4000xi32, #tpu.memory_space<vmem>> -> memref<80xi32, #tpu.memory_space<vmem>>
        %dma_start3A_225 = arith.constant 0 : i32
        %dma_start3A_226 = arith.constant 0 : i32
        %dma_start3A_227 = tpu.memref_slice %arg12[%dma_start3A_225, %dma_start3A_226] : memref<10240x32xf32, #tpu.memory_space<vmem_shared>> -> memref<10240x32xf32, #tpu.memory_space<vmem_shared>>
        tpu.enqueue_indirect_dma source(%arg10 : memref<80x32xf32, #tpu.memory_space<vmem>>) target(%dma_start3A_227 : memref<10240x32xf32, #tpu.memory_space<vmem_shared>>) offsets(%dma_start3A_224 : memref<80xi32, #tpu.memory_space<vmem>>) semaphore(%arg14 : memref<!tpu.dma_semaphore, #tpu.memory_space<semaphore_mem>>) {add = true}
        %mul3A_228 = arith.constant 5 : i32
        %mul3A_229 = arith.muli %scan3A_133, %mul3A_228 : i32
        %add3A_230 = arith.constant 2 : i32
        %add3A_231 = arith.addi %mul3A_229, %add3A_230 : i32
        %mul3A_232 = arith.constant 80 : i32
        %mul3A_233 = arith.muli %add3A_231, %mul3A_232 : i32
        %dma_start3A_234 = arith.constant 160 : i32
        %dma_start3A_235 = arith.constant 0 : i32
        %dma_start3A_236 = tpu.memref_slice %arg6[%dma_start3A_234, %dma_start3A_235] : memref<400x32xf32, #tpu.memory_space<vmem>> -> memref<80x32xf32, #tpu.memory_space<vmem>>
        %dma_start3A_237 = tpu.memref_slice %arg8[%mul3A_233] : memref<4000xi32, #tpu.memory_space<vmem>> -> memref<80xi32, #tpu.memory_space<vmem>>
        %dma_start3A_238 = arith.constant 0 : i32
        %dma_start3A_239 = arith.constant 0 : i32
        %dma_start3A_240 = tpu.memref_slice %arg11[%dma_start3A_238, %dma_start3A_239] : memref<10240x32xf32, #tpu.memory_space<vmem_shared>> -> memref<10240x32xf32, #tpu.memory_space<vmem_shared>>
        tpu.enqueue_indirect_dma source(%dma_start3A_236 : memref<80x32xf32, #tpu.memory_space<vmem>>) target(%dma_start3A_240 : memref<10240x32xf32, #tpu.memory_space<vmem_shared>>) offsets(%dma_start3A_237 : memref<80xi32, #tpu.memory_space<vmem>>) semaphore(%arg14 : memref<!tpu.dma_semaphore, #tpu.memory_space<semaphore_mem>>) {add = true}
        %dma_start3A_241 = tpu.memref_slice %arg8[%mul3A_233] : memref<4000xi32, #tpu.memory_space<vmem>> -> memref<80xi32, #tpu.memory_space<vmem>>
        %dma_start3A_242 = arith.constant 0 : i32
        %dma_start3A_243 = arith.constant 0 : i32
        %dma_start3A_244 = tpu.memref_slice %arg12[%dma_start3A_242, %dma_start3A_243] : memref<10240x32xf32, #tpu.memory_space<vmem_shared>> -> memref<10240x32xf32, #tpu.memory_space<vmem_shared>>
        tpu.enqueue_indirect_dma source(%arg10 : memref<80x32xf32, #tpu.memory_space<vmem>>) target(%dma_start3A_244 : memref<10240x32xf32, #tpu.memory_space<vmem_shared>>) offsets(%dma_start3A_241 : memref<80xi32, #tpu.memory_space<vmem>>) semaphore(%arg14 : memref<!tpu.dma_semaphore, #tpu.memory_space<semaphore_mem>>) {add = true}
        %mul3A_245 = arith.constant 5 : i32
        %mul3A_246 = arith.muli %scan3A_133, %mul3A_245 : i32
        %add3A_247 = arith.constant 3 : i32
        %add3A_248 = arith.addi %mul3A_246, %add3A_247 : i32
        %mul3A_249 = arith.constant 80 : i32
        %mul3A_250 = arith.muli %add3A_248, %mul3A_249 : i32
        %dma_start3A_251 = arith.constant 240 : i32
        %dma_start3A_252 = arith.constant 0 : i32
        %dma_start3A_253 = tpu.memref_slice %arg6[%dma_start3A_251, %dma_start3A_252] : memref<400x32xf32, #tpu.memory_space<vmem>> -> memref<80x32xf32, #tpu.memory_space<vmem>>
        %dma_start3A_254 = tpu.memref_slice %arg8[%mul3A_250] : memref<4000xi32, #tpu.memory_space<vmem>> -> memref<80xi32, #tpu.memory_space<vmem>>
        %dma_start3A_255 = arith.constant 0 : i32
        %dma_start3A_256 = arith.constant 0 : i32
        %dma_start3A_257 = tpu.memref_slice %arg11[%dma_start3A_255, %dma_start3A_256] : memref<10240x32xf32, #tpu.memory_space<vmem_shared>> -> memref<10240x32xf32, #tpu.memory_space<vmem_shared>>
        tpu.enqueue_indirect_dma source(%dma_start3A_253 : memref<80x32xf32, #tpu.memory_space<vmem>>) target(%dma_start3A_257 : memref<10240x32xf32, #tpu.memory_space<vmem_shared>>) offsets(%dma_start3A_254 : memref<80xi32, #tpu.memory_space<vmem>>) semaphore(%arg14 : memref<!tpu.dma_semaphore, #tpu.memory_space<semaphore_mem>>) {add = true}
        %dma_start3A_258 = tpu.memref_slice %arg8[%mul3A_250] : memref<4000xi32, #tpu.memory_space<vmem>> -> memref<80xi32, #tpu.memory_space<vmem>>
        %dma_start3A_259 = arith.constant 0 : i32
        %dma_start3A_260 = arith.constant 0 : i32
        %dma_start3A_261 = tpu.memref_slice %arg12[%dma_start3A_259, %dma_start3A_260] : memref<10240x32xf32, #tpu.memory_space<vmem_shared>> -> memref<10240x32xf32, #tpu.memory_space<vmem_shared>>
        tpu.enqueue_indirect_dma source(%arg10 : memref<80x32xf32, #tpu.memory_space<vmem>>) target(%dma_start3A_261 : memref<10240x32xf32, #tpu.memory_space<vmem_shared>>) offsets(%dma_start3A_258 : memref<80xi32, #tpu.memory_space<vmem>>) semaphore(%arg14 : memref<!tpu.dma_semaphore, #tpu.memory_space<semaphore_mem>>) {add = true}
        %mul3A_262 = arith.constant 5 : i32
        %mul3A_263 = arith.muli %scan3A_133, %mul3A_262 : i32
        %add3A_264 = arith.constant 4 : i32
        %add3A_265 = arith.addi %mul3A_263, %add3A_264 : i32
        %mul3A_266 = arith.constant 80 : i32
        %mul3A_267 = arith.muli %add3A_265, %mul3A_266 : i32
        %dma_start3A_268 = arith.constant 320 : i32
        %dma_start3A_269 = arith.constant 0 : i32
        %dma_start3A_270 = tpu.memref_slice %arg6[%dma_start3A_268, %dma_start3A_269] : memref<400x32xf32, #tpu.memory_space<vmem>> -> memref<80x32xf32, #tpu.memory_space<vmem>>
        %dma_start3A_271 = tpu.memref_slice %arg8[%mul3A_267] : memref<4000xi32, #tpu.memory_space<vmem>> -> memref<80xi32, #tpu.memory_space<vmem>>
        %dma_start3A_272 = arith.constant 0 : i32
        %dma_start3A_273 = arith.constant 0 : i32
        %dma_start3A_274 = tpu.memref_slice %arg11[%dma_start3A_272, %dma_start3A_273] : memref<10240x32xf32, #tpu.memory_space<vmem_shared>> -> memref<10240x32xf32, #tpu.memory_space<vmem_shared>>
        tpu.enqueue_indirect_dma source(%dma_start3A_270 : memref<80x32xf32, #tpu.memory_space<vmem>>) target(%dma_start3A_274 : memref<10240x32xf32, #tpu.memory_space<vmem_shared>>) offsets(%dma_start3A_271 : memref<80xi32, #tpu.memory_space<vmem>>) semaphore(%arg14 : memref<!tpu.dma_semaphore, #tpu.memory_space<semaphore_mem>>) {add = true}
        %dma_start3A_275 = tpu.memref_slice %arg8[%mul3A_267] : memref<4000xi32, #tpu.memory_space<vmem>> -> memref<80xi32, #tpu.memory_space<vmem>>
        %dma_start3A_276 = arith.constant 0 : i32
        %dma_start3A_277 = arith.constant 0 : i32
        %dma_start3A_278 = tpu.memref_slice %arg12[%dma_start3A_276, %dma_start3A_277] : memref<10240x32xf32, #tpu.memory_space<vmem_shared>> -> memref<10240x32xf32, #tpu.memory_space<vmem_shared>>
        tpu.enqueue_indirect_dma source(%arg10 : memref<80x32xf32, #tpu.memory_space<vmem>>) target(%dma_start3A_278 : memref<10240x32xf32, #tpu.memory_space<vmem_shared>>) offsets(%dma_start3A_275 : memref<80xi32, #tpu.memory_space<vmem>>) semaphore(%arg14 : memref<!tpu.dma_semaphore, #tpu.memory_space<semaphore_mem>>) {add = true}
      } else {
      }
      %jit3A_153 = arith.constant 2 : i32
      %eq3A_154 = arith.constant 0 : i32
      %eq3A_155 = arith.cmpi eq, %jit3A_153, %eq3A_154 : i32
      %jit3A_156 = arith.constant 1 : i32
      %select_n3A_157 = arith.select %eq3A_155, %jit3A_156, %jit3A_153 : i32
      %rem3A_158 = arith.remsi %scan3A_133, %select_n3A_157 : i32
      %ne3A_159 = arith.constant 0 : i32
      %ne3A_160 = arith.cmpi ne, %rem3A_158, %ne3A_159 : i32
      %lt3A_161 = arith.constant 0 : i32
      %lt3A_162 = arith.cmpi slt, %rem3A_158, %lt3A_161 : i32
      %lt3A_163 = arith.constant 0 : i32
      %lt3A_164 = arith.cmpi slt, %select_n3A_157, %lt3A_163 : i32
      %ne3A_165 = arith.xori %lt3A_162, %lt3A_164 : i1
      %and3A_166 = arith.andi %ne3A_165, %ne3A_160 : i1
      %add3A_167 = arith.addi %rem3A_158, %select_n3A_157 : i32
      %select_n3A_168 = arith.select %and3A_166, %add3A_167, %rem3A_158 : i32
      %eq3A_169 = arith.constant 1 : i32
      %eq3A_170 = arith.cmpi eq, %select_n3A_168, %eq3A_169 : i32
      %convert_element_type3A_171 = arith.extui %eq3A_170 : i1 to i32
      %cond3A_172 = arith.constant 0 : i32
      %cond3A_173 = arith.cmpi ne, %convert_element_type3A_171, %cond3A_172 : i32
      scf.if %cond3A_173 {
        %mul3A_174 = arith.constant 4000 : i32
        %mul3A_175 = arith.muli %select_n3A_30, %mul3A_174 : i32
        %mul3A_176 = arith.constant 400 : i32
        %mul3A_177 = arith.muli %scan3A_133, %mul3A_176 : i32
        %add3A_178 = arith.addi %mul3A_175, %mul3A_177 : i32
        %mul3A_179 = arith.constant 32 : i32
        %mul3A_180 = arith.muli %select_n3A, %mul3A_179 : i32
        %dma_wait3A_181 = tpu.memref_slice %arg2[%add3A_178, %mul3A_180] : memref<32000x128xf32, #tpu.memory_space<hbm>> -> memref<400x32xf32, #tpu.memory_space<hbm>>
        %dma_wait3A_182 = tpu.memref_slice %arg2[%add3A_178, %mul3A_180] : memref<32000x128xf32, #tpu.memory_space<hbm>> -> memref<400x32xf32, #tpu.memory_space<hbm>>
        tpu.wait_dma2 semaphore(%arg13 : memref<!tpu.dma_semaphore, #tpu.memory_space<semaphore_mem>>) src(%dma_wait3A_182 : memref<400x32xf32, #tpu.memory_space<hbm>>) dst(%arg7 : memref<400x32xf32, #tpu.memory_space<vmem>>)
        %ge3A = arith.constant 1 : i32
        %ge3A_183 = arith.cmpi sge, %scan3A_133, %ge3A : i32
        %convert_element_type3A_184 = arith.extui %ge3A_183 : i1 to i32
        %cond3A_185 = arith.constant 0 : i32
        %cond3A_186 = arith.cmpi ne, %convert_element_type3A_184, %cond3A_185 : i32
        scf.if %cond3A_186 {
          %sub3A_279 = arith.constant 1 : i32
          %sub3A_280 = arith.subi %scan3A_133, %sub3A_279 : i32
          %jit3A_281 = arith.constant 2 : i32
          %eq3A_282 = arith.constant 0 : i32
          %eq3A_283 = arith.cmpi eq, %jit3A_281, %eq3A_282 : i32
          %jit3A_284 = arith.constant 1 : i32
          %select_n3A_285 = arith.select %eq3A_283, %jit3A_284, %jit3A_281 : i32
          %rem3A_286 = arith.remsi %sub3A_280, %select_n3A_285 : i32
          %ne3A_287 = arith.constant 0 : i32
          %ne3A_288 = arith.cmpi ne, %rem3A_286, %ne3A_287 : i32
          %lt3A_289 = arith.constant 0 : i32
          %lt3A_290 = arith.cmpi slt, %rem3A_286, %lt3A_289 : i32
          %lt3A_291 = arith.constant 0 : i32
          %lt3A_292 = arith.cmpi slt, %select_n3A_285, %lt3A_291 : i32
          %ne3A_293 = arith.xori %lt3A_290, %lt3A_292 : i1
          %and3A_294 = arith.andi %ne3A_293, %ne3A_288 : i1
          %add3A_295 = arith.addi %rem3A_286, %select_n3A_285 : i32
          %select_n3A_296 = arith.select %and3A_294, %add3A_295, %rem3A_286 : i32
          %eq3A_297 = arith.constant 0 : i32
          %eq3A_298 = arith.cmpi eq, %select_n3A_296, %eq3A_297 : i32
          %convert_element_type3A_299 = arith.extui %eq3A_298 : i1 to i32
          %cond3A_300 = arith.constant 0 : i32
          %cond3A_301 = arith.cmpi ne, %convert_element_type3A_299, %cond3A_300 : i32
          scf.if %cond3A_301 {
            %mul3A_323 = arith.constant 5 : i32
            %mul3A_324 = arith.muli %sub3A_280, %mul3A_323 : i32
            %add3A_325 = arith.constant 0 : i32
            %add3A_326 = arith.addi %mul3A_324, %add3A_325 : i32
            %mul3A_327 = arith.constant 80 : i32
            %mul3A_328 = arith.muli %add3A_326, %mul3A_327 : i32
            %dma_wait3A_329 = arith.constant 0 : i32
            %dma_wait3A_330 = arith.constant 0 : i32
            %dma_wait3A_331 = tpu.memref_slice %arg6[%dma_wait3A_329, %dma_wait3A_330] : memref<400x32xf32, #tpu.memory_space<vmem>> -> memref<80x32xf32, #tpu.memory_space<vmem>>
            %dma_wait3A_332 = tpu.memref_slice %arg8[%mul3A_328] : memref<4000xi32, #tpu.memory_space<vmem>> -> memref<80xi32, #tpu.memory_space<vmem>>
            %dma_wait3A_333 = arith.constant 0 : i32
            %dma_wait3A_334 = arith.constant 0 : i32
            %dma_wait3A_335 = tpu.memref_slice %arg11[%dma_wait3A_333, %dma_wait3A_334] : memref<10240x32xf32, #tpu.memory_space<vmem_shared>> -> memref<10240x32xf32, #tpu.memory_space<vmem_shared>>
            tpu.wait_indirect_dma semaphore(%arg14 : memref<!tpu.dma_semaphore, #tpu.memory_space<semaphore_mem>>) src(%dma_wait3A_331 : memref<80x32xf32, #tpu.memory_space<vmem>>) dst(%dma_wait3A_335 : memref<10240x32xf32, #tpu.memory_space<vmem_shared>>)
            %dma_wait3A_336 = tpu.memref_slice %arg8[%mul3A_328] : memref<4000xi32, #tpu.memory_space<vmem>> -> memref<80xi32, #tpu.memory_space<vmem>>
            %dma_wait3A_337 = arith.constant 0 : i32
            %dma_wait3A_338 = arith.constant 0 : i32
            %dma_wait3A_339 = tpu.memref_slice %arg12[%dma_wait3A_337, %dma_wait3A_338] : memref<10240x32xf32, #tpu.memory_space<vmem_shared>> -> memref<10240x32xf32, #tpu.memory_space<vmem_shared>>
            tpu.wait_indirect_dma semaphore(%arg14 : memref<!tpu.dma_semaphore, #tpu.memory_space<semaphore_mem>>) src(%arg10 : memref<80x32xf32, #tpu.memory_space<vmem>>) dst(%dma_wait3A_339 : memref<10240x32xf32, #tpu.memory_space<vmem_shared>>)
            %mul3A_340 = arith.constant 5 : i32
            %mul3A_341 = arith.muli %sub3A_280, %mul3A_340 : i32
            %add3A_342 = arith.constant 1 : i32
            %add3A_343 = arith.addi %mul3A_341, %add3A_342 : i32
            %mul3A_344 = arith.constant 80 : i32
            %mul3A_345 = arith.muli %add3A_343, %mul3A_344 : i32
            %dma_wait3A_346 = arith.constant 80 : i32
            %dma_wait3A_347 = arith.constant 0 : i32
            %dma_wait3A_348 = tpu.memref_slice %arg6[%dma_wait3A_346, %dma_wait3A_347] : memref<400x32xf32, #tpu.memory_space<vmem>> -> memref<80x32xf32, #tpu.memory_space<vmem>>
            %dma_wait3A_349 = tpu.memref_slice %arg8[%mul3A_345] : memref<4000xi32, #tpu.memory_space<vmem>> -> memref<80xi32, #tpu.memory_space<vmem>>
            %dma_wait3A_350 = arith.constant 0 : i32
            %dma_wait3A_351 = arith.constant 0 : i32
            %dma_wait3A_352 = tpu.memref_slice %arg11[%dma_wait3A_350, %dma_wait3A_351] : memref<10240x32xf32, #tpu.memory_space<vmem_shared>> -> memref<10240x32xf32, #tpu.memory_space<vmem_shared>>
            tpu.wait_indirect_dma semaphore(%arg14 : memref<!tpu.dma_semaphore, #tpu.memory_space<semaphore_mem>>) src(%dma_wait3A_348 : memref<80x32xf32, #tpu.memory_space<vmem>>) dst(%dma_wait3A_352 : memref<10240x32xf32, #tpu.memory_space<vmem_shared>>)
            %dma_wait3A_353 = tpu.memref_slice %arg8[%mul3A_345] : memref<4000xi32, #tpu.memory_space<vmem>> -> memref<80xi32, #tpu.memory_space<vmem>>
            %dma_wait3A_354 = arith.constant 0 : i32
            %dma_wait3A_355 = arith.constant 0 : i32
            %dma_wait3A_356 = tpu.memref_slice %arg12[%dma_wait3A_354, %dma_wait3A_355] : memref<10240x32xf32, #tpu.memory_space<vmem_shared>> -> memref<10240x32xf32, #tpu.memory_space<vmem_shared>>
            tpu.wait_indirect_dma semaphore(%arg14 : memref<!tpu.dma_semaphore, #tpu.memory_space<semaphore_mem>>) src(%arg10 : memref<80x32xf32, #tpu.memory_space<vmem>>) dst(%dma_wait3A_356 : memref<10240x32xf32, #tpu.memory_space<vmem_shared>>)
            %mul3A_357 = arith.constant 5 : i32
            %mul3A_358 = arith.muli %sub3A_280, %mul3A_357 : i32
            %add3A_359 = arith.constant 2 : i32
            %add3A_360 = arith.addi %mul3A_358, %add3A_359 : i32
            %mul3A_361 = arith.constant 80 : i32
            %mul3A_362 = arith.muli %add3A_360, %mul3A_361 : i32
            %dma_wait3A_363 = arith.constant 160 : i32
            %dma_wait3A_364 = arith.constant 0 : i32
            %dma_wait3A_365 = tpu.memref_slice %arg6[%dma_wait3A_363, %dma_wait3A_364] : memref<400x32xf32, #tpu.memory_space<vmem>> -> memref<80x32xf32, #tpu.memory_space<vmem>>
            %dma_wait3A_366 = tpu.memref_slice %arg8[%mul3A_362] : memref<4000xi32, #tpu.memory_space<vmem>> -> memref<80xi32, #tpu.memory_space<vmem>>
            %dma_wait3A_367 = arith.constant 0 : i32
            %dma_wait3A_368 = arith.constant 0 : i32
            %dma_wait3A_369 = tpu.memref_slice %arg11[%dma_wait3A_367, %dma_wait3A_368] : memref<10240x32xf32, #tpu.memory_space<vmem_shared>> -> memref<10240x32xf32, #tpu.memory_space<vmem_shared>>
            tpu.wait_indirect_dma semaphore(%arg14 : memref<!tpu.dma_semaphore, #tpu.memory_space<semaphore_mem>>) src(%dma_wait3A_365 : memref<80x32xf32, #tpu.memory_space<vmem>>) dst(%dma_wait3A_369 : memref<10240x32xf32, #tpu.memory_space<vmem_shared>>)
            %dma_wait3A_370 = tpu.memref_slice %arg8[%mul3A_362] : memref<4000xi32, #tpu.memory_space<vmem>> -> memref<80xi32, #tpu.memory_space<vmem>>
            %dma_wait3A_371 = arith.constant 0 : i32
            %dma_wait3A_372 = arith.constant 0 : i32
            %dma_wait3A_373 = tpu.memref_slice %arg12[%dma_wait3A_371, %dma_wait3A_372] : memref<10240x32xf32, #tpu.memory_space<vmem_shared>> -> memref<10240x32xf32, #tpu.memory_space<vmem_shared>>
            tpu.wait_indirect_dma semaphore(%arg14 : memref<!tpu.dma_semaphore, #tpu.memory_space<semaphore_mem>>) src(%arg10 : memref<80x32xf32, #tpu.memory_space<vmem>>) dst(%dma_wait3A_373 : memref<10240x32xf32, #tpu.memory_space<vmem_shared>>)
            %mul3A_374 = arith.constant 5 : i32
            %mul3A_375 = arith.muli %sub3A_280, %mul3A_374 : i32
            %add3A_376 = arith.constant 3 : i32
            %add3A_377 = arith.addi %mul3A_375, %add3A_376 : i32
            %mul3A_378 = arith.constant 80 : i32
            %mul3A_379 = arith.muli %add3A_377, %mul3A_378 : i32
            %dma_wait3A_380 = arith.constant 240 : i32
            %dma_wait3A_381 = arith.constant 0 : i32
            %dma_wait3A_382 = tpu.memref_slice %arg6[%dma_wait3A_380, %dma_wait3A_381] : memref<400x32xf32, #tpu.memory_space<vmem>> -> memref<80x32xf32, #tpu.memory_space<vmem>>
            %dma_wait3A_383 = tpu.memref_slice %arg8[%mul3A_379] : memref<4000xi32, #tpu.memory_space<vmem>> -> memref<80xi32, #tpu.memory_space<vmem>>
            %dma_wait3A_384 = arith.constant 0 : i32
            %dma_wait3A_385 = arith.constant 0 : i32
            %dma_wait3A_386 = tpu.memref_slice %arg11[%dma_wait3A_384, %dma_wait3A_385] : memref<10240x32xf32, #tpu.memory_space<vmem_shared>> -> memref<10240x32xf32, #tpu.memory_space<vmem_shared>>
            tpu.wait_indirect_dma semaphore(%arg14 : memref<!tpu.dma_semaphore, #tpu.memory_space<semaphore_mem>>) src(%dma_wait3A_382 : memref<80x32xf32, #tpu.memory_space<vmem>>) dst(%dma_wait3A_386 : memref<10240x32xf32, #tpu.memory_space<vmem_shared>>)
            %dma_wait3A_387 = tpu.memref_slice %arg8[%mul3A_379] : memref<4000xi32, #tpu.memory_space<vmem>> -> memref<80xi32, #tpu.memory_space<vmem>>
            %dma_wait3A_388 = arith.constant 0 : i32
            %dma_wait3A_389 = arith.constant 0 : i32
            %dma_wait3A_390 = tpu.memref_slice %arg12[%dma_wait3A_388, %dma_wait3A_389] : memref<10240x32xf32, #tpu.memory_space<vmem_shared>> -> memref<10240x32xf32, #tpu.memory_space<vmem_shared>>
            tpu.wait_indirect_dma semaphore(%arg14 : memref<!tpu.dma_semaphore, #tpu.memory_space<semaphore_mem>>) src(%arg10 : memref<80x32xf32, #tpu.memory_space<vmem>>) dst(%dma_wait3A_390 : memref<10240x32xf32, #tpu.memory_space<vmem_shared>>)
            %mul3A_391 = arith.constant 5 : i32
            %mul3A_392 = arith.muli %sub3A_280, %mul3A_391 : i32
            %add3A_393 = arith.constant 4 : i32
            %add3A_394 = arith.addi %mul3A_392, %add3A_393 : i32
            %mul3A_395 = arith.constant 80 : i32
            %mul3A_396 = arith.muli %add3A_394, %mul3A_395 : i32
            %dma_wait3A_397 = arith.constant 320 : i32
            %dma_wait3A_398 = arith.constant 0 : i32
            %dma_wait3A_399 = tpu.memref_slice %arg6[%dma_wait3A_397, %dma_wait3A_398] : memref<400x32xf32, #tpu.memory_space<vmem>> -> memref<80x32xf32, #tpu.memory_space<vmem>>
            %dma_wait3A_400 = tpu.memref_slice %arg8[%mul3A_396] : memref<4000xi32, #tpu.memory_space<vmem>> -> memref<80xi32, #tpu.memory_space<vmem>>
            %dma_wait3A_401 = arith.constant 0 : i32
            %dma_wait3A_402 = arith.constant 0 : i32
            %dma_wait3A_403 = tpu.memref_slice %arg11[%dma_wait3A_401, %dma_wait3A_402] : memref<10240x32xf32, #tpu.memory_space<vmem_shared>> -> memref<10240x32xf32, #tpu.memory_space<vmem_shared>>
            tpu.wait_indirect_dma semaphore(%arg14 : memref<!tpu.dma_semaphore, #tpu.memory_space<semaphore_mem>>) src(%dma_wait3A_399 : memref<80x32xf32, #tpu.memory_space<vmem>>) dst(%dma_wait3A_403 : memref<10240x32xf32, #tpu.memory_space<vmem_shared>>)
            %dma_wait3A_404 = tpu.memref_slice %arg8[%mul3A_396] : memref<4000xi32, #tpu.memory_space<vmem>> -> memref<80xi32, #tpu.memory_space<vmem>>
            %dma_wait3A_405 = arith.constant 0 : i32
            %dma_wait3A_406 = arith.constant 0 : i32
            %dma_wait3A_407 = tpu.memref_slice %arg12[%dma_wait3A_405, %dma_wait3A_406] : memref<10240x32xf32, #tpu.memory_space<vmem_shared>> -> memref<10240x32xf32, #tpu.memory_space<vmem_shared>>
            tpu.wait_indirect_dma semaphore(%arg14 : memref<!tpu.dma_semaphore, #tpu.memory_space<semaphore_mem>>) src(%arg10 : memref<80x32xf32, #tpu.memory_space<vmem>>) dst(%dma_wait3A_407 : memref<10240x32xf32, #tpu.memory_space<vmem_shared>>)
          } else {
          }
          %jit3A_302 = arith.constant 2 : i32
          %eq3A_303 = arith.constant 0 : i32
          %eq3A_304 = arith.cmpi eq, %jit3A_302, %eq3A_303 : i32
          %jit3A_305 = arith.constant 1 : i32
          %select_n3A_306 = arith.select %eq3A_304, %jit3A_305, %jit3A_302 : i32
          %rem3A_307 = arith.remsi %sub3A_280, %select_n3A_306 : i32
          %ne3A_308 = arith.constant 0 : i32
          %ne3A_309 = arith.cmpi ne, %rem3A_307, %ne3A_308 : i32
          %lt3A_310 = arith.constant 0 : i32
          %lt3A_311 = arith.cmpi slt, %rem3A_307, %lt3A_310 : i32
          %lt3A_312 = arith.constant 0 : i32
          %lt3A_313 = arith.cmpi slt, %select_n3A_306, %lt3A_312 : i32
          %ne3A_314 = arith.xori %lt3A_311, %lt3A_313 : i1
          %and3A_315 = arith.andi %ne3A_314, %ne3A_309 : i1
          %add3A_316 = arith.addi %rem3A_307, %select_n3A_306 : i32
          %select_n3A_317 = arith.select %and3A_315, %add3A_316, %rem3A_307 : i32
          %eq3A_318 = arith.constant 1 : i32
          %eq3A_319 = arith.cmpi eq, %select_n3A_317, %eq3A_318 : i32
          %convert_element_type3A_320 = arith.extui %eq3A_319 : i1 to i32
          %cond3A_321 = arith.constant 0 : i32
          %cond3A_322 = arith.cmpi ne, %convert_element_type3A_320, %cond3A_321 : i32
          scf.if %cond3A_322 {
            %mul3A_323 = arith.constant 5 : i32
            %mul3A_324 = arith.muli %sub3A_280, %mul3A_323 : i32
            %add3A_325 = arith.constant 0 : i32
            %add3A_326 = arith.addi %mul3A_324, %add3A_325 : i32
            %mul3A_327 = arith.constant 80 : i32
            %mul3A_328 = arith.muli %add3A_326, %mul3A_327 : i32
            %dma_wait3A_329 = arith.constant 0 : i32
            %dma_wait3A_330 = arith.constant 0 : i32
            %dma_wait3A_331 = tpu.memref_slice %arg7[%dma_wait3A_329, %dma_wait3A_330] : memref<400x32xf32, #tpu.memory_space<vmem>> -> memref<80x32xf32, #tpu.memory_space<vmem>>
            %dma_wait3A_332 = tpu.memref_slice %arg8[%mul3A_328] : memref<4000xi32, #tpu.memory_space<vmem>> -> memref<80xi32, #tpu.memory_space<vmem>>
            %dma_wait3A_333 = arith.constant 0 : i32
            %dma_wait3A_334 = arith.constant 0 : i32
            %dma_wait3A_335 = tpu.memref_slice %arg11[%dma_wait3A_333, %dma_wait3A_334] : memref<10240x32xf32, #tpu.memory_space<vmem_shared>> -> memref<10240x32xf32, #tpu.memory_space<vmem_shared>>
            tpu.wait_indirect_dma semaphore(%arg14 : memref<!tpu.dma_semaphore, #tpu.memory_space<semaphore_mem>>) src(%dma_wait3A_331 : memref<80x32xf32, #tpu.memory_space<vmem>>) dst(%dma_wait3A_335 : memref<10240x32xf32, #tpu.memory_space<vmem_shared>>)
            %dma_wait3A_336 = tpu.memref_slice %arg8[%mul3A_328] : memref<4000xi32, #tpu.memory_space<vmem>> -> memref<80xi32, #tpu.memory_space<vmem>>
            %dma_wait3A_337 = arith.constant 0 : i32
            %dma_wait3A_338 = arith.constant 0 : i32
            %dma_wait3A_339 = tpu.memref_slice %arg12[%dma_wait3A_337, %dma_wait3A_338] : memref<10240x32xf32, #tpu.memory_space<vmem_shared>> -> memref<10240x32xf32, #tpu.memory_space<vmem_shared>>
            tpu.wait_indirect_dma semaphore(%arg14 : memref<!tpu.dma_semaphore, #tpu.memory_space<semaphore_mem>>) src(%arg10 : memref<80x32xf32, #tpu.memory_space<vmem>>) dst(%dma_wait3A_339 : memref<10240x32xf32, #tpu.memory_space<vmem_shared>>)
            %mul3A_340 = arith.constant 5 : i32
            %mul3A_341 = arith.muli %sub3A_280, %mul3A_340 : i32
            %add3A_342 = arith.constant 1 : i32
            %add3A_343 = arith.addi %mul3A_341, %add3A_342 : i32
            %mul3A_344 = arith.constant 80 : i32
            %mul3A_345 = arith.muli %add3A_343, %mul3A_344 : i32
            %dma_wait3A_346 = arith.constant 80 : i32
            %dma_wait3A_347 = arith.constant 0 : i32
            %dma_wait3A_348 = tpu.memref_slice %arg7[%dma_wait3A_346, %dma_wait3A_347] : memref<400x32xf32, #tpu.memory_space<vmem>> -> memref<80x32xf32, #tpu.memory_space<vmem>>
            %dma_wait3A_349 = tpu.memref_slice %arg8[%mul3A_345] : memref<4000xi32, #tpu.memory_space<vmem>> -> memref<80xi32, #tpu.memory_space<vmem>>
            %dma_wait3A_350 = arith.constant 0 : i32
            %dma_wait3A_351 = arith.constant 0 : i32
            %dma_wait3A_352 = tpu.memref_slice %arg11[%dma_wait3A_350, %dma_wait3A_351] : memref<10240x32xf32, #tpu.memory_space<vmem_shared>> -> memref<10240x32xf32, #tpu.memory_space<vmem_shared>>
            tpu.wait_indirect_dma semaphore(%arg14 : memref<!tpu.dma_semaphore, #tpu.memory_space<semaphore_mem>>) src(%dma_wait3A_348 : memref<80x32xf32, #tpu.memory_space<vmem>>) dst(%dma_wait3A_352 : memref<10240x32xf32, #tpu.memory_space<vmem_shared>>)
            %dma_wait3A_353 = tpu.memref_slice %arg8[%mul3A_345] : memref<4000xi32, #tpu.memory_space<vmem>> -> memref<80xi32, #tpu.memory_space<vmem>>
            %dma_wait3A_354 = arith.constant 0 : i32
            %dma_wait3A_355 = arith.constant 0 : i32
            %dma_wait3A_356 = tpu.memref_slice %arg12[%dma_wait3A_354, %dma_wait3A_355] : memref<10240x32xf32, #tpu.memory_space<vmem_shared>> -> memref<10240x32xf32, #tpu.memory_space<vmem_shared>>
            tpu.wait_indirect_dma semaphore(%arg14 : memref<!tpu.dma_semaphore, #tpu.memory_space<semaphore_mem>>) src(%arg10 : memref<80x32xf32, #tpu.memory_space<vmem>>) dst(%dma_wait3A_356 : memref<10240x32xf32, #tpu.memory_space<vmem_shared>>)
            %mul3A_357 = arith.constant 5 : i32
            %mul3A_358 = arith.muli %sub3A_280, %mul3A_357 : i32
            %add3A_359 = arith.constant 2 : i32
            %add3A_360 = arith.addi %mul3A_358, %add3A_359 : i32
            %mul3A_361 = arith.constant 80 : i32
            %mul3A_362 = arith.muli %add3A_360, %mul3A_361 : i32
            %dma_wait3A_363 = arith.constant 160 : i32
            %dma_wait3A_364 = arith.constant 0 : i32
            %dma_wait3A_365 = tpu.memref_slice %arg7[%dma_wait3A_363, %dma_wait3A_364] : memref<400x32xf32, #tpu.memory_space<vmem>> -> memref<80x32xf32, #tpu.memory_space<vmem>>
            %dma_wait3A_366 = tpu.memref_slice %arg8[%mul3A_362] : memref<4000xi32, #tpu.memory_space<vmem>> -> memref<80xi32, #tpu.memory_space<vmem>>
            %dma_wait3A_367 = arith.constant 0 : i32
            %dma_wait3A_368 = arith.constant 0 : i32
            %dma_wait3A_369 = tpu.memref_slice %arg11[%dma_wait3A_367, %dma_wait3A_368] : memref<10240x32xf32, #tpu.memory_space<vmem_shared>> -> memref<10240x32xf32, #tpu.memory_space<vmem_shared>>
            tpu.wait_indirect_dma semaphore(%arg14 : memref<!tpu.dma_semaphore, #tpu.memory_space<semaphore_mem>>) src(%dma_wait3A_365 : memref<80x32xf32, #tpu.memory_space<vmem>>) dst(%dma_wait3A_369 : memref<10240x32xf32, #tpu.memory_space<vmem_shared>>)
            %dma_wait3A_370 = tpu.memref_slice %arg8[%mul3A_362] : memref<4000xi32, #tpu.memory_space<vmem>> -> memref<80xi32, #tpu.memory_space<vmem>>
            %dma_wait3A_371 = arith.constant 0 : i32
            %dma_wait3A_372 = arith.constant 0 : i32
            %dma_wait3A_373 = tpu.memref_slice %arg12[%dma_wait3A_371, %dma_wait3A_372] : memref<10240x32xf32, #tpu.memory_space<vmem_shared>> -> memref<10240x32xf32, #tpu.memory_space<vmem_shared>>
            tpu.wait_indirect_dma semaphore(%arg14 : memref<!tpu.dma_semaphore, #tpu.memory_space<semaphore_mem>>) src(%arg10 : memref<80x32xf32, #tpu.memory_space<vmem>>) dst(%dma_wait3A_373 : memref<10240x32xf32, #tpu.memory_space<vmem_shared>>)
            %mul3A_374 = arith.constant 5 : i32
            %mul3A_375 = arith.muli %sub3A_280, %mul3A_374 : i32
            %add3A_376 = arith.constant 3 : i32
            %add3A_377 = arith.addi %mul3A_375, %add3A_376 : i32
            %mul3A_378 = arith.constant 80 : i32
            %mul3A_379 = arith.muli %add3A_377, %mul3A_378 : i32
            %dma_wait3A_380 = arith.constant 240 : i32
            %dma_wait3A_381 = arith.constant 0 : i32
            %dma_wait3A_382 = tpu.memref_slice %arg7[%dma_wait3A_380, %dma_wait3A_381] : memref<400x32xf32, #tpu.memory_space<vmem>> -> memref<80x32xf32, #tpu.memory_space<vmem>>
            %dma_wait3A_383 = tpu.memref_slice %arg8[%mul3A_379] : memref<4000xi32, #tpu.memory_space<vmem>> -> memref<80xi32, #tpu.memory_space<vmem>>
            %dma_wait3A_384 = arith.constant 0 : i32
            %dma_wait3A_385 = arith.constant 0 : i32
            %dma_wait3A_386 = tpu.memref_slice %arg11[%dma_wait3A_384, %dma_wait3A_385] : memref<10240x32xf32, #tpu.memory_space<vmem_shared>> -> memref<10240x32xf32, #tpu.memory_space<vmem_shared>>
            tpu.wait_indirect_dma semaphore(%arg14 : memref<!tpu.dma_semaphore, #tpu.memory_space<semaphore_mem>>) src(%dma_wait3A_382 : memref<80x32xf32, #tpu.memory_space<vmem>>) dst(%dma_wait3A_386 : memref<10240x32xf32, #tpu.memory_space<vmem_shared>>)
            %dma_wait3A_387 = tpu.memref_slice %arg8[%mul3A_379] : memref<4000xi32, #tpu.memory_space<vmem>> -> memref<80xi32, #tpu.memory_space<vmem>>
            %dma_wait3A_388 = arith.constant 0 : i32
            %dma_wait3A_389 = arith.constant 0 : i32
            %dma_wait3A_390 = tpu.memref_slice %arg12[%dma_wait3A_388, %dma_wait3A_389] : memref<10240x32xf32, #tpu.memory_space<vmem_shared>> -> memref<10240x32xf32, #tpu.memory_space<vmem_shared>>
            tpu.wait_indirect_dma semaphore(%arg14 : memref<!tpu.dma_semaphore, #tpu.memory_space<semaphore_mem>>) src(%arg10 : memref<80x32xf32, #tpu.memory_space<vmem>>) dst(%dma_wait3A_390 : memref<10240x32xf32, #tpu.memory_space<vmem_shared>>)
            %mul3A_391 = arith.constant 5 : i32
            %mul3A_392 = arith.muli %sub3A_280, %mul3A_391 : i32
            %add3A_393 = arith.constant 4 : i32
            %add3A_394 = arith.addi %mul3A_392, %add3A_393 : i32
            %mul3A_395 = arith.constant 80 : i32
            %mul3A_396 = arith.muli %add3A_394, %mul3A_395 : i32
            %dma_wait3A_397 = arith.constant 320 : i32
            %dma_wait3A_398 = arith.constant 0 : i32
            %dma_wait3A_399 = tpu.memref_slice %arg7[%dma_wait3A_397, %dma_wait3A_398] : memref<400x32xf32, #tpu.memory_space<vmem>> -> memref<80x32xf32, #tpu.memory_space<vmem>>
            %dma_wait3A_400 = tpu.memref_slice %arg8[%mul3A_396] : memref<4000xi32, #tpu.memory_space<vmem>> -> memref<80xi32, #tpu.memory_space<vmem>>
            %dma_wait3A_401 = arith.constant 0 : i32
            %dma_wait3A_402 = arith.constant 0 : i32
            %dma_wait3A_403 = tpu.memref_slice %arg11[%dma_wait3A_401, %dma_wait3A_402] : memref<10240x32xf32, #tpu.memory_space<vmem_shared>> -> memref<10240x32xf32, #tpu.memory_space<vmem_shared>>
            tpu.wait_indirect_dma semaphore(%arg14 : memref<!tpu.dma_semaphore, #tpu.memory_space<semaphore_mem>>) src(%dma_wait3A_399 : memref<80x32xf32, #tpu.memory_space<vmem>>) dst(%dma_wait3A_403 : memref<10240x32xf32, #tpu.memory_space<vmem_shared>>)
            %dma_wait3A_404 = tpu.memref_slice %arg8[%mul3A_396] : memref<4000xi32, #tpu.memory_space<vmem>> -> memref<80xi32, #tpu.memory_space<vmem>>
            %dma_wait3A_405 = arith.constant 0 : i32
            %dma_wait3A_406 = arith.constant 0 : i32
            %dma_wait3A_407 = tpu.memref_slice %arg12[%dma_wait3A_405, %dma_wait3A_406] : memref<10240x32xf32, #tpu.memory_space<vmem_shared>> -> memref<10240x32xf32, #tpu.memory_space<vmem_shared>>
            tpu.wait_indirect_dma semaphore(%arg14 : memref<!tpu.dma_semaphore, #tpu.memory_space<semaphore_mem>>) src(%arg10 : memref<80x32xf32, #tpu.memory_space<vmem>>) dst(%dma_wait3A_407 : memref<10240x32xf32, #tpu.memory_space<vmem_shared>>)
          } else {
          }
        } else {
        }
        %add3A_187 = arith.constant 1 : i32
        %add3A_188 = arith.addi %scan3A_133, %add3A_187 : i32
        %lt3A_189 = arith.constant 10 : i32
        %lt3A_190 = arith.cmpi slt, %add3A_188, %lt3A_189 : i32
        %convert_element_type3A_191 = arith.extui %lt3A_190 : i1 to i32
        %cond3A_192 = arith.constant 0 : i32
        %cond3A_193 = arith.cmpi ne, %convert_element_type3A_191, %cond3A_192 : i32
        scf.if %cond3A_193 {
          %add3A_279 = arith.constant 1 : i32
          %add3A_280 = arith.addi %scan3A_133, %add3A_279 : i32
          %mul3A_281 = arith.constant 4000 : i32
          %mul3A_282 = arith.muli %select_n3A_30, %mul3A_281 : i32
          %mul3A_283 = arith.constant 400 : i32
          %mul3A_284 = arith.muli %add3A_280, %mul3A_283 : i32
          %add3A_285 = arith.addi %mul3A_282, %mul3A_284 : i32
          %mul3A_286 = arith.constant 32 : i32
          %mul3A_287 = arith.muli %select_n3A, %mul3A_286 : i32
          %dma_start3A_288 = tpu.memref_slice %arg2[%add3A_285, %mul3A_287] : memref<32000x128xf32, #tpu.memory_space<hbm>> -> memref<400x32xf32, #tpu.memory_space<hbm>>
          %dma_start3A_289 = tpu.memref_slice %arg2[%add3A_285, %mul3A_287] : memref<32000x128xf32, #tpu.memory_space<hbm>> -> memref<400x32xf32, #tpu.memory_space<hbm>>
          tpu.enqueue_dma source(%dma_start3A_289 : memref<400x32xf32, #tpu.memory_space<hbm>>) target(%arg6 : memref<400x32xf32, #tpu.memory_space<vmem>>) target_semaphore(%arg13 : memref<!tpu.dma_semaphore, #tpu.memory_space<semaphore_mem>>)
        } else {
        }
        %mul3A_194 = arith.constant 5 : i32
        %mul3A_195 = arith.muli %scan3A_133, %mul3A_194 : i32
        %add3A_196 = arith.constant 0 : i32
        %add3A_197 = arith.addi %mul3A_195, %add3A_196 : i32
        %mul3A_198 = arith.constant 80 : i32
        %mul3A_199 = arith.muli %add3A_197, %mul3A_198 : i32
        %dma_start3A_200 = arith.constant 0 : i32
        %dma_start3A_201 = arith.constant 0 : i32
        %dma_start3A_202 = tpu.memref_slice %arg7[%dma_start3A_200, %dma_start3A_201] : memref<400x32xf32, #tpu.memory_space<vmem>> -> memref<80x32xf32, #tpu.memory_space<vmem>>
        %dma_start3A_203 = tpu.memref_slice %arg8[%mul3A_199] : memref<4000xi32, #tpu.memory_space<vmem>> -> memref<80xi32, #tpu.memory_space<vmem>>
        %dma_start3A_204 = arith.constant 0 : i32
        %dma_start3A_205 = arith.constant 0 : i32
        %dma_start3A_206 = tpu.memref_slice %arg11[%dma_start3A_204, %dma_start3A_205] : memref<10240x32xf32, #tpu.memory_space<vmem_shared>> -> memref<10240x32xf32, #tpu.memory_space<vmem_shared>>
        tpu.enqueue_indirect_dma source(%dma_start3A_202 : memref<80x32xf32, #tpu.memory_space<vmem>>) target(%dma_start3A_206 : memref<10240x32xf32, #tpu.memory_space<vmem_shared>>) offsets(%dma_start3A_203 : memref<80xi32, #tpu.memory_space<vmem>>) semaphore(%arg14 : memref<!tpu.dma_semaphore, #tpu.memory_space<semaphore_mem>>) {add = true}
        %dma_start3A_207 = tpu.memref_slice %arg8[%mul3A_199] : memref<4000xi32, #tpu.memory_space<vmem>> -> memref<80xi32, #tpu.memory_space<vmem>>
        %dma_start3A_208 = arith.constant 0 : i32
        %dma_start3A_209 = arith.constant 0 : i32
        %dma_start3A_210 = tpu.memref_slice %arg12[%dma_start3A_208, %dma_start3A_209] : memref<10240x32xf32, #tpu.memory_space<vmem_shared>> -> memref<10240x32xf32, #tpu.memory_space<vmem_shared>>
        tpu.enqueue_indirect_dma source(%arg10 : memref<80x32xf32, #tpu.memory_space<vmem>>) target(%dma_start3A_210 : memref<10240x32xf32, #tpu.memory_space<vmem_shared>>) offsets(%dma_start3A_207 : memref<80xi32, #tpu.memory_space<vmem>>) semaphore(%arg14 : memref<!tpu.dma_semaphore, #tpu.memory_space<semaphore_mem>>) {add = true}
        %mul3A_211 = arith.constant 5 : i32
        %mul3A_212 = arith.muli %scan3A_133, %mul3A_211 : i32
        %add3A_213 = arith.constant 1 : i32
        %add3A_214 = arith.addi %mul3A_212, %add3A_213 : i32
        %mul3A_215 = arith.constant 80 : i32
        %mul3A_216 = arith.muli %add3A_214, %mul3A_215 : i32
        %dma_start3A_217 = arith.constant 80 : i32
        %dma_start3A_218 = arith.constant 0 : i32
        %dma_start3A_219 = tpu.memref_slice %arg7[%dma_start3A_217, %dma_start3A_218] : memref<400x32xf32, #tpu.memory_space<vmem>> -> memref<80x32xf32, #tpu.memory_space<vmem>>
        %dma_start3A_220 = tpu.memref_slice %arg8[%mul3A_216] : memref<4000xi32, #tpu.memory_space<vmem>> -> memref<80xi32, #tpu.memory_space<vmem>>
        %dma_start3A_221 = arith.constant 0 : i32
        %dma_start3A_222 = arith.constant 0 : i32
        %dma_start3A_223 = tpu.memref_slice %arg11[%dma_start3A_221, %dma_start3A_222] : memref<10240x32xf32, #tpu.memory_space<vmem_shared>> -> memref<10240x32xf32, #tpu.memory_space<vmem_shared>>
        tpu.enqueue_indirect_dma source(%dma_start3A_219 : memref<80x32xf32, #tpu.memory_space<vmem>>) target(%dma_start3A_223 : memref<10240x32xf32, #tpu.memory_space<vmem_shared>>) offsets(%dma_start3A_220 : memref<80xi32, #tpu.memory_space<vmem>>) semaphore(%arg14 : memref<!tpu.dma_semaphore, #tpu.memory_space<semaphore_mem>>) {add = true}
        %dma_start3A_224 = tpu.memref_slice %arg8[%mul3A_216] : memref<4000xi32, #tpu.memory_space<vmem>> -> memref<80xi32, #tpu.memory_space<vmem>>
        %dma_start3A_225 = arith.constant 0 : i32
        %dma_start3A_226 = arith.constant 0 : i32
        %dma_start3A_227 = tpu.memref_slice %arg12[%dma_start3A_225, %dma_start3A_226] : memref<10240x32xf32, #tpu.memory_space<vmem_shared>> -> memref<10240x32xf32, #tpu.memory_space<vmem_shared>>
        tpu.enqueue_indirect_dma source(%arg10 : memref<80x32xf32, #tpu.memory_space<vmem>>) target(%dma_start3A_227 : memref<10240x32xf32, #tpu.memory_space<vmem_shared>>) offsets(%dma_start3A_224 : memref<80xi32, #tpu.memory_space<vmem>>) semaphore(%arg14 : memref<!tpu.dma_semaphore, #tpu.memory_space<semaphore_mem>>) {add = true}
        %mul3A_228 = arith.constant 5 : i32
        %mul3A_229 = arith.muli %scan3A_133, %mul3A_228 : i32
        %add3A_230 = arith.constant 2 : i32
        %add3A_231 = arith.addi %mul3A_229, %add3A_230 : i32
        %mul3A_232 = arith.constant 80 : i32
        %mul3A_233 = arith.muli %add3A_231, %mul3A_232 : i32
        %dma_start3A_234 = arith.constant 160 : i32
        %dma_start3A_235 = arith.constant 0 : i32
        %dma_start3A_236 = tpu.memref_slice %arg7[%dma_start3A_234, %dma_start3A_235] : memref<400x32xf32, #tpu.memory_space<vmem>> -> memref<80x32xf32, #tpu.memory_space<vmem>>
        %dma_start3A_237 = tpu.memref_slice %arg8[%mul3A_233] : memref<4000xi32, #tpu.memory_space<vmem>> -> memref<80xi32, #tpu.memory_space<vmem>>
        %dma_start3A_238 = arith.constant 0 : i32
        %dma_start3A_239 = arith.constant 0 : i32
        %dma_start3A_240 = tpu.memref_slice %arg11[%dma_start3A_238, %dma_start3A_239] : memref<10240x32xf32, #tpu.memory_space<vmem_shared>> -> memref<10240x32xf32, #tpu.memory_space<vmem_shared>>
        tpu.enqueue_indirect_dma source(%dma_start3A_236 : memref<80x32xf32, #tpu.memory_space<vmem>>) target(%dma_start3A_240 : memref<10240x32xf32, #tpu.memory_space<vmem_shared>>) offsets(%dma_start3A_237 : memref<80xi32, #tpu.memory_space<vmem>>) semaphore(%arg14 : memref<!tpu.dma_semaphore, #tpu.memory_space<semaphore_mem>>) {add = true}
        %dma_start3A_241 = tpu.memref_slice %arg8[%mul3A_233] : memref<4000xi32, #tpu.memory_space<vmem>> -> memref<80xi32, #tpu.memory_space<vmem>>
        %dma_start3A_242 = arith.constant 0 : i32
        %dma_start3A_243 = arith.constant 0 : i32
        %dma_start3A_244 = tpu.memref_slice %arg12[%dma_start3A_242, %dma_start3A_243] : memref<10240x32xf32, #tpu.memory_space<vmem_shared>> -> memref<10240x32xf32, #tpu.memory_space<vmem_shared>>
        tpu.enqueue_indirect_dma source(%arg10 : memref<80x32xf32, #tpu.memory_space<vmem>>) target(%dma_start3A_244 : memref<10240x32xf32, #tpu.memory_space<vmem_shared>>) offsets(%dma_start3A_241 : memref<80xi32, #tpu.memory_space<vmem>>) semaphore(%arg14 : memref<!tpu.dma_semaphore, #tpu.memory_space<semaphore_mem>>) {add = true}
        %mul3A_245 = arith.constant 5 : i32
        %mul3A_246 = arith.muli %scan3A_133, %mul3A_245 : i32
        %add3A_247 = arith.constant 3 : i32
        %add3A_248 = arith.addi %mul3A_246, %add3A_247 : i32
        %mul3A_249 = arith.constant 80 : i32
        %mul3A_250 = arith.muli %add3A_248, %mul3A_249 : i32
        %dma_start3A_251 = arith.constant 240 : i32
        %dma_start3A_252 = arith.constant 0 : i32
        %dma_start3A_253 = tpu.memref_slice %arg7[%dma_start3A_251, %dma_start3A_252] : memref<400x32xf32, #tpu.memory_space<vmem>> -> memref<80x32xf32, #tpu.memory_space<vmem>>
        %dma_start3A_254 = tpu.memref_slice %arg8[%mul3A_250] : memref<4000xi32, #tpu.memory_space<vmem>> -> memref<80xi32, #tpu.memory_space<vmem>>
        %dma_start3A_255 = arith.constant 0 : i32
        %dma_start3A_256 = arith.constant 0 : i32
        %dma_start3A_257 = tpu.memref_slice %arg11[%dma_start3A_255, %dma_start3A_256] : memref<10240x32xf32, #tpu.memory_space<vmem_shared>> -> memref<10240x32xf32, #tpu.memory_space<vmem_shared>>
        tpu.enqueue_indirect_dma source(%dma_start3A_253 : memref<80x32xf32, #tpu.memory_space<vmem>>) target(%dma_start3A_257 : memref<10240x32xf32, #tpu.memory_space<vmem_shared>>) offsets(%dma_start3A_254 : memref<80xi32, #tpu.memory_space<vmem>>) semaphore(%arg14 : memref<!tpu.dma_semaphore, #tpu.memory_space<semaphore_mem>>) {add = true}
        %dma_start3A_258 = tpu.memref_slice %arg8[%mul3A_250] : memref<4000xi32, #tpu.memory_space<vmem>> -> memref<80xi32, #tpu.memory_space<vmem>>
        %dma_start3A_259 = arith.constant 0 : i32
        %dma_start3A_260 = arith.constant 0 : i32
        %dma_start3A_261 = tpu.memref_slice %arg12[%dma_start3A_259, %dma_start3A_260] : memref<10240x32xf32, #tpu.memory_space<vmem_shared>> -> memref<10240x32xf32, #tpu.memory_space<vmem_shared>>
        tpu.enqueue_indirect_dma source(%arg10 : memref<80x32xf32, #tpu.memory_space<vmem>>) target(%dma_start3A_261 : memref<10240x32xf32, #tpu.memory_space<vmem_shared>>) offsets(%dma_start3A_258 : memref<80xi32, #tpu.memory_space<vmem>>) semaphore(%arg14 : memref<!tpu.dma_semaphore, #tpu.memory_space<semaphore_mem>>) {add = true}
        %mul3A_262 = arith.constant 5 : i32
        %mul3A_263 = arith.muli %scan3A_133, %mul3A_262 : i32
        %add3A_264 = arith.constant 4 : i32
        %add3A_265 = arith.addi %mul3A_263, %add3A_264 : i32
        %mul3A_266 = arith.constant 80 : i32
        %mul3A_267 = arith.muli %add3A_265, %mul3A_266 : i32
        %dma_start3A_268 = arith.constant 320 : i32
        %dma_start3A_269 = arith.constant 0 : i32
        %dma_start3A_270 = tpu.memref_slice %arg7[%dma_start3A_268, %dma_start3A_269] : memref<400x32xf32, #tpu.memory_space<vmem>> -> memref<80x32xf32, #tpu.memory_space<vmem>>
        %dma_start3A_271 = tpu.memref_slice %arg8[%mul3A_267] : memref<4000xi32, #tpu.memory_space<vmem>> -> memref<80xi32, #tpu.memory_space<vmem>>
        %dma_start3A_272 = arith.constant 0 : i32
        %dma_start3A_273 = arith.constant 0 : i32
        %dma_start3A_274 = tpu.memref_slice %arg11[%dma_start3A_272, %dma_start3A_273] : memref<10240x32xf32, #tpu.memory_space<vmem_shared>> -> memref<10240x32xf32, #tpu.memory_space<vmem_shared>>
        tpu.enqueue_indirect_dma source(%dma_start3A_270 : memref<80x32xf32, #tpu.memory_space<vmem>>) target(%dma_start3A_274 : memref<10240x32xf32, #tpu.memory_space<vmem_shared>>) offsets(%dma_start3A_271 : memref<80xi32, #tpu.memory_space<vmem>>) semaphore(%arg14 : memref<!tpu.dma_semaphore, #tpu.memory_space<semaphore_mem>>) {add = true}
        %dma_start3A_275 = tpu.memref_slice %arg8[%mul3A_267] : memref<4000xi32, #tpu.memory_space<vmem>> -> memref<80xi32, #tpu.memory_space<vmem>>
        %dma_start3A_276 = arith.constant 0 : i32
        %dma_start3A_277 = arith.constant 0 : i32
        %dma_start3A_278 = tpu.memref_slice %arg12[%dma_start3A_276, %dma_start3A_277] : memref<10240x32xf32, #tpu.memory_space<vmem_shared>> -> memref<10240x32xf32, #tpu.memory_space<vmem_shared>>
        tpu.enqueue_indirect_dma source(%arg10 : memref<80x32xf32, #tpu.memory_space<vmem>>) target(%dma_start3A_278 : memref<10240x32xf32, #tpu.memory_space<vmem_shared>>) offsets(%dma_start3A_275 : memref<80xi32, #tpu.memory_space<vmem>>) semaphore(%arg14 : memref<!tpu.dma_semaphore, #tpu.memory_space<semaphore_mem>>) {add = true}
      } else {
      }
    }
    %scan3A_59 = arith.constant 10 : i32
    %dma_wait3A = arith.constant 0 : i32
    %dma_wait3A_60 = arith.constant 0 : i32
    %dma_wait3A_61 = tpu.memref_slice %arg7[%dma_wait3A, %dma_wait3A_60] : memref<400x32xf32, #tpu.memory_space<vmem>> -> memref<80x32xf32, #tpu.memory_space<vmem>>
    %dma_wait3A_62 = arith.constant 3600 : i32
    %dma_wait3A_63 = tpu.memref_slice %arg8[%dma_wait3A_62] : memref<4000xi32, #tpu.memory_space<vmem>> -> memref<80xi32, #tpu.memory_space<vmem>>
    %dma_wait3A_64 = arith.constant 0 : i32
    %dma_wait3A_65 = arith.constant 0 : i32
    %dma_wait3A_66 = tpu.memref_slice %arg11[%dma_wait3A_64, %dma_wait3A_65] : memref<10240x32xf32, #tpu.memory_space<vmem_shared>> -> memref<10240x32xf32, #tpu.memory_space<vmem_shared>>
    tpu.wait_indirect_dma semaphore(%arg14 : memref<!tpu.dma_semaphore, #tpu.memory_space<semaphore_mem>>) src(%dma_wait3A_61 : memref<80x32xf32, #tpu.memory_space<vmem>>) dst(%dma_wait3A_66 : memref<10240x32xf32, #tpu.memory_space<vmem_shared>>)
    %dma_wait3A_67 = arith.constant 3600 : i32
    %dma_wait3A_68 = tpu.memref_slice %arg8[%dma_wait3A_67] : memref<4000xi32, #tpu.memory_space<vmem>> -> memref<80xi32, #tpu.memory_space<vmem>>
    %dma_wait3A_69 = arith.constant 0 : i32
    %dma_wait3A_70 = arith.constant 0 : i32
    %dma_wait3A_71 = tpu.memref_slice %arg12[%dma_wait3A_69, %dma_wait3A_70] : memref<10240x32xf32, #tpu.memory_space<vmem_shared>> -> memref<10240x32xf32, #tpu.memory_space<vmem_shared>>
    tpu.wait_indirect_dma semaphore(%arg14 : memref<!tpu.dma_semaphore, #tpu.memory_space<semaphore_mem>>) src(%arg10 : memref<80x32xf32, #tpu.memory_space<vmem>>) dst(%dma_wait3A_71 : memref<10240x32xf32, #tpu.memory_space<vmem_shared>>)
    %dma_wait3A_72 = arith.constant 80 : i32
    %dma_wait3A_73 = arith.constant 0 : i32
    %dma_wait3A_74 = tpu.memref_slice %arg7[%dma_wait3A_72, %dma_wait3A_73] : memref<400x32xf32, #tpu.memory_space<vmem>> -> memref<80x32xf32, #tpu.memory_space<vmem>>
    %dma_wait3A_75 = arith.constant 3680 : i32
    %dma_wait3A_76 = tpu.memref_slice %arg8[%dma_wait3A_75] : memref<4000xi32, #tpu.memory_space<vmem>> -> memref<80xi32, #tpu.memory_space<vmem>>
    %dma_wait3A_77 = arith.constant 0 : i32
    %dma_wait3A_78 = arith.constant 0 : i32
    %dma_wait3A_79 = tpu.memref_slice %arg11[%dma_wait3A_77, %dma_wait3A_78] : memref<10240x32xf32, #tpu.memory_space<vmem_shared>> -> memref<10240x32xf32, #tpu.memory_space<vmem_shared>>
    tpu.wait_indirect_dma semaphore(%arg14 : memref<!tpu.dma_semaphore, #tpu.memory_space<semaphore_mem>>) src(%dma_wait3A_74 : memref<80x32xf32, #tpu.memory_space<vmem>>) dst(%dma_wait3A_79 : memref<10240x32xf32, #tpu.memory_space<vmem_shared>>)
    %dma_wait3A_80 = arith.constant 3680 : i32
    %dma_wait3A_81 = tpu.memref_slice %arg8[%dma_wait3A_80] : memref<4000xi32, #tpu.memory_space<vmem>> -> memref<80xi32, #tpu.memory_space<vmem>>
    %dma_wait3A_82 = arith.constant 0 : i32
    %dma_wait3A_83 = arith.constant 0 : i32
    %dma_wait3A_84 = tpu.memref_slice %arg12[%dma_wait3A_82, %dma_wait3A_83] : memref<10240x32xf32, #tpu.memory_space<vmem_shared>> -> memref<10240x32xf32, #tpu.memory_space<vmem_shared>>
    tpu.wait_indirect_dma semaphore(%arg14 : memref<!tpu.dma_semaphore, #tpu.memory_space<semaphore_mem>>) src(%arg10 : memref<80x32xf32, #tpu.memory_space<vmem>>) dst(%dma_wait3A_84 : memref<10240x32xf32, #tpu.memory_space<vmem_shared>>)
    %dma_wait3A_85 = arith.constant 160 : i32
    %dma_wait3A_86 = arith.constant 0 : i32
    %dma_wait3A_87 = tpu.memref_slice %arg7[%dma_wait3A_85, %dma_wait3A_86] : memref<400x32xf32, #tpu.memory_space<vmem>> -> memref<80x32xf32, #tpu.memory_space<vmem>>
    %dma_wait3A_88 = arith.constant 3760 : i32
    %dma_wait3A_89 = tpu.memref_slice %arg8[%dma_wait3A_88] : memref<4000xi32, #tpu.memory_space<vmem>> -> memref<80xi32, #tpu.memory_space<vmem>>
    %dma_wait3A_90 = arith.constant 0 : i32
    %dma_wait3A_91 = arith.constant 0 : i32
    %dma_wait3A_92 = tpu.memref_slice %arg11[%dma_wait3A_90, %dma_wait3A_91] : memref<10240x32xf32, #tpu.memory_space<vmem_shared>> -> memref<10240x32xf32, #tpu.memory_space<vmem_shared>>
    tpu.wait_indirect_dma semaphore(%arg14 : memref<!tpu.dma_semaphore, #tpu.memory_space<semaphore_mem>>) src(%dma_wait3A_87 : memref<80x32xf32, #tpu.memory_space<vmem>>) dst(%dma_wait3A_92 : memref<10240x32xf32, #tpu.memory_space<vmem_shared>>)
    %dma_wait3A_93 = arith.constant 3760 : i32
    %dma_wait3A_94 = tpu.memref_slice %arg8[%dma_wait3A_93] : memref<4000xi32, #tpu.memory_space<vmem>> -> memref<80xi32, #tpu.memory_space<vmem>>
    %dma_wait3A_95 = arith.constant 0 : i32
    %dma_wait3A_96 = arith.constant 0 : i32
    %dma_wait3A_97 = tpu.memref_slice %arg12[%dma_wait3A_95, %dma_wait3A_96] : memref<10240x32xf32, #tpu.memory_space<vmem_shared>> -> memref<10240x32xf32, #tpu.memory_space<vmem_shared>>
    tpu.wait_indirect_dma semaphore(%arg14 : memref<!tpu.dma_semaphore, #tpu.memory_space<semaphore_mem>>) src(%arg10 : memref<80x32xf32, #tpu.memory_space<vmem>>) dst(%dma_wait3A_97 : memref<10240x32xf32, #tpu.memory_space<vmem_shared>>)
    %dma_wait3A_98 = arith.constant 240 : i32
    %dma_wait3A_99 = arith.constant 0 : i32
    %dma_wait3A_100 = tpu.memref_slice %arg7[%dma_wait3A_98, %dma_wait3A_99] : memref<400x32xf32, #tpu.memory_space<vmem>> -> memref<80x32xf32, #tpu.memory_space<vmem>>
    %dma_wait3A_101 = arith.constant 3840 : i32
    %dma_wait3A_102 = tpu.memref_slice %arg8[%dma_wait3A_101] : memref<4000xi32, #tpu.memory_space<vmem>> -> memref<80xi32, #tpu.memory_space<vmem>>
    %dma_wait3A_103 = arith.constant 0 : i32
    %dma_wait3A_104 = arith.constant 0 : i32
    %dma_wait3A_105 = tpu.memref_slice %arg11[%dma_wait3A_103, %dma_wait3A_104] : memref<10240x32xf32, #tpu.memory_space<vmem_shared>> -> memref<10240x32xf32, #tpu.memory_space<vmem_shared>>
    tpu.wait_indirect_dma semaphore(%arg14 : memref<!tpu.dma_semaphore, #tpu.memory_space<semaphore_mem>>) src(%dma_wait3A_100 : memref<80x32xf32, #tpu.memory_space<vmem>>) dst(%dma_wait3A_105 : memref<10240x32xf32, #tpu.memory_space<vmem_shared>>)
    %dma_wait3A_106 = arith.constant 3840 : i32
    %dma_wait3A_107 = tpu.memref_slice %arg8[%dma_wait3A_106] : memref<4000xi32, #tpu.memory_space<vmem>> -> memref<80xi32, #tpu.memory_space<vmem>>
    %dma_wait3A_108 = arith.constant 0 : i32
    %dma_wait3A_109 = arith.constant 0 : i32
    %dma_wait3A_110 = tpu.memref_slice %arg12[%dma_wait3A_108, %dma_wait3A_109] : memref<10240x32xf32, #tpu.memory_space<vmem_shared>> -> memref<10240x32xf32, #tpu.memory_space<vmem_shared>>
    tpu.wait_indirect_dma semaphore(%arg14 : memref<!tpu.dma_semaphore, #tpu.memory_space<semaphore_mem>>) src(%arg10 : memref<80x32xf32, #tpu.memory_space<vmem>>) dst(%dma_wait3A_110 : memref<10240x32xf32, #tpu.memory_space<vmem_shared>>)
    %dma_wait3A_111 = arith.constant 320 : i32
    %dma_wait3A_112 = arith.constant 0 : i32
    %dma_wait3A_113 = tpu.memref_slice %arg7[%dma_wait3A_111, %dma_wait3A_112] : memref<400x32xf32, #tpu.memory_space<vmem>> -> memref<80x32xf32, #tpu.memory_space<vmem>>
    %dma_wait3A_114 = arith.constant 3920 : i32
    %dma_wait3A_115 = tpu.memref_slice %arg8[%dma_wait3A_114] : memref<4000xi32, #tpu.memory_space<vmem>> -> memref<80xi32, #tpu.memory_space<vmem>>
    %dma_wait3A_116 = arith.constant 0 : i32
    %dma_wait3A_117 = arith.constant 0 : i32
    %dma_wait3A_118 = tpu.memref_slice %arg11[%dma_wait3A_116, %dma_wait3A_117] : memref<10240x32xf32, #tpu.memory_space<vmem_shared>> -> memref<10240x32xf32, #tpu.memory_space<vmem_shared>>
    tpu.wait_indirect_dma semaphore(%arg14 : memref<!tpu.dma_semaphore, #tpu.memory_space<semaphore_mem>>) src(%dma_wait3A_113 : memref<80x32xf32, #tpu.memory_space<vmem>>) dst(%dma_wait3A_118 : memref<10240x32xf32, #tpu.memory_space<vmem_shared>>)
    %dma_wait3A_119 = arith.constant 3920 : i32
    %dma_wait3A_120 = tpu.memref_slice %arg8[%dma_wait3A_119] : memref<4000xi32, #tpu.memory_space<vmem>> -> memref<80xi32, #tpu.memory_space<vmem>>
    %dma_wait3A_121 = arith.constant 0 : i32
    %dma_wait3A_122 = arith.constant 0 : i32
    %dma_wait3A_123 = tpu.memref_slice %arg12[%dma_wait3A_121, %dma_wait3A_122] : memref<10240x32xf32, #tpu.memory_space<vmem_shared>> -> memref<10240x32xf32, #tpu.memory_space<vmem_shared>>
    tpu.wait_indirect_dma semaphore(%arg14 : memref<!tpu.dma_semaphore, #tpu.memory_space<semaphore_mem>>) src(%arg10 : memref<80x32xf32, #tpu.memory_space<vmem>>) dst(%dma_wait3A_123 : memref<10240x32xf32, #tpu.memory_space<vmem_shared>>)
    %barrier3A_124 = arith.constant 0 : index
    tpu.barrier barrier_id(%barrier3A_124)
    %mul3A_125 = arith.constant 640 : i32
    %mul3A_126 = arith.muli %arg1, %mul3A_125 : i32
    %mul3A_127 = arith.constant 640 : i32
    %mul3A_128 = arith.muli %arg1, %mul3A_127 : i32
    "tpu.region"() ({
      %run_scoped3A = tpu.sem_alloc : memref<!tpu.dma_semaphore, #tpu.memory_space<semaphore_mem>>
      %dma_start3A_133 = arith.constant 0 : i32
      %dma_start3A_134 = tpu.memref_slice %arg4[%arg0, %mul3A_128, %dma_start3A_133] : memref<2x10240x32xf32, #tpu.memory_space<hbm>> -> memref<1x640x32xf32, #tpu.memory_space<hbm>>
      %dma_start3A_135 = tpu.memref_squeeze %dma_start3A_134 : memref<1x640x32xf32, #tpu.memory_space<hbm>> -> memref<640x32xf32, #tpu.memory_space<hbm>>
      %dma_start3A_136 = arith.constant 0 : i32
      %dma_start3A_137 = tpu.memref_slice %arg11[%mul3A_126, %dma_start3A_136] : memref<10240x32xf32, #tpu.memory_space<vmem_shared>> -> memref<640x32xf32, #tpu.memory_space<vmem_shared>>
      tpu.enqueue_dma source(%dma_start3A_137 : memref<640x32xf32, #tpu.memory_space<vmem_shared>>) target(%dma_start3A_135 : memref<640x32xf32, #tpu.memory_space<hbm>>) target_semaphore(%run_scoped3A : memref<!tpu.dma_semaphore, #tpu.memory_space<semaphore_mem>>)
      %dma_wait3A_138 = arith.constant 0 : i32
      %dma_wait3A_139 = tpu.memref_slice %arg4[%arg0, %mul3A_128, %dma_wait3A_138] : memref<2x10240x32xf32, #tpu.memory_space<hbm>> -> memref<1x640x32xf32, #tpu.memory_space<hbm>>
      %dma_wait3A_140 = tpu.memref_squeeze %dma_wait3A_139 : memref<1x640x32xf32, #tpu.memory_space<hbm>> -> memref<640x32xf32, #tpu.memory_space<hbm>>
      %dma_wait3A_141 = arith.constant 0 : i32
      %dma_wait3A_142 = tpu.memref_slice %arg11[%mul3A_126, %dma_wait3A_141] : memref<10240x32xf32, #tpu.memory_space<vmem_shared>> -> memref<640x32xf32, #tpu.memory_space<vmem_shared>>
      tpu.wait_dma2 semaphore(%run_scoped3A : memref<!tpu.dma_semaphore, #tpu.memory_space<semaphore_mem>>) src(%dma_wait3A_142 : memref<640x32xf32, #tpu.memory_space<vmem_shared>>) dst(%dma_wait3A_140 : memref<640x32xf32, #tpu.memory_space<hbm>>)
      tpu.yield
    }) : () -> ()
    %mul3A_129 = arith.constant 640 : i32
    %mul3A_130 = arith.muli %arg1, %mul3A_129 : i32
    %mul3A_131 = arith.constant 640 : i32
    %mul3A_132 = arith.muli %arg1, %mul3A_131 : i32
    "tpu.region"() ({
      %run_scoped3A = tpu.sem_alloc : memref<!tpu.dma_semaphore, #tpu.memory_space<semaphore_mem>>
      %dma_start3A_133 = arith.constant 0 : i32
      %dma_start3A_134 = tpu.memref_slice %arg5[%arg0, %mul3A_132, %dma_start3A_133] : memref<2x10240x32xf32, #tpu.memory_space<hbm>> -> memref<1x640x32xf32, #tpu.memory_space<hbm>>
      %dma_start3A_135 = tpu.memref_squeeze %dma_start3A_134 : memref<1x640x32xf32, #tpu.memory_space<hbm>> -> memref<640x32xf32, #tpu.memory_space<hbm>>
      %dma_start3A_136 = arith.constant 0 : i32
      %dma_start3A_137 = tpu.memref_slice %arg12[%mul3A_130, %dma_start3A_136] : memref<10240x32xf32, #tpu.memory_space<vmem_shared>> -> memref<640x32xf32, #tpu.memory_space<vmem_shared>>
      tpu.enqueue_dma source(%dma_start3A_137 : memref<640x32xf32, #tpu.memory_space<vmem_shared>>) target(%dma_start3A_135 : memref<640x32xf32, #tpu.memory_space<hbm>>) target_semaphore(%run_scoped3A : memref<!tpu.dma_semaphore, #tpu.memory_space<semaphore_mem>>)
      %dma_wait3A_138 = arith.constant 0 : i32
      %dma_wait3A_139 = tpu.memref_slice %arg5[%arg0, %mul3A_132, %dma_wait3A_138] : memref<2x10240x32xf32, #tpu.memory_space<hbm>> -> memref<1x640x32xf32, #tpu.memory_space<hbm>>
      %dma_wait3A_140 = tpu.memref_squeeze %dma_wait3A_139 : memref<1x640x32xf32, #tpu.memory_space<hbm>> -> memref<640x32xf32, #tpu.memory_space<hbm>>
      %dma_wait3A_141 = arith.constant 0 : i32
      %dma_wait3A_142 = tpu.memref_slice %arg12[%mul3A_130, %dma_wait3A_141] : memref<10240x32xf32, #tpu.memory_space<vmem_shared>> -> memref<640x32xf32, #tpu.memory_space<vmem_shared>>
      tpu.wait_dma2 semaphore(%run_scoped3A : memref<!tpu.dma_semaphore, #tpu.memory_space<semaphore_mem>>) src(%dma_wait3A_142 : memref<640x32xf32, #tpu.memory_space<vmem_shared>>) dst(%dma_wait3A_140 : memref<640x32xf32, #tpu.memory_space<hbm>>)
      tpu.yield
    }) : () -> ()
    return
  }
}

#map = affine_map<(d0, d1) -> (0, 0)>
#map1 = affine_map<(d0, d1) -> (0)>
#map2 = affine_map<(d0, d1) -> (0, 0, 0)>
module attributes {stable_mosaic.version = 14 : i64} {
  func.func @body(%arg0: i32, %arg1: i32, %arg2: memref<48000x128xf32, #tpu.memory_space<hbm>>, %arg3: memref<320000xi32, #tpu.memory_space<hbm>>, %arg4: memref<2x10240x32xf32, #tpu.memory_space<hbm>>, %arg5: memref<2x10240x32xf32, #tpu.memory_space<hbm>>, %arg6: memref<400x32xf32, #tpu.memory_space<vmem>>, %arg7: memref<400x32xf32, #tpu.memory_space<vmem>>, %arg8: memref<6000xi32, #tpu.memory_space<vmem>>, %arg9: memref<640x32xf32, #tpu.memory_space<vmem>>, %arg10: memref<80x32xf32, #tpu.memory_space<vmem>>, %arg11: memref<10240x32xf32, #tpu.memory_space<vmem_shared>>, %arg12: memref<10240x32xf32, #tpu.memory_space<vmem_shared>>, %arg13: memref<!tpu.dma_semaphore, #tpu.memory_space<semaphore_mem>>, %arg14: memref<!tpu.dma_semaphore, #tpu.memory_space<semaphore_mem>>) attributes {dimension_semantics = [#tpu.dimension_semantics<core_parallel>, #tpu.dimension_semantics<subcore_parallel>], iteration_bounds = array<i64: 2, 16>, scalar_prefetch = 0 : i64, scratch_operands = 9 : i64, tpu.core_type = #tpu.core_type<sc_vector_subcore>, window_params = [{transform_indices = #map}, {transform_indices = #map1}, {transform_indices = #map2}, {transform_indices = #map2}]} {
    %mul3A = arith.constant 2 : i32
    %mul3A_0 = arith.muli %arg1, %mul3A : i32
    %add3A = arith.addi %mul3A_0, %arg0 : i32
    %jit3A = arith.constant 8 : i32
    %div3A = arith.divsi %add3A, %jit3A : i32
    %sign3A = arith.constant 0 : i32
    %sign3A_1 = arith.cmpi sgt, %add3A, %sign3A : i32
    %sign3A_2 = arith.extui %sign3A_1 : i1 to i32
    %sign3A_3 = arith.constant 0 : i32
    %sign3A_4 = arith.cmpi slt, %add3A, %sign3A_3 : i32
    %sign3A_5 = arith.extui %sign3A_4 : i1 to i32
    %sign3A_6 = arith.subi %sign3A_2, %sign3A_5 : i32
    %sign3A_7 = arith.constant 0 : i32
    %sign3A_8 = arith.cmpi sgt, %jit3A, %sign3A_7 : i32
    %sign3A_9 = arith.extui %sign3A_8 : i1 to i32
    %sign3A_10 = arith.constant 0 : i32
    %sign3A_11 = arith.cmpi slt, %jit3A, %sign3A_10 : i32
    %sign3A_12 = arith.extui %sign3A_11 : i1 to i32
    %sign3A_13 = arith.subi %sign3A_9, %sign3A_12 : i32
    %ne3A = arith.cmpi ne, %sign3A_6, %sign3A_13 : i32
    %rem3A = arith.remsi %add3A, %jit3A : i32
    %ne3A_14 = arith.constant 0 : i32
    %ne3A_15 = arith.cmpi ne, %rem3A, %ne3A_14 : i32
    %and3A = arith.andi %ne3A, %ne3A_15 : i1
    %sub3A = arith.constant 1 : i32
    %sub3A_16 = arith.subi %div3A, %sub3A : i32
    %select_n3A = arith.select %and3A, %sub3A_16, %div3A : i32
    %jit3A_17 = arith.constant 8 : i32
    %eq3A = arith.constant 0 : i32
    %eq3A_18 = arith.cmpi eq, %jit3A_17, %eq3A : i32
    %jit3A_19 = arith.constant 1 : i32
    %select_n3A_20 = arith.select %eq3A_18, %jit3A_19, %jit3A_17 : i32
    %rem3A_21 = arith.remsi %add3A, %select_n3A_20 : i32
    %ne3A_22 = arith.constant 0 : i32
    %ne3A_23 = arith.cmpi ne, %rem3A_21, %ne3A_22 : i32
    %lt3A = arith.constant 0 : i32
    %lt3A_24 = arith.cmpi slt, %rem3A_21, %lt3A : i32
    %lt3A_25 = arith.constant 0 : i32
    %lt3A_26 = arith.cmpi slt, %select_n3A_20, %lt3A_25 : i32
    %ne3A_27 = arith.xori %lt3A_24, %lt3A_26 : i1
    %and3A_28 = arith.andi %ne3A_27, %ne3A_23 : i1
    %add3A_29 = arith.addi %rem3A_21, %select_n3A_20 : i32
    %select_n3A_30 = arith.select %and3A_28, %add3A_29, %rem3A_21 : i32
    %scan3A = arith.constant 0 : i32
    %scan3A_31 = arith.constant 640 : i32
    %scan3A_32 = arith.addi %scan3A, %scan3A_31 : i32
    %scan3A_33 = arith.constant 1 : i32
    scf.for %scan3A_133 = %scan3A to %scan3A_32 step %scan3A_33  : i32 {
      %broadcast_in_dim3A = arith.constant 0.000000e+00 : f32
      %broadcast_in_dim3A_134 = vector.broadcast %broadcast_in_dim3A : f32 to vector<16xf32>
      %swap3A = arith.index_cast %scan3A_133 : i32 to index
      %swap3A_135 = arith.constant 0 : index
      %swap3A_136 = tpu.vector_load %arg9[%swap3A, %swap3A_135] {strides = array<i32>} : memref<640x32xf32, #tpu.memory_space<vmem>>, vector<1x16xf32>,
      %swap3A_137 = vector.shape_cast %swap3A_136 : vector<1x16xf32> to vector<16xf32>
      %swap3A_138 = vector.shape_cast %broadcast_in_dim3A_134 : vector<16xf32> to vector<1x16xf32>
      tpu.vector_store %arg9[%swap3A, %swap3A_135], %swap3A_138 {strides = array<i32>} : memref<640x32xf32, #tpu.memory_space<vmem>>, vector<1x16xf32>,
      %broadcast_in_dim3A_139 = arith.constant 0.000000e+00 : f32
      %broadcast_in_dim3A_140 = vector.broadcast %broadcast_in_dim3A_139 : f32 to vector<16xf32>
      %swap3A_141 = arith.index_cast %scan3A_133 : i32 to index
      %swap3A_142 = arith.constant 16 : index
      %swap3A_143 = tpu.vector_load %arg9[%swap3A_141, %swap3A_142] {strides = array<i32>} : memref<640x32xf32, #tpu.memory_space<vmem>>, vector<1x16xf32>,
      %swap3A_144 = vector.shape_cast %swap3A_143 : vector<1x16xf32> to vector<16xf32>
      %swap3A_145 = vector.shape_cast %broadcast_in_dim3A_140 : vector<16xf32> to vector<1x16xf32>
      tpu.vector_store %arg9[%swap3A_141, %swap3A_142], %swap3A_145 {strides = array<i32>} : memref<640x32xf32, #tpu.memory_space<vmem>>, vector<1x16xf32>,
    }
    %scan3A_34 = arith.constant 640 : i32
    %scan3A_35 = arith.constant 0 : i32
    %scan3A_36 = arith.constant 80 : i32
    %scan3A_37 = arith.addi %scan3A_35, %scan3A_36 : i32
    %scan3A_38 = arith.constant 1 : i32
    scf.for %scan3A_133 = %scan3A_35 to %scan3A_37 step %scan3A_38  : i32 {
      %broadcast_in_dim3A = arith.constant 1.000000e+00 : f32
      %broadcast_in_dim3A_134 = vector.broadcast %broadcast_in_dim3A : f32 to vector<16xf32>
      %swap3A = arith.index_cast %scan3A_133 : i32 to index
      %swap3A_135 = arith.constant 0 : index
      %swap3A_136 = tpu.vector_load %arg10[%swap3A, %swap3A_135] {strides = array<i32>} : memref<80x32xf32, #tpu.memory_space<vmem>>, vector<1x16xf32>,
      %swap3A_137 = vector.shape_cast %swap3A_136 : vector<1x16xf32> to vector<16xf32>
      %swap3A_138 = vector.shape_cast %broadcast_in_dim3A_134 : vector<16xf32> to vector<1x16xf32>
      tpu.vector_store %arg10[%swap3A, %swap3A_135], %swap3A_138 {strides = array<i32>} : memref<80x32xf32, #tpu.memory_space<vmem>>, vector<1x16xf32>,
      %broadcast_in_dim3A_139 = arith.constant 1.000000e+00 : f32
      %broadcast_in_dim3A_140 = vector.broadcast %broadcast_in_dim3A_139 : f32 to vector<16xf32>
      %swap3A_141 = arith.index_cast %scan3A_133 : i32 to index
      %swap3A_142 = arith.constant 16 : index
      %swap3A_143 = tpu.vector_load %arg10[%swap3A_141, %swap3A_142] {strides = array<i32>} : memref<80x32xf32, #tpu.memory_space<vmem>>, vector<1x16xf32>,
      %swap3A_144 = vector.shape_cast %swap3A_143 : vector<1x16xf32> to vector<16xf32>
      %swap3A_145 = vector.shape_cast %broadcast_in_dim3A_140 : vector<16xf32> to vector<1x16xf32>
      tpu.vector_store %arg10[%swap3A_141, %swap3A_142], %swap3A_145 {strides = array<i32>} : memref<80x32xf32, #tpu.memory_space<vmem>>, vector<1x16xf32>,
    }
    %scan3A_39 = arith.constant 80 : i32
    %mul3A_40 = arith.constant 640 : i32
    %mul3A_41 = arith.muli %arg1, %mul3A_40 : i32
    "tpu.region"() ({
      %run_scoped3A = tpu.sem_alloc : memref<!tpu.dma_semaphore, #tpu.memory_space<semaphore_mem>>
      %dma_start3A_133 = arith.constant 0 : i32
      %dma_start3A_134 = tpu.memref_slice %arg11[%mul3A_41, %dma_start3A_133] : memref<10240x32xf32, #tpu.memory_space<vmem_shared>> -> memref<640x32xf32, #tpu.memory_space<vmem_shared>>
      %dma_start3A_135 = arith.constant 0 : i32
      %dma_start3A_136 = tpu.memref_slice %arg11[%mul3A_41, %dma_start3A_135] : memref<10240x32xf32, #tpu.memory_space<vmem_shared>> -> memref<640x32xf32, #tpu.memory_space<vmem_shared>>
      tpu.enqueue_dma source(%arg9 : memref<640x32xf32, #tpu.memory_space<vmem>>) target(%dma_start3A_136 : memref<640x32xf32, #tpu.memory_space<vmem_shared>>) target_semaphore(%run_scoped3A : memref<!tpu.dma_semaphore, #tpu.memory_space<semaphore_mem>>)
      %dma_wait3A_137 = arith.constant 0 : i32
      %dma_wait3A_138 = tpu.memref_slice %arg11[%mul3A_41, %dma_wait3A_137] : memref<10240x32xf32, #tpu.memory_space<vmem_shared>> -> memref<640x32xf32, #tpu.memory_space<vmem_shared>>
      %dma_wait3A_139 = arith.constant 0 : i32
      %dma_wait3A_140 = tpu.memref_slice %arg11[%mul3A_41, %dma_wait3A_139] : memref<10240x32xf32, #tpu.memory_space<vmem_shared>> -> memref<640x32xf32, #tpu.memory_space<vmem_shared>>
      tpu.wait_dma2 semaphore(%run_scoped3A : memref<!tpu.dma_semaphore, #tpu.memory_space<semaphore_mem>>) src(%arg9 : memref<640x32xf32, #tpu.memory_space<vmem>>) dst(%dma_wait3A_140 : memref<640x32xf32, #tpu.memory_space<vmem_shared>>)
      tpu.yield
    }) : () -> ()
    %mul3A_42 = arith.constant 640 : i32
    %mul3A_43 = arith.muli %arg1, %mul3A_42 : i32
    "tpu.region"() ({
      %run_scoped3A = tpu.sem_alloc : memref<!tpu.dma_semaphore, #tpu.memory_space<semaphore_mem>>
      %dma_start3A_133 = arith.constant 0 : i32
      %dma_start3A_134 = tpu.memref_slice %arg12[%mul3A_43, %dma_start3A_133] : memref<10240x32xf32, #tpu.memory_space<vmem_shared>> -> memref<640x32xf32, #tpu.memory_space<vmem_shared>>
      %dma_start3A_135 = arith.constant 0 : i32
      %dma_start3A_136 = tpu.memref_slice %arg12[%mul3A_43, %dma_start3A_135] : memref<10240x32xf32, #tpu.memory_space<vmem_shared>> -> memref<640x32xf32, #tpu.memory_space<vmem_shared>>
      tpu.enqueue_dma source(%arg9 : memref<640x32xf32, #tpu.memory_space<vmem>>) target(%dma_start3A_136 : memref<640x32xf32, #tpu.memory_space<vmem_shared>>) target_semaphore(%run_scoped3A : memref<!tpu.dma_semaphore, #tpu.memory_space<semaphore_mem>>)
      %dma_wait3A_137 = arith.constant 0 : i32
      %dma_wait3A_138 = tpu.memref_slice %arg12[%mul3A_43, %dma_wait3A_137] : memref<10240x32xf32, #tpu.memory_space<vmem_shared>> -> memref<640x32xf32, #tpu.memory_space<vmem_shared>>
      %dma_wait3A_139 = arith.constant 0 : i32
      %dma_wait3A_140 = tpu.memref_slice %arg12[%mul3A_43, %dma_wait3A_139] : memref<10240x32xf32, #tpu.memory_space<vmem_shared>> -> memref<640x32xf32, #tpu.memory_space<vmem_shared>>
      tpu.wait_dma2 semaphore(%run_scoped3A : memref<!tpu.dma_semaphore, #tpu.memory_space<semaphore_mem>>) src(%arg9 : memref<640x32xf32, #tpu.memory_space<vmem>>) dst(%dma_wait3A_140 : memref<640x32xf32, #tpu.memory_space<vmem_shared>>)
      tpu.yield
    }) : () -> ()
    %mul3A_44 = arith.constant 6000 : i32
    %mul3A_45 = arith.muli %add3A, %mul3A_44 : i32
    %add3A_46 = arith.constant 0 : i32
    %add3A_47 = arith.addi %add3A_46, %mul3A_45 : i32
    "tpu.region"() ({
      %run_scoped3A = tpu.sem_alloc : memref<!tpu.dma_semaphore, #tpu.memory_space<semaphore_mem>>
      %dma_start3A_133 = tpu.memref_slice %arg3[%add3A_47] : memref<320000xi32, #tpu.memory_space<hbm>> -> memref<6000xi32, #tpu.memory_space<hbm>>
      %dma_start3A_134 = tpu.memref_slice %arg3[%add3A_47] : memref<320000xi32, #tpu.memory_space<hbm>> -> memref<6000xi32, #tpu.memory_space<hbm>>
      tpu.enqueue_dma source(%dma_start3A_134 : memref<6000xi32, #tpu.memory_space<hbm>>) target(%arg8 : memref<6000xi32, #tpu.memory_space<vmem>>) target_semaphore(%run_scoped3A : memref<!tpu.dma_semaphore, #tpu.memory_space<semaphore_mem>>)
      %dma_wait3A_135 = tpu.memref_slice %arg3[%add3A_47] : memref<320000xi32, #tpu.memory_space<hbm>> -> memref<6000xi32, #tpu.memory_space<hbm>>
      %dma_wait3A_136 = tpu.memref_slice %arg3[%add3A_47] : memref<320000xi32, #tpu.memory_space<hbm>> -> memref<6000xi32, #tpu.memory_space<hbm>>
      tpu.wait_dma2 semaphore(%run_scoped3A : memref<!tpu.dma_semaphore, #tpu.memory_space<semaphore_mem>>) src(%dma_wait3A_136 : memref<6000xi32, #tpu.memory_space<hbm>>) dst(%arg8 : memref<6000xi32, #tpu.memory_space<vmem>>)
      tpu.yield
    }) : () -> ()
    %barrier3A = arith.constant 0 : index
    tpu.barrier barrier_id(%barrier3A)
    %mul3A_48 = arith.constant 6000 : i32
    %mul3A_49 = arith.muli %select_n3A_30, %mul3A_48 : i32
    %add3A_50 = arith.constant 0 : i32
    %add3A_51 = arith.addi %mul3A_49, %add3A_50 : i32
    %mul3A_52 = arith.constant 32 : i32
    %mul3A_53 = arith.muli %select_n3A, %mul3A_52 : i32
    %dma_start3A = tpu.memref_slice %arg2[%add3A_51, %mul3A_53] : memref<48000x128xf32, #tpu.memory_space<hbm>> -> memref<400x32xf32, #tpu.memory_space<hbm>>
    %dma_start3A_54 = tpu.memref_slice %arg2[%add3A_51, %mul3A_53] : memref<48000x128xf32, #tpu.memory_space<hbm>> -> memref<400x32xf32, #tpu.memory_space<hbm>>
    tpu.enqueue_dma source(%dma_start3A_54 : memref<400x32xf32, #tpu.memory_space<hbm>>) target(%arg6 : memref<400x32xf32, #tpu.memory_space<vmem>>) target_semaphore(%arg13 : memref<!tpu.dma_semaphore, #tpu.memory_space<semaphore_mem>>)
    %scan3A_55 = arith.constant 0 : i32
    %scan3A_56 = arith.constant 15 : i32
    %scan3A_57 = arith.addi %scan3A_55, %scan3A_56 : i32
    %scan3A_58 = arith.constant 1 : i32
    scf.for %scan3A_133 = %scan3A_55 to %scan3A_57 step %scan3A_58  : i32 {
      %jit3A_134 = arith.constant 2 : i32
      %eq3A_135 = arith.constant 0 : i32
      %eq3A_136 = arith.cmpi eq, %jit3A_134, %eq3A_135 : i32
      %jit3A_137 = arith.constant 1 : i32
      %select_n3A_138 = arith.select %eq3A_136, %jit3A_137, %jit3A_134 : i32
      %rem3A_139 = arith.remsi %scan3A_133, %select_n3A_138 : i32
      %ne3A_140 = arith.constant 0 : i32
      %ne3A_141 = arith.cmpi ne, %rem3A_139, %ne3A_140 : i32
      %lt3A_142 = arith.constant 0 : i32
      %lt3A_143 = arith.cmpi slt, %rem3A_139, %lt3A_142 : i32
      %lt3A_144 = arith.constant 0 : i32
      %lt3A_145 = arith.cmpi slt, %select_n3A_138, %lt3A_144 : i32
      %ne3A_146 = arith.xori %lt3A_143, %lt3A_145 : i1
      %and3A_147 = arith.andi %ne3A_146, %ne3A_141 : i1
      %add3A_148 = arith.addi %rem3A_139, %select_n3A_138 : i32
      %select_n3A_149 = arith.select %and3A_147, %add3A_148, %rem3A_139 : i32
      %eq3A_150 = arith.constant 0 : i32
      %eq3A_151 = arith.cmpi eq, %select_n3A_149, %eq3A_150 : i32
      %convert_element_type3A = arith.extui %eq3A_151 : i1 to i32
      %cond3A = arith.constant 0 : i32
      %cond3A_152 = arith.cmpi ne, %convert_element_type3A, %cond3A : i32
      scf.if %cond3A_152 {
        %mul3A_174 = arith.constant 6000 : i32
        %mul3A_175 = arith.muli %select_n3A_30, %mul3A_174 : i32
        %mul3A_176 = arith.constant 400 : i32
        %mul3A_177 = arith.muli %scan3A_133, %mul3A_176 : i32
        %add3A_178 = arith.addi %mul3A_175, %mul3A_177 : i32
        %mul3A_179 = arith.constant 32 : i32
        %mul3A_180 = arith.muli %select_n3A, %mul3A_179 : i32
        %dma_wait3A_181 = tpu.memref_slice %arg2[%add3A_178, %mul3A_180] : memref<48000x128xf32, #tpu.memory_space<hbm>> -> memref<400x32xf32, #tpu.memory_space<hbm>>
        %dma_wait3A_182 = tpu.memref_slice %arg2[%add3A_178, %mul3A_180] : memref<48000x128xf32, #tpu.memory_space<hbm>> -> memref<400x32xf32, #tpu.memory_space<hbm>>
        tpu.wait_dma2 semaphore(%arg13 : memref<!tpu.dma_semaphore, #tpu.memory_space<semaphore_mem>>) src(%dma_wait3A_182 : memref<400x32xf32, #tpu.memory_space<hbm>>) dst(%arg6 : memref<400x32xf32, #tpu.memory_space<vmem>>)
        %ge3A = arith.constant 1 : i32
        %ge3A_183 = arith.cmpi sge, %scan3A_133, %ge3A : i32
        %convert_element_type3A_184 = arith.extui %ge3A_183 : i1 to i32
        %cond3A_185 = arith.constant 0 : i32
        %cond3A_186 = arith.cmpi ne, %convert_element_type3A_184, %cond3A_185 : i32
        scf.if %cond3A_186 {
          %sub3A_279 = arith.constant 1 : i32
          %sub3A_280 = arith.subi %scan3A_133, %sub3A_279 : i32
          %jit3A_281 = arith.constant 2 : i32
          %eq3A_282 = arith.constant 0 : i32
          %eq3A_283 = arith.cmpi eq, %jit3A_281, %eq3A_282 : i32
          %jit3A_284 = arith.constant 1 : i32
          %select_n3A_285 = arith.select %eq3A_283, %jit3A_284, %jit3A_281 : i32
          %rem3A_286 = arith.remsi %sub3A_280, %select_n3A_285 : i32
          %ne3A_287 = arith.constant 0 : i32
          %ne3A_288 = arith.cmpi ne, %rem3A_286, %ne3A_287 : i32
          %lt3A_289 = arith.constant 0 : i32
          %lt3A_290 = arith.cmpi slt, %rem3A_286, %lt3A_289 : i32
          %lt3A_291 = arith.constant 0 : i32
          %lt3A_292 = arith.cmpi slt, %select_n3A_285, %lt3A_291 : i32
          %ne3A_293 = arith.xori %lt3A_290, %lt3A_292 : i1
          %and3A_294 = arith.andi %ne3A_293, %ne3A_288 : i1
          %add3A_295 = arith.addi %rem3A_286, %select_n3A_285 : i32
          %select_n3A_296 = arith.select %and3A_294, %add3A_295, %rem3A_286 : i32
          %eq3A_297 = arith.constant 0 : i32
          %eq3A_298 = arith.cmpi eq, %select_n3A_296, %eq3A_297 : i32
          %convert_element_type3A_299 = arith.extui %eq3A_298 : i1 to i32
          %cond3A_300 = arith.constant 0 : i32
          %cond3A_301 = arith.cmpi ne, %convert_element_type3A_299, %cond3A_300 : i32
          scf.if %cond3A_301 {
            %mul3A_323 = arith.constant 5 : i32
            %mul3A_324 = arith.muli %sub3A_280, %mul3A_323 : i32
            %add3A_325 = arith.constant 0 : i32
            %add3A_326 = arith.addi %mul3A_324, %add3A_325 : i32
            %mul3A_327 = arith.constant 80 : i32
            %mul3A_328 = arith.muli %add3A_326, %mul3A_327 : i32
            %dma_wait3A_329 = arith.constant 0 : i32
            %dma_wait3A_330 = arith.constant 0 : i32
            %dma_wait3A_331 = tpu.memref_slice %arg6[%dma_wait3A_329, %dma_wait3A_330] : memref<400x32xf32, #tpu.memory_space<vmem>> -> memref<80x32xf32, #tpu.memory_space<vmem>>
            %dma_wait3A_332 = tpu.memref_slice %arg8[%mul3A_328] : memref<6000xi32, #tpu.memory_space<vmem>> -> memref<80xi32, #tpu.memory_space<vmem>>
            %dma_wait3A_333 = arith.constant 0 : i32
            %dma_wait3A_334 = arith.constant 0 : i32
            %dma_wait3A_335 = tpu.memref_slice %arg11[%dma_wait3A_333, %dma_wait3A_334] : memref<10240x32xf32, #tpu.memory_space<vmem_shared>> -> memref<10240x32xf32, #tpu.memory_space<vmem_shared>>
            tpu.wait_indirect_dma semaphore(%arg14 : memref<!tpu.dma_semaphore, #tpu.memory_space<semaphore_mem>>) src(%dma_wait3A_331 : memref<80x32xf32, #tpu.memory_space<vmem>>) dst(%dma_wait3A_335 : memref<10240x32xf32, #tpu.memory_space<vmem_shared>>)
            %dma_wait3A_336 = tpu.memref_slice %arg8[%mul3A_328] : memref<6000xi32, #tpu.memory_space<vmem>> -> memref<80xi32, #tpu.memory_space<vmem>>
            %dma_wait3A_337 = arith.constant 0 : i32
            %dma_wait3A_338 = arith.constant 0 : i32
            %dma_wait3A_339 = tpu.memref_slice %arg12[%dma_wait3A_337, %dma_wait3A_338] : memref<10240x32xf32, #tpu.memory_space<vmem_shared>> -> memref<10240x32xf32, #tpu.memory_space<vmem_shared>>
            tpu.wait_indirect_dma semaphore(%arg14 : memref<!tpu.dma_semaphore, #tpu.memory_space<semaphore_mem>>) src(%arg10 : memref<80x32xf32, #tpu.memory_space<vmem>>) dst(%dma_wait3A_339 : memref<10240x32xf32, #tpu.memory_space<vmem_shared>>)
            %mul3A_340 = arith.constant 5 : i32
            %mul3A_341 = arith.muli %sub3A_280, %mul3A_340 : i32
            %add3A_342 = arith.constant 1 : i32
            %add3A_343 = arith.addi %mul3A_341, %add3A_342 : i32
            %mul3A_344 = arith.constant 80 : i32
            %mul3A_345 = arith.muli %add3A_343, %mul3A_344 : i32
            %dma_wait3A_346 = arith.constant 80 : i32
            %dma_wait3A_347 = arith.constant 0 : i32
            %dma_wait3A_348 = tpu.memref_slice %arg6[%dma_wait3A_346, %dma_wait3A_347] : memref<400x32xf32, #tpu.memory_space<vmem>> -> memref<80x32xf32, #tpu.memory_space<vmem>>
            %dma_wait3A_349 = tpu.memref_slice %arg8[%mul3A_345] : memref<6000xi32, #tpu.memory_space<vmem>> -> memref<80xi32, #tpu.memory_space<vmem>>
            %dma_wait3A_350 = arith.constant 0 : i32
            %dma_wait3A_351 = arith.constant 0 : i32
            %dma_wait3A_352 = tpu.memref_slice %arg11[%dma_wait3A_350, %dma_wait3A_351] : memref<10240x32xf32, #tpu.memory_space<vmem_shared>> -> memref<10240x32xf32, #tpu.memory_space<vmem_shared>>
            tpu.wait_indirect_dma semaphore(%arg14 : memref<!tpu.dma_semaphore, #tpu.memory_space<semaphore_mem>>) src(%dma_wait3A_348 : memref<80x32xf32, #tpu.memory_space<vmem>>) dst(%dma_wait3A_352 : memref<10240x32xf32, #tpu.memory_space<vmem_shared>>)
            %dma_wait3A_353 = tpu.memref_slice %arg8[%mul3A_345] : memref<6000xi32, #tpu.memory_space<vmem>> -> memref<80xi32, #tpu.memory_space<vmem>>
            %dma_wait3A_354 = arith.constant 0 : i32
            %dma_wait3A_355 = arith.constant 0 : i32
            %dma_wait3A_356 = tpu.memref_slice %arg12[%dma_wait3A_354, %dma_wait3A_355] : memref<10240x32xf32, #tpu.memory_space<vmem_shared>> -> memref<10240x32xf32, #tpu.memory_space<vmem_shared>>
            tpu.wait_indirect_dma semaphore(%arg14 : memref<!tpu.dma_semaphore, #tpu.memory_space<semaphore_mem>>) src(%arg10 : memref<80x32xf32, #tpu.memory_space<vmem>>) dst(%dma_wait3A_356 : memref<10240x32xf32, #tpu.memory_space<vmem_shared>>)
            %mul3A_357 = arith.constant 5 : i32
            %mul3A_358 = arith.muli %sub3A_280, %mul3A_357 : i32
            %add3A_359 = arith.constant 2 : i32
            %add3A_360 = arith.addi %mul3A_358, %add3A_359 : i32
            %mul3A_361 = arith.constant 80 : i32
            %mul3A_362 = arith.muli %add3A_360, %mul3A_361 : i32
            %dma_wait3A_363 = arith.constant 160 : i32
            %dma_wait3A_364 = arith.constant 0 : i32
            %dma_wait3A_365 = tpu.memref_slice %arg6[%dma_wait3A_363, %dma_wait3A_364] : memref<400x32xf32, #tpu.memory_space<vmem>> -> memref<80x32xf32, #tpu.memory_space<vmem>>
            %dma_wait3A_366 = tpu.memref_slice %arg8[%mul3A_362] : memref<6000xi32, #tpu.memory_space<vmem>> -> memref<80xi32, #tpu.memory_space<vmem>>
            %dma_wait3A_367 = arith.constant 0 : i32
            %dma_wait3A_368 = arith.constant 0 : i32
            %dma_wait3A_369 = tpu.memref_slice %arg11[%dma_wait3A_367, %dma_wait3A_368] : memref<10240x32xf32, #tpu.memory_space<vmem_shared>> -> memref<10240x32xf32, #tpu.memory_space<vmem_shared>>
            tpu.wait_indirect_dma semaphore(%arg14 : memref<!tpu.dma_semaphore, #tpu.memory_space<semaphore_mem>>) src(%dma_wait3A_365 : memref<80x32xf32, #tpu.memory_space<vmem>>) dst(%dma_wait3A_369 : memref<10240x32xf32, #tpu.memory_space<vmem_shared>>)
            %dma_wait3A_370 = tpu.memref_slice %arg8[%mul3A_362] : memref<6000xi32, #tpu.memory_space<vmem>> -> memref<80xi32, #tpu.memory_space<vmem>>
            %dma_wait3A_371 = arith.constant 0 : i32
            %dma_wait3A_372 = arith.constant 0 : i32
            %dma_wait3A_373 = tpu.memref_slice %arg12[%dma_wait3A_371, %dma_wait3A_372] : memref<10240x32xf32, #tpu.memory_space<vmem_shared>> -> memref<10240x32xf32, #tpu.memory_space<vmem_shared>>
            tpu.wait_indirect_dma semaphore(%arg14 : memref<!tpu.dma_semaphore, #tpu.memory_space<semaphore_mem>>) src(%arg10 : memref<80x32xf32, #tpu.memory_space<vmem>>) dst(%dma_wait3A_373 : memref<10240x32xf32, #tpu.memory_space<vmem_shared>>)
            %mul3A_374 = arith.constant 5 : i32
            %mul3A_375 = arith.muli %sub3A_280, %mul3A_374 : i32
            %add3A_376 = arith.constant 3 : i32
            %add3A_377 = arith.addi %mul3A_375, %add3A_376 : i32
            %mul3A_378 = arith.constant 80 : i32
            %mul3A_379 = arith.muli %add3A_377, %mul3A_378 : i32
            %dma_wait3A_380 = arith.constant 240 : i32
            %dma_wait3A_381 = arith.constant 0 : i32
            %dma_wait3A_382 = tpu.memref_slice %arg6[%dma_wait3A_380, %dma_wait3A_381] : memref<400x32xf32, #tpu.memory_space<vmem>> -> memref<80x32xf32, #tpu.memory_space<vmem>>
            %dma_wait3A_383 = tpu.memref_slice %arg8[%mul3A_379] : memref<6000xi32, #tpu.memory_space<vmem>> -> memref<80xi32, #tpu.memory_space<vmem>>
            %dma_wait3A_384 = arith.constant 0 : i32
            %dma_wait3A_385 = arith.constant 0 : i32
            %dma_wait3A_386 = tpu.memref_slice %arg11[%dma_wait3A_384, %dma_wait3A_385] : memref<10240x32xf32, #tpu.memory_space<vmem_shared>> -> memref<10240x32xf32, #tpu.memory_space<vmem_shared>>
            tpu.wait_indirect_dma semaphore(%arg14 : memref<!tpu.dma_semaphore, #tpu.memory_space<semaphore_mem>>) src(%dma_wait3A_382 : memref<80x32xf32, #tpu.memory_space<vmem>>) dst(%dma_wait3A_386 : memref<10240x32xf32, #tpu.memory_space<vmem_shared>>)
            %dma_wait3A_387 = tpu.memref_slice %arg8[%mul3A_379] : memref<6000xi32, #tpu.memory_space<vmem>> -> memref<80xi32, #tpu.memory_space<vmem>>
            %dma_wait3A_388 = arith.constant 0 : i32
            %dma_wait3A_389 = arith.constant 0 : i32
            %dma_wait3A_390 = tpu.memref_slice %arg12[%dma_wait3A_388, %dma_wait3A_389] : memref<10240x32xf32, #tpu.memory_space<vmem_shared>> -> memref<10240x32xf32, #tpu.memory_space<vmem_shared>>
            tpu.wait_indirect_dma semaphore(%arg14 : memref<!tpu.dma_semaphore, #tpu.memory_space<semaphore_mem>>) src(%arg10 : memref<80x32xf32, #tpu.memory_space<vmem>>) dst(%dma_wait3A_390 : memref<10240x32xf32, #tpu.memory_space<vmem_shared>>)
            %mul3A_391 = arith.constant 5 : i32
            %mul3A_392 = arith.muli %sub3A_280, %mul3A_391 : i32
            %add3A_393 = arith.constant 4 : i32
            %add3A_394 = arith.addi %mul3A_392, %add3A_393 : i32
            %mul3A_395 = arith.constant 80 : i32
            %mul3A_396 = arith.muli %add3A_394, %mul3A_395 : i32
            %dma_wait3A_397 = arith.constant 320 : i32
            %dma_wait3A_398 = arith.constant 0 : i32
            %dma_wait3A_399 = tpu.memref_slice %arg6[%dma_wait3A_397, %dma_wait3A_398] : memref<400x32xf32, #tpu.memory_space<vmem>> -> memref<80x32xf32, #tpu.memory_space<vmem>>
            %dma_wait3A_400 = tpu.memref_slice %arg8[%mul3A_396] : memref<6000xi32, #tpu.memory_space<vmem>> -> memref<80xi32, #tpu.memory_space<vmem>>
            %dma_wait3A_401 = arith.constant 0 : i32
            %dma_wait3A_402 = arith.constant 0 : i32
            %dma_wait3A_403 = tpu.memref_slice %arg11[%dma_wait3A_401, %dma_wait3A_402] : memref<10240x32xf32, #tpu.memory_space<vmem_shared>> -> memref<10240x32xf32, #tpu.memory_space<vmem_shared>>
            tpu.wait_indirect_dma semaphore(%arg14 : memref<!tpu.dma_semaphore, #tpu.memory_space<semaphore_mem>>) src(%dma_wait3A_399 : memref<80x32xf32, #tpu.memory_space<vmem>>) dst(%dma_wait3A_403 : memref<10240x32xf32, #tpu.memory_space<vmem_shared>>)
            %dma_wait3A_404 = tpu.memref_slice %arg8[%mul3A_396] : memref<6000xi32, #tpu.memory_space<vmem>> -> memref<80xi32, #tpu.memory_space<vmem>>
            %dma_wait3A_405 = arith.constant 0 : i32
            %dma_wait3A_406 = arith.constant 0 : i32
            %dma_wait3A_407 = tpu.memref_slice %arg12[%dma_wait3A_405, %dma_wait3A_406] : memref<10240x32xf32, #tpu.memory_space<vmem_shared>> -> memref<10240x32xf32, #tpu.memory_space<vmem_shared>>
            tpu.wait_indirect_dma semaphore(%arg14 : memref<!tpu.dma_semaphore, #tpu.memory_space<semaphore_mem>>) src(%arg10 : memref<80x32xf32, #tpu.memory_space<vmem>>) dst(%dma_wait3A_407 : memref<10240x32xf32, #tpu.memory_space<vmem_shared>>)
          } else {
          }
          %jit3A_302 = arith.constant 2 : i32
          %eq3A_303 = arith.constant 0 : i32
          %eq3A_304 = arith.cmpi eq, %jit3A_302, %eq3A_303 : i32
          %jit3A_305 = arith.constant 1 : i32
          %select_n3A_306 = arith.select %eq3A_304, %jit3A_305, %jit3A_302 : i32
          %rem3A_307 = arith.remsi %sub3A_280, %select_n3A_306 : i32
          %ne3A_308 = arith.constant 0 : i32
          %ne3A_309 = arith.cmpi ne, %rem3A_307, %ne3A_308 : i32
          %lt3A_310 = arith.constant 0 : i32
          %lt3A_311 = arith.cmpi slt, %rem3A_307, %lt3A_310 : i32
          %lt3A_312 = arith.constant 0 : i32
          %lt3A_313 = arith.cmpi slt, %select_n3A_306, %lt3A_312 : i32
          %ne3A_314 = arith.xori %lt3A_311, %lt3A_313 : i1
          %and3A_315 = arith.andi %ne3A_314, %ne3A_309 : i1
          %add3A_316 = arith.addi %rem3A_307, %select_n3A_306 : i32
          %select_n3A_317 = arith.select %and3A_315, %add3A_316, %rem3A_307 : i32
          %eq3A_318 = arith.constant 1 : i32
          %eq3A_319 = arith.cmpi eq, %select_n3A_317, %eq3A_318 : i32
          %convert_element_type3A_320 = arith.extui %eq3A_319 : i1 to i32
          %cond3A_321 = arith.constant 0 : i32
          %cond3A_322 = arith.cmpi ne, %convert_element_type3A_320, %cond3A_321 : i32
          scf.if %cond3A_322 {
            %mul3A_323 = arith.constant 5 : i32
            %mul3A_324 = arith.muli %sub3A_280, %mul3A_323 : i32
            %add3A_325 = arith.constant 0 : i32
            %add3A_326 = arith.addi %mul3A_324, %add3A_325 : i32
            %mul3A_327 = arith.constant 80 : i32
            %mul3A_328 = arith.muli %add3A_326, %mul3A_327 : i32
            %dma_wait3A_329 = arith.constant 0 : i32
            %dma_wait3A_330 = arith.constant 0 : i32
            %dma_wait3A_331 = tpu.memref_slice %arg7[%dma_wait3A_329, %dma_wait3A_330] : memref<400x32xf32, #tpu.memory_space<vmem>> -> memref<80x32xf32, #tpu.memory_space<vmem>>
            %dma_wait3A_332 = tpu.memref_slice %arg8[%mul3A_328] : memref<6000xi32, #tpu.memory_space<vmem>> -> memref<80xi32, #tpu.memory_space<vmem>>
            %dma_wait3A_333 = arith.constant 0 : i32
            %dma_wait3A_334 = arith.constant 0 : i32
            %dma_wait3A_335 = tpu.memref_slice %arg11[%dma_wait3A_333, %dma_wait3A_334] : memref<10240x32xf32, #tpu.memory_space<vmem_shared>> -> memref<10240x32xf32, #tpu.memory_space<vmem_shared>>
            tpu.wait_indirect_dma semaphore(%arg14 : memref<!tpu.dma_semaphore, #tpu.memory_space<semaphore_mem>>) src(%dma_wait3A_331 : memref<80x32xf32, #tpu.memory_space<vmem>>) dst(%dma_wait3A_335 : memref<10240x32xf32, #tpu.memory_space<vmem_shared>>)
            %dma_wait3A_336 = tpu.memref_slice %arg8[%mul3A_328] : memref<6000xi32, #tpu.memory_space<vmem>> -> memref<80xi32, #tpu.memory_space<vmem>>
            %dma_wait3A_337 = arith.constant 0 : i32
            %dma_wait3A_338 = arith.constant 0 : i32
            %dma_wait3A_339 = tpu.memref_slice %arg12[%dma_wait3A_337, %dma_wait3A_338] : memref<10240x32xf32, #tpu.memory_space<vmem_shared>> -> memref<10240x32xf32, #tpu.memory_space<vmem_shared>>
            tpu.wait_indirect_dma semaphore(%arg14 : memref<!tpu.dma_semaphore, #tpu.memory_space<semaphore_mem>>) src(%arg10 : memref<80x32xf32, #tpu.memory_space<vmem>>) dst(%dma_wait3A_339 : memref<10240x32xf32, #tpu.memory_space<vmem_shared>>)
            %mul3A_340 = arith.constant 5 : i32
            %mul3A_341 = arith.muli %sub3A_280, %mul3A_340 : i32
            %add3A_342 = arith.constant 1 : i32
            %add3A_343 = arith.addi %mul3A_341, %add3A_342 : i32
            %mul3A_344 = arith.constant 80 : i32
            %mul3A_345 = arith.muli %add3A_343, %mul3A_344 : i32
            %dma_wait3A_346 = arith.constant 80 : i32
            %dma_wait3A_347 = arith.constant 0 : i32
            %dma_wait3A_348 = tpu.memref_slice %arg7[%dma_wait3A_346, %dma_wait3A_347] : memref<400x32xf32, #tpu.memory_space<vmem>> -> memref<80x32xf32, #tpu.memory_space<vmem>>
            %dma_wait3A_349 = tpu.memref_slice %arg8[%mul3A_345] : memref<6000xi32, #tpu.memory_space<vmem>> -> memref<80xi32, #tpu.memory_space<vmem>>
            %dma_wait3A_350 = arith.constant 0 : i32
            %dma_wait3A_351 = arith.constant 0 : i32
            %dma_wait3A_352 = tpu.memref_slice %arg11[%dma_wait3A_350, %dma_wait3A_351] : memref<10240x32xf32, #tpu.memory_space<vmem_shared>> -> memref<10240x32xf32, #tpu.memory_space<vmem_shared>>
            tpu.wait_indirect_dma semaphore(%arg14 : memref<!tpu.dma_semaphore, #tpu.memory_space<semaphore_mem>>) src(%dma_wait3A_348 : memref<80x32xf32, #tpu.memory_space<vmem>>) dst(%dma_wait3A_352 : memref<10240x32xf32, #tpu.memory_space<vmem_shared>>)
            %dma_wait3A_353 = tpu.memref_slice %arg8[%mul3A_345] : memref<6000xi32, #tpu.memory_space<vmem>> -> memref<80xi32, #tpu.memory_space<vmem>>
            %dma_wait3A_354 = arith.constant 0 : i32
            %dma_wait3A_355 = arith.constant 0 : i32
            %dma_wait3A_356 = tpu.memref_slice %arg12[%dma_wait3A_354, %dma_wait3A_355] : memref<10240x32xf32, #tpu.memory_space<vmem_shared>> -> memref<10240x32xf32, #tpu.memory_space<vmem_shared>>
            tpu.wait_indirect_dma semaphore(%arg14 : memref<!tpu.dma_semaphore, #tpu.memory_space<semaphore_mem>>) src(%arg10 : memref<80x32xf32, #tpu.memory_space<vmem>>) dst(%dma_wait3A_356 : memref<10240x32xf32, #tpu.memory_space<vmem_shared>>)
            %mul3A_357 = arith.constant 5 : i32
            %mul3A_358 = arith.muli %sub3A_280, %mul3A_357 : i32
            %add3A_359 = arith.constant 2 : i32
            %add3A_360 = arith.addi %mul3A_358, %add3A_359 : i32
            %mul3A_361 = arith.constant 80 : i32
            %mul3A_362 = arith.muli %add3A_360, %mul3A_361 : i32
            %dma_wait3A_363 = arith.constant 160 : i32
            %dma_wait3A_364 = arith.constant 0 : i32
            %dma_wait3A_365 = tpu.memref_slice %arg7[%dma_wait3A_363, %dma_wait3A_364] : memref<400x32xf32, #tpu.memory_space<vmem>> -> memref<80x32xf32, #tpu.memory_space<vmem>>
            %dma_wait3A_366 = tpu.memref_slice %arg8[%mul3A_362] : memref<6000xi32, #tpu.memory_space<vmem>> -> memref<80xi32, #tpu.memory_space<vmem>>
            %dma_wait3A_367 = arith.constant 0 : i32
            %dma_wait3A_368 = arith.constant 0 : i32
            %dma_wait3A_369 = tpu.memref_slice %arg11[%dma_wait3A_367, %dma_wait3A_368] : memref<10240x32xf32, #tpu.memory_space<vmem_shared>> -> memref<10240x32xf32, #tpu.memory_space<vmem_shared>>
            tpu.wait_indirect_dma semaphore(%arg14 : memref<!tpu.dma_semaphore, #tpu.memory_space<semaphore_mem>>) src(%dma_wait3A_365 : memref<80x32xf32, #tpu.memory_space<vmem>>) dst(%dma_wait3A_369 : memref<10240x32xf32, #tpu.memory_space<vmem_shared>>)
            %dma_wait3A_370 = tpu.memref_slice %arg8[%mul3A_362] : memref<6000xi32, #tpu.memory_space<vmem>> -> memref<80xi32, #tpu.memory_space<vmem>>
            %dma_wait3A_371 = arith.constant 0 : i32
            %dma_wait3A_372 = arith.constant 0 : i32
            %dma_wait3A_373 = tpu.memref_slice %arg12[%dma_wait3A_371, %dma_wait3A_372] : memref<10240x32xf32, #tpu.memory_space<vmem_shared>> -> memref<10240x32xf32, #tpu.memory_space<vmem_shared>>
            tpu.wait_indirect_dma semaphore(%arg14 : memref<!tpu.dma_semaphore, #tpu.memory_space<semaphore_mem>>) src(%arg10 : memref<80x32xf32, #tpu.memory_space<vmem>>) dst(%dma_wait3A_373 : memref<10240x32xf32, #tpu.memory_space<vmem_shared>>)
            %mul3A_374 = arith.constant 5 : i32
            %mul3A_375 = arith.muli %sub3A_280, %mul3A_374 : i32
            %add3A_376 = arith.constant 3 : i32
            %add3A_377 = arith.addi %mul3A_375, %add3A_376 : i32
            %mul3A_378 = arith.constant 80 : i32
            %mul3A_379 = arith.muli %add3A_377, %mul3A_378 : i32
            %dma_wait3A_380 = arith.constant 240 : i32
            %dma_wait3A_381 = arith.constant 0 : i32
            %dma_wait3A_382 = tpu.memref_slice %arg7[%dma_wait3A_380, %dma_wait3A_381] : memref<400x32xf32, #tpu.memory_space<vmem>> -> memref<80x32xf32, #tpu.memory_space<vmem>>
            %dma_wait3A_383 = tpu.memref_slice %arg8[%mul3A_379] : memref<6000xi32, #tpu.memory_space<vmem>> -> memref<80xi32, #tpu.memory_space<vmem>>
            %dma_wait3A_384 = arith.constant 0 : i32
            %dma_wait3A_385 = arith.constant 0 : i32
            %dma_wait3A_386 = tpu.memref_slice %arg11[%dma_wait3A_384, %dma_wait3A_385] : memref<10240x32xf32, #tpu.memory_space<vmem_shared>> -> memref<10240x32xf32, #tpu.memory_space<vmem_shared>>
            tpu.wait_indirect_dma semaphore(%arg14 : memref<!tpu.dma_semaphore, #tpu.memory_space<semaphore_mem>>) src(%dma_wait3A_382 : memref<80x32xf32, #tpu.memory_space<vmem>>) dst(%dma_wait3A_386 : memref<10240x32xf32, #tpu.memory_space<vmem_shared>>)
            %dma_wait3A_387 = tpu.memref_slice %arg8[%mul3A_379] : memref<6000xi32, #tpu.memory_space<vmem>> -> memref<80xi32, #tpu.memory_space<vmem>>
            %dma_wait3A_388 = arith.constant 0 : i32
            %dma_wait3A_389 = arith.constant 0 : i32
            %dma_wait3A_390 = tpu.memref_slice %arg12[%dma_wait3A_388, %dma_wait3A_389] : memref<10240x32xf32, #tpu.memory_space<vmem_shared>> -> memref<10240x32xf32, #tpu.memory_space<vmem_shared>>
            tpu.wait_indirect_dma semaphore(%arg14 : memref<!tpu.dma_semaphore, #tpu.memory_space<semaphore_mem>>) src(%arg10 : memref<80x32xf32, #tpu.memory_space<vmem>>) dst(%dma_wait3A_390 : memref<10240x32xf32, #tpu.memory_space<vmem_shared>>)
            %mul3A_391 = arith.constant 5 : i32
            %mul3A_392 = arith.muli %sub3A_280, %mul3A_391 : i32
            %add3A_393 = arith.constant 4 : i32
            %add3A_394 = arith.addi %mul3A_392, %add3A_393 : i32
            %mul3A_395 = arith.constant 80 : i32
            %mul3A_396 = arith.muli %add3A_394, %mul3A_395 : i32
            %dma_wait3A_397 = arith.constant 320 : i32
            %dma_wait3A_398 = arith.constant 0 : i32
            %dma_wait3A_399 = tpu.memref_slice %arg7[%dma_wait3A_397, %dma_wait3A_398] : memref<400x32xf32, #tpu.memory_space<vmem>> -> memref<80x32xf32, #tpu.memory_space<vmem>>
            %dma_wait3A_400 = tpu.memref_slice %arg8[%mul3A_396] : memref<6000xi32, #tpu.memory_space<vmem>> -> memref<80xi32, #tpu.memory_space<vmem>>
            %dma_wait3A_401 = arith.constant 0 : i32
            %dma_wait3A_402 = arith.constant 0 : i32
            %dma_wait3A_403 = tpu.memref_slice %arg11[%dma_wait3A_401, %dma_wait3A_402] : memref<10240x32xf32, #tpu.memory_space<vmem_shared>> -> memref<10240x32xf32, #tpu.memory_space<vmem_shared>>
            tpu.wait_indirect_dma semaphore(%arg14 : memref<!tpu.dma_semaphore, #tpu.memory_space<semaphore_mem>>) src(%dma_wait3A_399 : memref<80x32xf32, #tpu.memory_space<vmem>>) dst(%dma_wait3A_403 : memref<10240x32xf32, #tpu.memory_space<vmem_shared>>)
            %dma_wait3A_404 = tpu.memref_slice %arg8[%mul3A_396] : memref<6000xi32, #tpu.memory_space<vmem>> -> memref<80xi32, #tpu.memory_space<vmem>>
            %dma_wait3A_405 = arith.constant 0 : i32
            %dma_wait3A_406 = arith.constant 0 : i32
            %dma_wait3A_407 = tpu.memref_slice %arg12[%dma_wait3A_405, %dma_wait3A_406] : memref<10240x32xf32, #tpu.memory_space<vmem_shared>> -> memref<10240x32xf32, #tpu.memory_space<vmem_shared>>
            tpu.wait_indirect_dma semaphore(%arg14 : memref<!tpu.dma_semaphore, #tpu.memory_space<semaphore_mem>>) src(%arg10 : memref<80x32xf32, #tpu.memory_space<vmem>>) dst(%dma_wait3A_407 : memref<10240x32xf32, #tpu.memory_space<vmem_shared>>)
          } else {
          }
        } else {
        }
        %add3A_187 = arith.constant 1 : i32
        %add3A_188 = arith.addi %scan3A_133, %add3A_187 : i32
        %lt3A_189 = arith.constant 15 : i32
        %lt3A_190 = arith.cmpi slt, %add3A_188, %lt3A_189 : i32
        %convert_element_type3A_191 = arith.extui %lt3A_190 : i1 to i32
        %cond3A_192 = arith.constant 0 : i32
        %cond3A_193 = arith.cmpi ne, %convert_element_type3A_191, %cond3A_192 : i32
        scf.if %cond3A_193 {
          %add3A_279 = arith.constant 1 : i32
          %add3A_280 = arith.addi %scan3A_133, %add3A_279 : i32
          %mul3A_281 = arith.constant 6000 : i32
          %mul3A_282 = arith.muli %select_n3A_30, %mul3A_281 : i32
          %mul3A_283 = arith.constant 400 : i32
          %mul3A_284 = arith.muli %add3A_280, %mul3A_283 : i32
          %add3A_285 = arith.addi %mul3A_282, %mul3A_284 : i32
          %mul3A_286 = arith.constant 32 : i32
          %mul3A_287 = arith.muli %select_n3A, %mul3A_286 : i32
          %dma_start3A_288 = tpu.memref_slice %arg2[%add3A_285, %mul3A_287] : memref<48000x128xf32, #tpu.memory_space<hbm>> -> memref<400x32xf32, #tpu.memory_space<hbm>>
          %dma_start3A_289 = tpu.memref_slice %arg2[%add3A_285, %mul3A_287] : memref<48000x128xf32, #tpu.memory_space<hbm>> -> memref<400x32xf32, #tpu.memory_space<hbm>>
          tpu.enqueue_dma source(%dma_start3A_289 : memref<400x32xf32, #tpu.memory_space<hbm>>) target(%arg7 : memref<400x32xf32, #tpu.memory_space<vmem>>) target_semaphore(%arg13 : memref<!tpu.dma_semaphore, #tpu.memory_space<semaphore_mem>>)
        } else {
        }
        %mul3A_194 = arith.constant 5 : i32
        %mul3A_195 = arith.muli %scan3A_133, %mul3A_194 : i32
        %add3A_196 = arith.constant 0 : i32
        %add3A_197 = arith.addi %mul3A_195, %add3A_196 : i32
        %mul3A_198 = arith.constant 80 : i32
        %mul3A_199 = arith.muli %add3A_197, %mul3A_198 : i32
        %dma_start3A_200 = arith.constant 0 : i32
        %dma_start3A_201 = arith.constant 0 : i32
        %dma_start3A_202 = tpu.memref_slice %arg6[%dma_start3A_200, %dma_start3A_201] : memref<400x32xf32, #tpu.memory_space<vmem>> -> memref<80x32xf32, #tpu.memory_space<vmem>>
        %dma_start3A_203 = tpu.memref_slice %arg8[%mul3A_199] : memref<6000xi32, #tpu.memory_space<vmem>> -> memref<80xi32, #tpu.memory_space<vmem>>
        %dma_start3A_204 = arith.constant 0 : i32
        %dma_start3A_205 = arith.constant 0 : i32
        %dma_start3A_206 = tpu.memref_slice %arg11[%dma_start3A_204, %dma_start3A_205] : memref<10240x32xf32, #tpu.memory_space<vmem_shared>> -> memref<10240x32xf32, #tpu.memory_space<vmem_shared>>
        tpu.enqueue_indirect_dma source(%dma_start3A_202 : memref<80x32xf32, #tpu.memory_space<vmem>>) target(%dma_start3A_206 : memref<10240x32xf32, #tpu.memory_space<vmem_shared>>) offsets(%dma_start3A_203 : memref<80xi32, #tpu.memory_space<vmem>>) semaphore(%arg14 : memref<!tpu.dma_semaphore, #tpu.memory_space<semaphore_mem>>) {add = true}
        %dma_start3A_207 = tpu.memref_slice %arg8[%mul3A_199] : memref<6000xi32, #tpu.memory_space<vmem>> -> memref<80xi32, #tpu.memory_space<vmem>>
        %dma_start3A_208 = arith.constant 0 : i32
        %dma_start3A_209 = arith.constant 0 : i32
        %dma_start3A_210 = tpu.memref_slice %arg12[%dma_start3A_208, %dma_start3A_209] : memref<10240x32xf32, #tpu.memory_space<vmem_shared>> -> memref<10240x32xf32, #tpu.memory_space<vmem_shared>>
        tpu.enqueue_indirect_dma source(%arg10 : memref<80x32xf32, #tpu.memory_space<vmem>>) target(%dma_start3A_210 : memref<10240x32xf32, #tpu.memory_space<vmem_shared>>) offsets(%dma_start3A_207 : memref<80xi32, #tpu.memory_space<vmem>>) semaphore(%arg14 : memref<!tpu.dma_semaphore, #tpu.memory_space<semaphore_mem>>) {add = true}
        %mul3A_211 = arith.constant 5 : i32
        %mul3A_212 = arith.muli %scan3A_133, %mul3A_211 : i32
        %add3A_213 = arith.constant 1 : i32
        %add3A_214 = arith.addi %mul3A_212, %add3A_213 : i32
        %mul3A_215 = arith.constant 80 : i32
        %mul3A_216 = arith.muli %add3A_214, %mul3A_215 : i32
        %dma_start3A_217 = arith.constant 80 : i32
        %dma_start3A_218 = arith.constant 0 : i32
        %dma_start3A_219 = tpu.memref_slice %arg6[%dma_start3A_217, %dma_start3A_218] : memref<400x32xf32, #tpu.memory_space<vmem>> -> memref<80x32xf32, #tpu.memory_space<vmem>>
        %dma_start3A_220 = tpu.memref_slice %arg8[%mul3A_216] : memref<6000xi32, #tpu.memory_space<vmem>> -> memref<80xi32, #tpu.memory_space<vmem>>
        %dma_start3A_221 = arith.constant 0 : i32
        %dma_start3A_222 = arith.constant 0 : i32
        %dma_start3A_223 = tpu.memref_slice %arg11[%dma_start3A_221, %dma_start3A_222] : memref<10240x32xf32, #tpu.memory_space<vmem_shared>> -> memref<10240x32xf32, #tpu.memory_space<vmem_shared>>
        tpu.enqueue_indirect_dma source(%dma_start3A_219 : memref<80x32xf32, #tpu.memory_space<vmem>>) target(%dma_start3A_223 : memref<10240x32xf32, #tpu.memory_space<vmem_shared>>) offsets(%dma_start3A_220 : memref<80xi32, #tpu.memory_space<vmem>>) semaphore(%arg14 : memref<!tpu.dma_semaphore, #tpu.memory_space<semaphore_mem>>) {add = true}
        %dma_start3A_224 = tpu.memref_slice %arg8[%mul3A_216] : memref<6000xi32, #tpu.memory_space<vmem>> -> memref<80xi32, #tpu.memory_space<vmem>>
        %dma_start3A_225 = arith.constant 0 : i32
        %dma_start3A_226 = arith.constant 0 : i32
        %dma_start3A_227 = tpu.memref_slice %arg12[%dma_start3A_225, %dma_start3A_226] : memref<10240x32xf32, #tpu.memory_space<vmem_shared>> -> memref<10240x32xf32, #tpu.memory_space<vmem_shared>>
        tpu.enqueue_indirect_dma source(%arg10 : memref<80x32xf32, #tpu.memory_space<vmem>>) target(%dma_start3A_227 : memref<10240x32xf32, #tpu.memory_space<vmem_shared>>) offsets(%dma_start3A_224 : memref<80xi32, #tpu.memory_space<vmem>>) semaphore(%arg14 : memref<!tpu.dma_semaphore, #tpu.memory_space<semaphore_mem>>) {add = true}
        %mul3A_228 = arith.constant 5 : i32
        %mul3A_229 = arith.muli %scan3A_133, %mul3A_228 : i32
        %add3A_230 = arith.constant 2 : i32
        %add3A_231 = arith.addi %mul3A_229, %add3A_230 : i32
        %mul3A_232 = arith.constant 80 : i32
        %mul3A_233 = arith.muli %add3A_231, %mul3A_232 : i32
        %dma_start3A_234 = arith.constant 160 : i32
        %dma_start3A_235 = arith.constant 0 : i32
        %dma_start3A_236 = tpu.memref_slice %arg6[%dma_start3A_234, %dma_start3A_235] : memref<400x32xf32, #tpu.memory_space<vmem>> -> memref<80x32xf32, #tpu.memory_space<vmem>>
        %dma_start3A_237 = tpu.memref_slice %arg8[%mul3A_233] : memref<6000xi32, #tpu.memory_space<vmem>> -> memref<80xi32, #tpu.memory_space<vmem>>
        %dma_start3A_238 = arith.constant 0 : i32
        %dma_start3A_239 = arith.constant 0 : i32
        %dma_start3A_240 = tpu.memref_slice %arg11[%dma_start3A_238, %dma_start3A_239] : memref<10240x32xf32, #tpu.memory_space<vmem_shared>> -> memref<10240x32xf32, #tpu.memory_space<vmem_shared>>
        tpu.enqueue_indirect_dma source(%dma_start3A_236 : memref<80x32xf32, #tpu.memory_space<vmem>>) target(%dma_start3A_240 : memref<10240x32xf32, #tpu.memory_space<vmem_shared>>) offsets(%dma_start3A_237 : memref<80xi32, #tpu.memory_space<vmem>>) semaphore(%arg14 : memref<!tpu.dma_semaphore, #tpu.memory_space<semaphore_mem>>) {add = true}
        %dma_start3A_241 = tpu.memref_slice %arg8[%mul3A_233] : memref<6000xi32, #tpu.memory_space<vmem>> -> memref<80xi32, #tpu.memory_space<vmem>>
        %dma_start3A_242 = arith.constant 0 : i32
        %dma_start3A_243 = arith.constant 0 : i32
        %dma_start3A_244 = tpu.memref_slice %arg12[%dma_start3A_242, %dma_start3A_243] : memref<10240x32xf32, #tpu.memory_space<vmem_shared>> -> memref<10240x32xf32, #tpu.memory_space<vmem_shared>>
        tpu.enqueue_indirect_dma source(%arg10 : memref<80x32xf32, #tpu.memory_space<vmem>>) target(%dma_start3A_244 : memref<10240x32xf32, #tpu.memory_space<vmem_shared>>) offsets(%dma_start3A_241 : memref<80xi32, #tpu.memory_space<vmem>>) semaphore(%arg14 : memref<!tpu.dma_semaphore, #tpu.memory_space<semaphore_mem>>) {add = true}
        %mul3A_245 = arith.constant 5 : i32
        %mul3A_246 = arith.muli %scan3A_133, %mul3A_245 : i32
        %add3A_247 = arith.constant 3 : i32
        %add3A_248 = arith.addi %mul3A_246, %add3A_247 : i32
        %mul3A_249 = arith.constant 80 : i32
        %mul3A_250 = arith.muli %add3A_248, %mul3A_249 : i32
        %dma_start3A_251 = arith.constant 240 : i32
        %dma_start3A_252 = arith.constant 0 : i32
        %dma_start3A_253 = tpu.memref_slice %arg6[%dma_start3A_251, %dma_start3A_252] : memref<400x32xf32, #tpu.memory_space<vmem>> -> memref<80x32xf32, #tpu.memory_space<vmem>>
        %dma_start3A_254 = tpu.memref_slice %arg8[%mul3A_250] : memref<6000xi32, #tpu.memory_space<vmem>> -> memref<80xi32, #tpu.memory_space<vmem>>
        %dma_start3A_255 = arith.constant 0 : i32
        %dma_start3A_256 = arith.constant 0 : i32
        %dma_start3A_257 = tpu.memref_slice %arg11[%dma_start3A_255, %dma_start3A_256] : memref<10240x32xf32, #tpu.memory_space<vmem_shared>> -> memref<10240x32xf32, #tpu.memory_space<vmem_shared>>
        tpu.enqueue_indirect_dma source(%dma_start3A_253 : memref<80x32xf32, #tpu.memory_space<vmem>>) target(%dma_start3A_257 : memref<10240x32xf32, #tpu.memory_space<vmem_shared>>) offsets(%dma_start3A_254 : memref<80xi32, #tpu.memory_space<vmem>>) semaphore(%arg14 : memref<!tpu.dma_semaphore, #tpu.memory_space<semaphore_mem>>) {add = true}
        %dma_start3A_258 = tpu.memref_slice %arg8[%mul3A_250] : memref<6000xi32, #tpu.memory_space<vmem>> -> memref<80xi32, #tpu.memory_space<vmem>>
        %dma_start3A_259 = arith.constant 0 : i32
        %dma_start3A_260 = arith.constant 0 : i32
        %dma_start3A_261 = tpu.memref_slice %arg12[%dma_start3A_259, %dma_start3A_260] : memref<10240x32xf32, #tpu.memory_space<vmem_shared>> -> memref<10240x32xf32, #tpu.memory_space<vmem_shared>>
        tpu.enqueue_indirect_dma source(%arg10 : memref<80x32xf32, #tpu.memory_space<vmem>>) target(%dma_start3A_261 : memref<10240x32xf32, #tpu.memory_space<vmem_shared>>) offsets(%dma_start3A_258 : memref<80xi32, #tpu.memory_space<vmem>>) semaphore(%arg14 : memref<!tpu.dma_semaphore, #tpu.memory_space<semaphore_mem>>) {add = true}
        %mul3A_262 = arith.constant 5 : i32
        %mul3A_263 = arith.muli %scan3A_133, %mul3A_262 : i32
        %add3A_264 = arith.constant 4 : i32
        %add3A_265 = arith.addi %mul3A_263, %add3A_264 : i32
        %mul3A_266 = arith.constant 80 : i32
        %mul3A_267 = arith.muli %add3A_265, %mul3A_266 : i32
        %dma_start3A_268 = arith.constant 320 : i32
        %dma_start3A_269 = arith.constant 0 : i32
        %dma_start3A_270 = tpu.memref_slice %arg6[%dma_start3A_268, %dma_start3A_269] : memref<400x32xf32, #tpu.memory_space<vmem>> -> memref<80x32xf32, #tpu.memory_space<vmem>>
        %dma_start3A_271 = tpu.memref_slice %arg8[%mul3A_267] : memref<6000xi32, #tpu.memory_space<vmem>> -> memref<80xi32, #tpu.memory_space<vmem>>
        %dma_start3A_272 = arith.constant 0 : i32
        %dma_start3A_273 = arith.constant 0 : i32
        %dma_start3A_274 = tpu.memref_slice %arg11[%dma_start3A_272, %dma_start3A_273] : memref<10240x32xf32, #tpu.memory_space<vmem_shared>> -> memref<10240x32xf32, #tpu.memory_space<vmem_shared>>
        tpu.enqueue_indirect_dma source(%dma_start3A_270 : memref<80x32xf32, #tpu.memory_space<vmem>>) target(%dma_start3A_274 : memref<10240x32xf32, #tpu.memory_space<vmem_shared>>) offsets(%dma_start3A_271 : memref<80xi32, #tpu.memory_space<vmem>>) semaphore(%arg14 : memref<!tpu.dma_semaphore, #tpu.memory_space<semaphore_mem>>) {add = true}
        %dma_start3A_275 = tpu.memref_slice %arg8[%mul3A_267] : memref<6000xi32, #tpu.memory_space<vmem>> -> memref<80xi32, #tpu.memory_space<vmem>>
        %dma_start3A_276 = arith.constant 0 : i32
        %dma_start3A_277 = arith.constant 0 : i32
        %dma_start3A_278 = tpu.memref_slice %arg12[%dma_start3A_276, %dma_start3A_277] : memref<10240x32xf32, #tpu.memory_space<vmem_shared>> -> memref<10240x32xf32, #tpu.memory_space<vmem_shared>>
        tpu.enqueue_indirect_dma source(%arg10 : memref<80x32xf32, #tpu.memory_space<vmem>>) target(%dma_start3A_278 : memref<10240x32xf32, #tpu.memory_space<vmem_shared>>) offsets(%dma_start3A_275 : memref<80xi32, #tpu.memory_space<vmem>>) semaphore(%arg14 : memref<!tpu.dma_semaphore, #tpu.memory_space<semaphore_mem>>) {add = true}
      } else {
      }
      %jit3A_153 = arith.constant 2 : i32
      %eq3A_154 = arith.constant 0 : i32
      %eq3A_155 = arith.cmpi eq, %jit3A_153, %eq3A_154 : i32
      %jit3A_156 = arith.constant 1 : i32
      %select_n3A_157 = arith.select %eq3A_155, %jit3A_156, %jit3A_153 : i32
      %rem3A_158 = arith.remsi %scan3A_133, %select_n3A_157 : i32
      %ne3A_159 = arith.constant 0 : i32
      %ne3A_160 = arith.cmpi ne, %rem3A_158, %ne3A_159 : i32
      %lt3A_161 = arith.constant 0 : i32
      %lt3A_162 = arith.cmpi slt, %rem3A_158, %lt3A_161 : i32
      %lt3A_163 = arith.constant 0 : i32
      %lt3A_164 = arith.cmpi slt, %select_n3A_157, %lt3A_163 : i32
      %ne3A_165 = arith.xori %lt3A_162, %lt3A_164 : i1
      %and3A_166 = arith.andi %ne3A_165, %ne3A_160 : i1
      %add3A_167 = arith.addi %rem3A_158, %select_n3A_157 : i32
      %select_n3A_168 = arith.select %and3A_166, %add3A_167, %rem3A_158 : i32
      %eq3A_169 = arith.constant 1 : i32
      %eq3A_170 = arith.cmpi eq, %select_n3A_168, %eq3A_169 : i32
      %convert_element_type3A_171 = arith.extui %eq3A_170 : i1 to i32
      %cond3A_172 = arith.constant 0 : i32
      %cond3A_173 = arith.cmpi ne, %convert_element_type3A_171, %cond3A_172 : i32
      scf.if %cond3A_173 {
        %mul3A_174 = arith.constant 6000 : i32
        %mul3A_175 = arith.muli %select_n3A_30, %mul3A_174 : i32
        %mul3A_176 = arith.constant 400 : i32
        %mul3A_177 = arith.muli %scan3A_133, %mul3A_176 : i32
        %add3A_178 = arith.addi %mul3A_175, %mul3A_177 : i32
        %mul3A_179 = arith.constant 32 : i32
        %mul3A_180 = arith.muli %select_n3A, %mul3A_179 : i32
        %dma_wait3A_181 = tpu.memref_slice %arg2[%add3A_178, %mul3A_180] : memref<48000x128xf32, #tpu.memory_space<hbm>> -> memref<400x32xf32, #tpu.memory_space<hbm>>
        %dma_wait3A_182 = tpu.memref_slice %arg2[%add3A_178, %mul3A_180] : memref<48000x128xf32, #tpu.memory_space<hbm>> -> memref<400x32xf32, #tpu.memory_space<hbm>>
        tpu.wait_dma2 semaphore(%arg13 : memref<!tpu.dma_semaphore, #tpu.memory_space<semaphore_mem>>) src(%dma_wait3A_182 : memref<400x32xf32, #tpu.memory_space<hbm>>) dst(%arg7 : memref<400x32xf32, #tpu.memory_space<vmem>>)
        %ge3A = arith.constant 1 : i32
        %ge3A_183 = arith.cmpi sge, %scan3A_133, %ge3A : i32
        %convert_element_type3A_184 = arith.extui %ge3A_183 : i1 to i32
        %cond3A_185 = arith.constant 0 : i32
        %cond3A_186 = arith.cmpi ne, %convert_element_type3A_184, %cond3A_185 : i32
        scf.if %cond3A_186 {
          %sub3A_279 = arith.constant 1 : i32
          %sub3A_280 = arith.subi %scan3A_133, %sub3A_279 : i32
          %jit3A_281 = arith.constant 2 : i32
          %eq3A_282 = arith.constant 0 : i32
          %eq3A_283 = arith.cmpi eq, %jit3A_281, %eq3A_282 : i32
          %jit3A_284 = arith.constant 1 : i32
          %select_n3A_285 = arith.select %eq3A_283, %jit3A_284, %jit3A_281 : i32
          %rem3A_286 = arith.remsi %sub3A_280, %select_n3A_285 : i32
          %ne3A_287 = arith.constant 0 : i32
          %ne3A_288 = arith.cmpi ne, %rem3A_286, %ne3A_287 : i32
          %lt3A_289 = arith.constant 0 : i32
          %lt3A_290 = arith.cmpi slt, %rem3A_286, %lt3A_289 : i32
          %lt3A_291 = arith.constant 0 : i32
          %lt3A_292 = arith.cmpi slt, %select_n3A_285, %lt3A_291 : i32
          %ne3A_293 = arith.xori %lt3A_290, %lt3A_292 : i1
          %and3A_294 = arith.andi %ne3A_293, %ne3A_288 : i1
          %add3A_295 = arith.addi %rem3A_286, %select_n3A_285 : i32
          %select_n3A_296 = arith.select %and3A_294, %add3A_295, %rem3A_286 : i32
          %eq3A_297 = arith.constant 0 : i32
          %eq3A_298 = arith.cmpi eq, %select_n3A_296, %eq3A_297 : i32
          %convert_element_type3A_299 = arith.extui %eq3A_298 : i1 to i32
          %cond3A_300 = arith.constant 0 : i32
          %cond3A_301 = arith.cmpi ne, %convert_element_type3A_299, %cond3A_300 : i32
          scf.if %cond3A_301 {
            %mul3A_323 = arith.constant 5 : i32
            %mul3A_324 = arith.muli %sub3A_280, %mul3A_323 : i32
            %add3A_325 = arith.constant 0 : i32
            %add3A_326 = arith.addi %mul3A_324, %add3A_325 : i32
            %mul3A_327 = arith.constant 80 : i32
            %mul3A_328 = arith.muli %add3A_326, %mul3A_327 : i32
            %dma_wait3A_329 = arith.constant 0 : i32
            %dma_wait3A_330 = arith.constant 0 : i32
            %dma_wait3A_331 = tpu.memref_slice %arg6[%dma_wait3A_329, %dma_wait3A_330] : memref<400x32xf32, #tpu.memory_space<vmem>> -> memref<80x32xf32, #tpu.memory_space<vmem>>
            %dma_wait3A_332 = tpu.memref_slice %arg8[%mul3A_328] : memref<6000xi32, #tpu.memory_space<vmem>> -> memref<80xi32, #tpu.memory_space<vmem>>
            %dma_wait3A_333 = arith.constant 0 : i32
            %dma_wait3A_334 = arith.constant 0 : i32
            %dma_wait3A_335 = tpu.memref_slice %arg11[%dma_wait3A_333, %dma_wait3A_334] : memref<10240x32xf32, #tpu.memory_space<vmem_shared>> -> memref<10240x32xf32, #tpu.memory_space<vmem_shared>>
            tpu.wait_indirect_dma semaphore(%arg14 : memref<!tpu.dma_semaphore, #tpu.memory_space<semaphore_mem>>) src(%dma_wait3A_331 : memref<80x32xf32, #tpu.memory_space<vmem>>) dst(%dma_wait3A_335 : memref<10240x32xf32, #tpu.memory_space<vmem_shared>>)
            %dma_wait3A_336 = tpu.memref_slice %arg8[%mul3A_328] : memref<6000xi32, #tpu.memory_space<vmem>> -> memref<80xi32, #tpu.memory_space<vmem>>
            %dma_wait3A_337 = arith.constant 0 : i32
            %dma_wait3A_338 = arith.constant 0 : i32
            %dma_wait3A_339 = tpu.memref_slice %arg12[%dma_wait3A_337, %dma_wait3A_338] : memref<10240x32xf32, #tpu.memory_space<vmem_shared>> -> memref<10240x32xf32, #tpu.memory_space<vmem_shared>>
            tpu.wait_indirect_dma semaphore(%arg14 : memref<!tpu.dma_semaphore, #tpu.memory_space<semaphore_mem>>) src(%arg10 : memref<80x32xf32, #tpu.memory_space<vmem>>) dst(%dma_wait3A_339 : memref<10240x32xf32, #tpu.memory_space<vmem_shared>>)
            %mul3A_340 = arith.constant 5 : i32
            %mul3A_341 = arith.muli %sub3A_280, %mul3A_340 : i32
            %add3A_342 = arith.constant 1 : i32
            %add3A_343 = arith.addi %mul3A_341, %add3A_342 : i32
            %mul3A_344 = arith.constant 80 : i32
            %mul3A_345 = arith.muli %add3A_343, %mul3A_344 : i32
            %dma_wait3A_346 = arith.constant 80 : i32
            %dma_wait3A_347 = arith.constant 0 : i32
            %dma_wait3A_348 = tpu.memref_slice %arg6[%dma_wait3A_346, %dma_wait3A_347] : memref<400x32xf32, #tpu.memory_space<vmem>> -> memref<80x32xf32, #tpu.memory_space<vmem>>
            %dma_wait3A_349 = tpu.memref_slice %arg8[%mul3A_345] : memref<6000xi32, #tpu.memory_space<vmem>> -> memref<80xi32, #tpu.memory_space<vmem>>
            %dma_wait3A_350 = arith.constant 0 : i32
            %dma_wait3A_351 = arith.constant 0 : i32
            %dma_wait3A_352 = tpu.memref_slice %arg11[%dma_wait3A_350, %dma_wait3A_351] : memref<10240x32xf32, #tpu.memory_space<vmem_shared>> -> memref<10240x32xf32, #tpu.memory_space<vmem_shared>>
            tpu.wait_indirect_dma semaphore(%arg14 : memref<!tpu.dma_semaphore, #tpu.memory_space<semaphore_mem>>) src(%dma_wait3A_348 : memref<80x32xf32, #tpu.memory_space<vmem>>) dst(%dma_wait3A_352 : memref<10240x32xf32, #tpu.memory_space<vmem_shared>>)
            %dma_wait3A_353 = tpu.memref_slice %arg8[%mul3A_345] : memref<6000xi32, #tpu.memory_space<vmem>> -> memref<80xi32, #tpu.memory_space<vmem>>
            %dma_wait3A_354 = arith.constant 0 : i32
            %dma_wait3A_355 = arith.constant 0 : i32
            %dma_wait3A_356 = tpu.memref_slice %arg12[%dma_wait3A_354, %dma_wait3A_355] : memref<10240x32xf32, #tpu.memory_space<vmem_shared>> -> memref<10240x32xf32, #tpu.memory_space<vmem_shared>>
            tpu.wait_indirect_dma semaphore(%arg14 : memref<!tpu.dma_semaphore, #tpu.memory_space<semaphore_mem>>) src(%arg10 : memref<80x32xf32, #tpu.memory_space<vmem>>) dst(%dma_wait3A_356 : memref<10240x32xf32, #tpu.memory_space<vmem_shared>>)
            %mul3A_357 = arith.constant 5 : i32
            %mul3A_358 = arith.muli %sub3A_280, %mul3A_357 : i32
            %add3A_359 = arith.constant 2 : i32
            %add3A_360 = arith.addi %mul3A_358, %add3A_359 : i32
            %mul3A_361 = arith.constant 80 : i32
            %mul3A_362 = arith.muli %add3A_360, %mul3A_361 : i32
            %dma_wait3A_363 = arith.constant 160 : i32
            %dma_wait3A_364 = arith.constant 0 : i32
            %dma_wait3A_365 = tpu.memref_slice %arg6[%dma_wait3A_363, %dma_wait3A_364] : memref<400x32xf32, #tpu.memory_space<vmem>> -> memref<80x32xf32, #tpu.memory_space<vmem>>
            %dma_wait3A_366 = tpu.memref_slice %arg8[%mul3A_362] : memref<6000xi32, #tpu.memory_space<vmem>> -> memref<80xi32, #tpu.memory_space<vmem>>
            %dma_wait3A_367 = arith.constant 0 : i32
            %dma_wait3A_368 = arith.constant 0 : i32
            %dma_wait3A_369 = tpu.memref_slice %arg11[%dma_wait3A_367, %dma_wait3A_368] : memref<10240x32xf32, #tpu.memory_space<vmem_shared>> -> memref<10240x32xf32, #tpu.memory_space<vmem_shared>>
            tpu.wait_indirect_dma semaphore(%arg14 : memref<!tpu.dma_semaphore, #tpu.memory_space<semaphore_mem>>) src(%dma_wait3A_365 : memref<80x32xf32, #tpu.memory_space<vmem>>) dst(%dma_wait3A_369 : memref<10240x32xf32, #tpu.memory_space<vmem_shared>>)
            %dma_wait3A_370 = tpu.memref_slice %arg8[%mul3A_362] : memref<6000xi32, #tpu.memory_space<vmem>> -> memref<80xi32, #tpu.memory_space<vmem>>
            %dma_wait3A_371 = arith.constant 0 : i32
            %dma_wait3A_372 = arith.constant 0 : i32
            %dma_wait3A_373 = tpu.memref_slice %arg12[%dma_wait3A_371, %dma_wait3A_372] : memref<10240x32xf32, #tpu.memory_space<vmem_shared>> -> memref<10240x32xf32, #tpu.memory_space<vmem_shared>>
            tpu.wait_indirect_dma semaphore(%arg14 : memref<!tpu.dma_semaphore, #tpu.memory_space<semaphore_mem>>) src(%arg10 : memref<80x32xf32, #tpu.memory_space<vmem>>) dst(%dma_wait3A_373 : memref<10240x32xf32, #tpu.memory_space<vmem_shared>>)
            %mul3A_374 = arith.constant 5 : i32
            %mul3A_375 = arith.muli %sub3A_280, %mul3A_374 : i32
            %add3A_376 = arith.constant 3 : i32
            %add3A_377 = arith.addi %mul3A_375, %add3A_376 : i32
            %mul3A_378 = arith.constant 80 : i32
            %mul3A_379 = arith.muli %add3A_377, %mul3A_378 : i32
            %dma_wait3A_380 = arith.constant 240 : i32
            %dma_wait3A_381 = arith.constant 0 : i32
            %dma_wait3A_382 = tpu.memref_slice %arg6[%dma_wait3A_380, %dma_wait3A_381] : memref<400x32xf32, #tpu.memory_space<vmem>> -> memref<80x32xf32, #tpu.memory_space<vmem>>
            %dma_wait3A_383 = tpu.memref_slice %arg8[%mul3A_379] : memref<6000xi32, #tpu.memory_space<vmem>> -> memref<80xi32, #tpu.memory_space<vmem>>
            %dma_wait3A_384 = arith.constant 0 : i32
            %dma_wait3A_385 = arith.constant 0 : i32
            %dma_wait3A_386 = tpu.memref_slice %arg11[%dma_wait3A_384, %dma_wait3A_385] : memref<10240x32xf32, #tpu.memory_space<vmem_shared>> -> memref<10240x32xf32, #tpu.memory_space<vmem_shared>>
            tpu.wait_indirect_dma semaphore(%arg14 : memref<!tpu.dma_semaphore, #tpu.memory_space<semaphore_mem>>) src(%dma_wait3A_382 : memref<80x32xf32, #tpu.memory_space<vmem>>) dst(%dma_wait3A_386 : memref<10240x32xf32, #tpu.memory_space<vmem_shared>>)
            %dma_wait3A_387 = tpu.memref_slice %arg8[%mul3A_379] : memref<6000xi32, #tpu.memory_space<vmem>> -> memref<80xi32, #tpu.memory_space<vmem>>
            %dma_wait3A_388 = arith.constant 0 : i32
            %dma_wait3A_389 = arith.constant 0 : i32
            %dma_wait3A_390 = tpu.memref_slice %arg12[%dma_wait3A_388, %dma_wait3A_389] : memref<10240x32xf32, #tpu.memory_space<vmem_shared>> -> memref<10240x32xf32, #tpu.memory_space<vmem_shared>>
            tpu.wait_indirect_dma semaphore(%arg14 : memref<!tpu.dma_semaphore, #tpu.memory_space<semaphore_mem>>) src(%arg10 : memref<80x32xf32, #tpu.memory_space<vmem>>) dst(%dma_wait3A_390 : memref<10240x32xf32, #tpu.memory_space<vmem_shared>>)
            %mul3A_391 = arith.constant 5 : i32
            %mul3A_392 = arith.muli %sub3A_280, %mul3A_391 : i32
            %add3A_393 = arith.constant 4 : i32
            %add3A_394 = arith.addi %mul3A_392, %add3A_393 : i32
            %mul3A_395 = arith.constant 80 : i32
            %mul3A_396 = arith.muli %add3A_394, %mul3A_395 : i32
            %dma_wait3A_397 = arith.constant 320 : i32
            %dma_wait3A_398 = arith.constant 0 : i32
            %dma_wait3A_399 = tpu.memref_slice %arg6[%dma_wait3A_397, %dma_wait3A_398] : memref<400x32xf32, #tpu.memory_space<vmem>> -> memref<80x32xf32, #tpu.memory_space<vmem>>
            %dma_wait3A_400 = tpu.memref_slice %arg8[%mul3A_396] : memref<6000xi32, #tpu.memory_space<vmem>> -> memref<80xi32, #tpu.memory_space<vmem>>
            %dma_wait3A_401 = arith.constant 0 : i32
            %dma_wait3A_402 = arith.constant 0 : i32
            %dma_wait3A_403 = tpu.memref_slice %arg11[%dma_wait3A_401, %dma_wait3A_402] : memref<10240x32xf32, #tpu.memory_space<vmem_shared>> -> memref<10240x32xf32, #tpu.memory_space<vmem_shared>>
            tpu.wait_indirect_dma semaphore(%arg14 : memref<!tpu.dma_semaphore, #tpu.memory_space<semaphore_mem>>) src(%dma_wait3A_399 : memref<80x32xf32, #tpu.memory_space<vmem>>) dst(%dma_wait3A_403 : memref<10240x32xf32, #tpu.memory_space<vmem_shared>>)
            %dma_wait3A_404 = tpu.memref_slice %arg8[%mul3A_396] : memref<6000xi32, #tpu.memory_space<vmem>> -> memref<80xi32, #tpu.memory_space<vmem>>
            %dma_wait3A_405 = arith.constant 0 : i32
            %dma_wait3A_406 = arith.constant 0 : i32
            %dma_wait3A_407 = tpu.memref_slice %arg12[%dma_wait3A_405, %dma_wait3A_406] : memref<10240x32xf32, #tpu.memory_space<vmem_shared>> -> memref<10240x32xf32, #tpu.memory_space<vmem_shared>>
            tpu.wait_indirect_dma semaphore(%arg14 : memref<!tpu.dma_semaphore, #tpu.memory_space<semaphore_mem>>) src(%arg10 : memref<80x32xf32, #tpu.memory_space<vmem>>) dst(%dma_wait3A_407 : memref<10240x32xf32, #tpu.memory_space<vmem_shared>>)
          } else {
          }
          %jit3A_302 = arith.constant 2 : i32
          %eq3A_303 = arith.constant 0 : i32
          %eq3A_304 = arith.cmpi eq, %jit3A_302, %eq3A_303 : i32
          %jit3A_305 = arith.constant 1 : i32
          %select_n3A_306 = arith.select %eq3A_304, %jit3A_305, %jit3A_302 : i32
          %rem3A_307 = arith.remsi %sub3A_280, %select_n3A_306 : i32
          %ne3A_308 = arith.constant 0 : i32
          %ne3A_309 = arith.cmpi ne, %rem3A_307, %ne3A_308 : i32
          %lt3A_310 = arith.constant 0 : i32
          %lt3A_311 = arith.cmpi slt, %rem3A_307, %lt3A_310 : i32
          %lt3A_312 = arith.constant 0 : i32
          %lt3A_313 = arith.cmpi slt, %select_n3A_306, %lt3A_312 : i32
          %ne3A_314 = arith.xori %lt3A_311, %lt3A_313 : i1
          %and3A_315 = arith.andi %ne3A_314, %ne3A_309 : i1
          %add3A_316 = arith.addi %rem3A_307, %select_n3A_306 : i32
          %select_n3A_317 = arith.select %and3A_315, %add3A_316, %rem3A_307 : i32
          %eq3A_318 = arith.constant 1 : i32
          %eq3A_319 = arith.cmpi eq, %select_n3A_317, %eq3A_318 : i32
          %convert_element_type3A_320 = arith.extui %eq3A_319 : i1 to i32
          %cond3A_321 = arith.constant 0 : i32
          %cond3A_322 = arith.cmpi ne, %convert_element_type3A_320, %cond3A_321 : i32
          scf.if %cond3A_322 {
            %mul3A_323 = arith.constant 5 : i32
            %mul3A_324 = arith.muli %sub3A_280, %mul3A_323 : i32
            %add3A_325 = arith.constant 0 : i32
            %add3A_326 = arith.addi %mul3A_324, %add3A_325 : i32
            %mul3A_327 = arith.constant 80 : i32
            %mul3A_328 = arith.muli %add3A_326, %mul3A_327 : i32
            %dma_wait3A_329 = arith.constant 0 : i32
            %dma_wait3A_330 = arith.constant 0 : i32
            %dma_wait3A_331 = tpu.memref_slice %arg7[%dma_wait3A_329, %dma_wait3A_330] : memref<400x32xf32, #tpu.memory_space<vmem>> -> memref<80x32xf32, #tpu.memory_space<vmem>>
            %dma_wait3A_332 = tpu.memref_slice %arg8[%mul3A_328] : memref<6000xi32, #tpu.memory_space<vmem>> -> memref<80xi32, #tpu.memory_space<vmem>>
            %dma_wait3A_333 = arith.constant 0 : i32
            %dma_wait3A_334 = arith.constant 0 : i32
            %dma_wait3A_335 = tpu.memref_slice %arg11[%dma_wait3A_333, %dma_wait3A_334] : memref<10240x32xf32, #tpu.memory_space<vmem_shared>> -> memref<10240x32xf32, #tpu.memory_space<vmem_shared>>
            tpu.wait_indirect_dma semaphore(%arg14 : memref<!tpu.dma_semaphore, #tpu.memory_space<semaphore_mem>>) src(%dma_wait3A_331 : memref<80x32xf32, #tpu.memory_space<vmem>>) dst(%dma_wait3A_335 : memref<10240x32xf32, #tpu.memory_space<vmem_shared>>)
            %dma_wait3A_336 = tpu.memref_slice %arg8[%mul3A_328] : memref<6000xi32, #tpu.memory_space<vmem>> -> memref<80xi32, #tpu.memory_space<vmem>>
            %dma_wait3A_337 = arith.constant 0 : i32
            %dma_wait3A_338 = arith.constant 0 : i32
            %dma_wait3A_339 = tpu.memref_slice %arg12[%dma_wait3A_337, %dma_wait3A_338] : memref<10240x32xf32, #tpu.memory_space<vmem_shared>> -> memref<10240x32xf32, #tpu.memory_space<vmem_shared>>
            tpu.wait_indirect_dma semaphore(%arg14 : memref<!tpu.dma_semaphore, #tpu.memory_space<semaphore_mem>>) src(%arg10 : memref<80x32xf32, #tpu.memory_space<vmem>>) dst(%dma_wait3A_339 : memref<10240x32xf32, #tpu.memory_space<vmem_shared>>)
            %mul3A_340 = arith.constant 5 : i32
            %mul3A_341 = arith.muli %sub3A_280, %mul3A_340 : i32
            %add3A_342 = arith.constant 1 : i32
            %add3A_343 = arith.addi %mul3A_341, %add3A_342 : i32
            %mul3A_344 = arith.constant 80 : i32
            %mul3A_345 = arith.muli %add3A_343, %mul3A_344 : i32
            %dma_wait3A_346 = arith.constant 80 : i32
            %dma_wait3A_347 = arith.constant 0 : i32
            %dma_wait3A_348 = tpu.memref_slice %arg7[%dma_wait3A_346, %dma_wait3A_347] : memref<400x32xf32, #tpu.memory_space<vmem>> -> memref<80x32xf32, #tpu.memory_space<vmem>>
            %dma_wait3A_349 = tpu.memref_slice %arg8[%mul3A_345] : memref<6000xi32, #tpu.memory_space<vmem>> -> memref<80xi32, #tpu.memory_space<vmem>>
            %dma_wait3A_350 = arith.constant 0 : i32
            %dma_wait3A_351 = arith.constant 0 : i32
            %dma_wait3A_352 = tpu.memref_slice %arg11[%dma_wait3A_350, %dma_wait3A_351] : memref<10240x32xf32, #tpu.memory_space<vmem_shared>> -> memref<10240x32xf32, #tpu.memory_space<vmem_shared>>
            tpu.wait_indirect_dma semaphore(%arg14 : memref<!tpu.dma_semaphore, #tpu.memory_space<semaphore_mem>>) src(%dma_wait3A_348 : memref<80x32xf32, #tpu.memory_space<vmem>>) dst(%dma_wait3A_352 : memref<10240x32xf32, #tpu.memory_space<vmem_shared>>)
            %dma_wait3A_353 = tpu.memref_slice %arg8[%mul3A_345] : memref<6000xi32, #tpu.memory_space<vmem>> -> memref<80xi32, #tpu.memory_space<vmem>>
            %dma_wait3A_354 = arith.constant 0 : i32
            %dma_wait3A_355 = arith.constant 0 : i32
            %dma_wait3A_356 = tpu.memref_slice %arg12[%dma_wait3A_354, %dma_wait3A_355] : memref<10240x32xf32, #tpu.memory_space<vmem_shared>> -> memref<10240x32xf32, #tpu.memory_space<vmem_shared>>
            tpu.wait_indirect_dma semaphore(%arg14 : memref<!tpu.dma_semaphore, #tpu.memory_space<semaphore_mem>>) src(%arg10 : memref<80x32xf32, #tpu.memory_space<vmem>>) dst(%dma_wait3A_356 : memref<10240x32xf32, #tpu.memory_space<vmem_shared>>)
            %mul3A_357 = arith.constant 5 : i32
            %mul3A_358 = arith.muli %sub3A_280, %mul3A_357 : i32
            %add3A_359 = arith.constant 2 : i32
            %add3A_360 = arith.addi %mul3A_358, %add3A_359 : i32
            %mul3A_361 = arith.constant 80 : i32
            %mul3A_362 = arith.muli %add3A_360, %mul3A_361 : i32
            %dma_wait3A_363 = arith.constant 160 : i32
            %dma_wait3A_364 = arith.constant 0 : i32
            %dma_wait3A_365 = tpu.memref_slice %arg7[%dma_wait3A_363, %dma_wait3A_364] : memref<400x32xf32, #tpu.memory_space<vmem>> -> memref<80x32xf32, #tpu.memory_space<vmem>>
            %dma_wait3A_366 = tpu.memref_slice %arg8[%mul3A_362] : memref<6000xi32, #tpu.memory_space<vmem>> -> memref<80xi32, #tpu.memory_space<vmem>>
            %dma_wait3A_367 = arith.constant 0 : i32
            %dma_wait3A_368 = arith.constant 0 : i32
            %dma_wait3A_369 = tpu.memref_slice %arg11[%dma_wait3A_367, %dma_wait3A_368] : memref<10240x32xf32, #tpu.memory_space<vmem_shared>> -> memref<10240x32xf32, #tpu.memory_space<vmem_shared>>
            tpu.wait_indirect_dma semaphore(%arg14 : memref<!tpu.dma_semaphore, #tpu.memory_space<semaphore_mem>>) src(%dma_wait3A_365 : memref<80x32xf32, #tpu.memory_space<vmem>>) dst(%dma_wait3A_369 : memref<10240x32xf32, #tpu.memory_space<vmem_shared>>)
            %dma_wait3A_370 = tpu.memref_slice %arg8[%mul3A_362] : memref<6000xi32, #tpu.memory_space<vmem>> -> memref<80xi32, #tpu.memory_space<vmem>>
            %dma_wait3A_371 = arith.constant 0 : i32
            %dma_wait3A_372 = arith.constant 0 : i32
            %dma_wait3A_373 = tpu.memref_slice %arg12[%dma_wait3A_371, %dma_wait3A_372] : memref<10240x32xf32, #tpu.memory_space<vmem_shared>> -> memref<10240x32xf32, #tpu.memory_space<vmem_shared>>
            tpu.wait_indirect_dma semaphore(%arg14 : memref<!tpu.dma_semaphore, #tpu.memory_space<semaphore_mem>>) src(%arg10 : memref<80x32xf32, #tpu.memory_space<vmem>>) dst(%dma_wait3A_373 : memref<10240x32xf32, #tpu.memory_space<vmem_shared>>)
            %mul3A_374 = arith.constant 5 : i32
            %mul3A_375 = arith.muli %sub3A_280, %mul3A_374 : i32
            %add3A_376 = arith.constant 3 : i32
            %add3A_377 = arith.addi %mul3A_375, %add3A_376 : i32
            %mul3A_378 = arith.constant 80 : i32
            %mul3A_379 = arith.muli %add3A_377, %mul3A_378 : i32
            %dma_wait3A_380 = arith.constant 240 : i32
            %dma_wait3A_381 = arith.constant 0 : i32
            %dma_wait3A_382 = tpu.memref_slice %arg7[%dma_wait3A_380, %dma_wait3A_381] : memref<400x32xf32, #tpu.memory_space<vmem>> -> memref<80x32xf32, #tpu.memory_space<vmem>>
            %dma_wait3A_383 = tpu.memref_slice %arg8[%mul3A_379] : memref<6000xi32, #tpu.memory_space<vmem>> -> memref<80xi32, #tpu.memory_space<vmem>>
            %dma_wait3A_384 = arith.constant 0 : i32
            %dma_wait3A_385 = arith.constant 0 : i32
            %dma_wait3A_386 = tpu.memref_slice %arg11[%dma_wait3A_384, %dma_wait3A_385] : memref<10240x32xf32, #tpu.memory_space<vmem_shared>> -> memref<10240x32xf32, #tpu.memory_space<vmem_shared>>
            tpu.wait_indirect_dma semaphore(%arg14 : memref<!tpu.dma_semaphore, #tpu.memory_space<semaphore_mem>>) src(%dma_wait3A_382 : memref<80x32xf32, #tpu.memory_space<vmem>>) dst(%dma_wait3A_386 : memref<10240x32xf32, #tpu.memory_space<vmem_shared>>)
            %dma_wait3A_387 = tpu.memref_slice %arg8[%mul3A_379] : memref<6000xi32, #tpu.memory_space<vmem>> -> memref<80xi32, #tpu.memory_space<vmem>>
            %dma_wait3A_388 = arith.constant 0 : i32
            %dma_wait3A_389 = arith.constant 0 : i32
            %dma_wait3A_390 = tpu.memref_slice %arg12[%dma_wait3A_388, %dma_wait3A_389] : memref<10240x32xf32, #tpu.memory_space<vmem_shared>> -> memref<10240x32xf32, #tpu.memory_space<vmem_shared>>
            tpu.wait_indirect_dma semaphore(%arg14 : memref<!tpu.dma_semaphore, #tpu.memory_space<semaphore_mem>>) src(%arg10 : memref<80x32xf32, #tpu.memory_space<vmem>>) dst(%dma_wait3A_390 : memref<10240x32xf32, #tpu.memory_space<vmem_shared>>)
            %mul3A_391 = arith.constant 5 : i32
            %mul3A_392 = arith.muli %sub3A_280, %mul3A_391 : i32
            %add3A_393 = arith.constant 4 : i32
            %add3A_394 = arith.addi %mul3A_392, %add3A_393 : i32
            %mul3A_395 = arith.constant 80 : i32
            %mul3A_396 = arith.muli %add3A_394, %mul3A_395 : i32
            %dma_wait3A_397 = arith.constant 320 : i32
            %dma_wait3A_398 = arith.constant 0 : i32
            %dma_wait3A_399 = tpu.memref_slice %arg7[%dma_wait3A_397, %dma_wait3A_398] : memref<400x32xf32, #tpu.memory_space<vmem>> -> memref<80x32xf32, #tpu.memory_space<vmem>>
            %dma_wait3A_400 = tpu.memref_slice %arg8[%mul3A_396] : memref<6000xi32, #tpu.memory_space<vmem>> -> memref<80xi32, #tpu.memory_space<vmem>>
            %dma_wait3A_401 = arith.constant 0 : i32
            %dma_wait3A_402 = arith.constant 0 : i32
            %dma_wait3A_403 = tpu.memref_slice %arg11[%dma_wait3A_401, %dma_wait3A_402] : memref<10240x32xf32, #tpu.memory_space<vmem_shared>> -> memref<10240x32xf32, #tpu.memory_space<vmem_shared>>
            tpu.wait_indirect_dma semaphore(%arg14 : memref<!tpu.dma_semaphore, #tpu.memory_space<semaphore_mem>>) src(%dma_wait3A_399 : memref<80x32xf32, #tpu.memory_space<vmem>>) dst(%dma_wait3A_403 : memref<10240x32xf32, #tpu.memory_space<vmem_shared>>)
            %dma_wait3A_404 = tpu.memref_slice %arg8[%mul3A_396] : memref<6000xi32, #tpu.memory_space<vmem>> -> memref<80xi32, #tpu.memory_space<vmem>>
            %dma_wait3A_405 = arith.constant 0 : i32
            %dma_wait3A_406 = arith.constant 0 : i32
            %dma_wait3A_407 = tpu.memref_slice %arg12[%dma_wait3A_405, %dma_wait3A_406] : memref<10240x32xf32, #tpu.memory_space<vmem_shared>> -> memref<10240x32xf32, #tpu.memory_space<vmem_shared>>
            tpu.wait_indirect_dma semaphore(%arg14 : memref<!tpu.dma_semaphore, #tpu.memory_space<semaphore_mem>>) src(%arg10 : memref<80x32xf32, #tpu.memory_space<vmem>>) dst(%dma_wait3A_407 : memref<10240x32xf32, #tpu.memory_space<vmem_shared>>)
          } else {
          }
        } else {
        }
        %add3A_187 = arith.constant 1 : i32
        %add3A_188 = arith.addi %scan3A_133, %add3A_187 : i32
        %lt3A_189 = arith.constant 15 : i32
        %lt3A_190 = arith.cmpi slt, %add3A_188, %lt3A_189 : i32
        %convert_element_type3A_191 = arith.extui %lt3A_190 : i1 to i32
        %cond3A_192 = arith.constant 0 : i32
        %cond3A_193 = arith.cmpi ne, %convert_element_type3A_191, %cond3A_192 : i32
        scf.if %cond3A_193 {
          %add3A_279 = arith.constant 1 : i32
          %add3A_280 = arith.addi %scan3A_133, %add3A_279 : i32
          %mul3A_281 = arith.constant 6000 : i32
          %mul3A_282 = arith.muli %select_n3A_30, %mul3A_281 : i32
          %mul3A_283 = arith.constant 400 : i32
          %mul3A_284 = arith.muli %add3A_280, %mul3A_283 : i32
          %add3A_285 = arith.addi %mul3A_282, %mul3A_284 : i32
          %mul3A_286 = arith.constant 32 : i32
          %mul3A_287 = arith.muli %select_n3A, %mul3A_286 : i32
          %dma_start3A_288 = tpu.memref_slice %arg2[%add3A_285, %mul3A_287] : memref<48000x128xf32, #tpu.memory_space<hbm>> -> memref<400x32xf32, #tpu.memory_space<hbm>>
          %dma_start3A_289 = tpu.memref_slice %arg2[%add3A_285, %mul3A_287] : memref<48000x128xf32, #tpu.memory_space<hbm>> -> memref<400x32xf32, #tpu.memory_space<hbm>>
          tpu.enqueue_dma source(%dma_start3A_289 : memref<400x32xf32, #tpu.memory_space<hbm>>) target(%arg6 : memref<400x32xf32, #tpu.memory_space<vmem>>) target_semaphore(%arg13 : memref<!tpu.dma_semaphore, #tpu.memory_space<semaphore_mem>>)
        } else {
        }
        %mul3A_194 = arith.constant 5 : i32
        %mul3A_195 = arith.muli %scan3A_133, %mul3A_194 : i32
        %add3A_196 = arith.constant 0 : i32
        %add3A_197 = arith.addi %mul3A_195, %add3A_196 : i32
        %mul3A_198 = arith.constant 80 : i32
        %mul3A_199 = arith.muli %add3A_197, %mul3A_198 : i32
        %dma_start3A_200 = arith.constant 0 : i32
        %dma_start3A_201 = arith.constant 0 : i32
        %dma_start3A_202 = tpu.memref_slice %arg7[%dma_start3A_200, %dma_start3A_201] : memref<400x32xf32, #tpu.memory_space<vmem>> -> memref<80x32xf32, #tpu.memory_space<vmem>>
        %dma_start3A_203 = tpu.memref_slice %arg8[%mul3A_199] : memref<6000xi32, #tpu.memory_space<vmem>> -> memref<80xi32, #tpu.memory_space<vmem>>
        %dma_start3A_204 = arith.constant 0 : i32
        %dma_start3A_205 = arith.constant 0 : i32
        %dma_start3A_206 = tpu.memref_slice %arg11[%dma_start3A_204, %dma_start3A_205] : memref<10240x32xf32, #tpu.memory_space<vmem_shared>> -> memref<10240x32xf32, #tpu.memory_space<vmem_shared>>
        tpu.enqueue_indirect_dma source(%dma_start3A_202 : memref<80x32xf32, #tpu.memory_space<vmem>>) target(%dma_start3A_206 : memref<10240x32xf32, #tpu.memory_space<vmem_shared>>) offsets(%dma_start3A_203 : memref<80xi32, #tpu.memory_space<vmem>>) semaphore(%arg14 : memref<!tpu.dma_semaphore, #tpu.memory_space<semaphore_mem>>) {add = true}
        %dma_start3A_207 = tpu.memref_slice %arg8[%mul3A_199] : memref<6000xi32, #tpu.memory_space<vmem>> -> memref<80xi32, #tpu.memory_space<vmem>>
        %dma_start3A_208 = arith.constant 0 : i32
        %dma_start3A_209 = arith.constant 0 : i32
        %dma_start3A_210 = tpu.memref_slice %arg12[%dma_start3A_208, %dma_start3A_209] : memref<10240x32xf32, #tpu.memory_space<vmem_shared>> -> memref<10240x32xf32, #tpu.memory_space<vmem_shared>>
        tpu.enqueue_indirect_dma source(%arg10 : memref<80x32xf32, #tpu.memory_space<vmem>>) target(%dma_start3A_210 : memref<10240x32xf32, #tpu.memory_space<vmem_shared>>) offsets(%dma_start3A_207 : memref<80xi32, #tpu.memory_space<vmem>>) semaphore(%arg14 : memref<!tpu.dma_semaphore, #tpu.memory_space<semaphore_mem>>) {add = true}
        %mul3A_211 = arith.constant 5 : i32
        %mul3A_212 = arith.muli %scan3A_133, %mul3A_211 : i32
        %add3A_213 = arith.constant 1 : i32
        %add3A_214 = arith.addi %mul3A_212, %add3A_213 : i32
        %mul3A_215 = arith.constant 80 : i32
        %mul3A_216 = arith.muli %add3A_214, %mul3A_215 : i32
        %dma_start3A_217 = arith.constant 80 : i32
        %dma_start3A_218 = arith.constant 0 : i32
        %dma_start3A_219 = tpu.memref_slice %arg7[%dma_start3A_217, %dma_start3A_218] : memref<400x32xf32, #tpu.memory_space<vmem>> -> memref<80x32xf32, #tpu.memory_space<vmem>>
        %dma_start3A_220 = tpu.memref_slice %arg8[%mul3A_216] : memref<6000xi32, #tpu.memory_space<vmem>> -> memref<80xi32, #tpu.memory_space<vmem>>
        %dma_start3A_221 = arith.constant 0 : i32
        %dma_start3A_222 = arith.constant 0 : i32
        %dma_start3A_223 = tpu.memref_slice %arg11[%dma_start3A_221, %dma_start3A_222] : memref<10240x32xf32, #tpu.memory_space<vmem_shared>> -> memref<10240x32xf32, #tpu.memory_space<vmem_shared>>
        tpu.enqueue_indirect_dma source(%dma_start3A_219 : memref<80x32xf32, #tpu.memory_space<vmem>>) target(%dma_start3A_223 : memref<10240x32xf32, #tpu.memory_space<vmem_shared>>) offsets(%dma_start3A_220 : memref<80xi32, #tpu.memory_space<vmem>>) semaphore(%arg14 : memref<!tpu.dma_semaphore, #tpu.memory_space<semaphore_mem>>) {add = true}
        %dma_start3A_224 = tpu.memref_slice %arg8[%mul3A_216] : memref<6000xi32, #tpu.memory_space<vmem>> -> memref<80xi32, #tpu.memory_space<vmem>>
        %dma_start3A_225 = arith.constant 0 : i32
        %dma_start3A_226 = arith.constant 0 : i32
        %dma_start3A_227 = tpu.memref_slice %arg12[%dma_start3A_225, %dma_start3A_226] : memref<10240x32xf32, #tpu.memory_space<vmem_shared>> -> memref<10240x32xf32, #tpu.memory_space<vmem_shared>>
        tpu.enqueue_indirect_dma source(%arg10 : memref<80x32xf32, #tpu.memory_space<vmem>>) target(%dma_start3A_227 : memref<10240x32xf32, #tpu.memory_space<vmem_shared>>) offsets(%dma_start3A_224 : memref<80xi32, #tpu.memory_space<vmem>>) semaphore(%arg14 : memref<!tpu.dma_semaphore, #tpu.memory_space<semaphore_mem>>) {add = true}
        %mul3A_228 = arith.constant 5 : i32
        %mul3A_229 = arith.muli %scan3A_133, %mul3A_228 : i32
        %add3A_230 = arith.constant 2 : i32
        %add3A_231 = arith.addi %mul3A_229, %add3A_230 : i32
        %mul3A_232 = arith.constant 80 : i32
        %mul3A_233 = arith.muli %add3A_231, %mul3A_232 : i32
        %dma_start3A_234 = arith.constant 160 : i32
        %dma_start3A_235 = arith.constant 0 : i32
        %dma_start3A_236 = tpu.memref_slice %arg7[%dma_start3A_234, %dma_start3A_235] : memref<400x32xf32, #tpu.memory_space<vmem>> -> memref<80x32xf32, #tpu.memory_space<vmem>>
        %dma_start3A_237 = tpu.memref_slice %arg8[%mul3A_233] : memref<6000xi32, #tpu.memory_space<vmem>> -> memref<80xi32, #tpu.memory_space<vmem>>
        %dma_start3A_238 = arith.constant 0 : i32
        %dma_start3A_239 = arith.constant 0 : i32
        %dma_start3A_240 = tpu.memref_slice %arg11[%dma_start3A_238, %dma_start3A_239] : memref<10240x32xf32, #tpu.memory_space<vmem_shared>> -> memref<10240x32xf32, #tpu.memory_space<vmem_shared>>
        tpu.enqueue_indirect_dma source(%dma_start3A_236 : memref<80x32xf32, #tpu.memory_space<vmem>>) target(%dma_start3A_240 : memref<10240x32xf32, #tpu.memory_space<vmem_shared>>) offsets(%dma_start3A_237 : memref<80xi32, #tpu.memory_space<vmem>>) semaphore(%arg14 : memref<!tpu.dma_semaphore, #tpu.memory_space<semaphore_mem>>) {add = true}
        %dma_start3A_241 = tpu.memref_slice %arg8[%mul3A_233] : memref<6000xi32, #tpu.memory_space<vmem>> -> memref<80xi32, #tpu.memory_space<vmem>>
        %dma_start3A_242 = arith.constant 0 : i32
        %dma_start3A_243 = arith.constant 0 : i32
        %dma_start3A_244 = tpu.memref_slice %arg12[%dma_start3A_242, %dma_start3A_243] : memref<10240x32xf32, #tpu.memory_space<vmem_shared>> -> memref<10240x32xf32, #tpu.memory_space<vmem_shared>>
        tpu.enqueue_indirect_dma source(%arg10 : memref<80x32xf32, #tpu.memory_space<vmem>>) target(%dma_start3A_244 : memref<10240x32xf32, #tpu.memory_space<vmem_shared>>) offsets(%dma_start3A_241 : memref<80xi32, #tpu.memory_space<vmem>>) semaphore(%arg14 : memref<!tpu.dma_semaphore, #tpu.memory_space<semaphore_mem>>) {add = true}
        %mul3A_245 = arith.constant 5 : i32
        %mul3A_246 = arith.muli %scan3A_133, %mul3A_245 : i32
        %add3A_247 = arith.constant 3 : i32
        %add3A_248 = arith.addi %mul3A_246, %add3A_247 : i32
        %mul3A_249 = arith.constant 80 : i32
        %mul3A_250 = arith.muli %add3A_248, %mul3A_249 : i32
        %dma_start3A_251 = arith.constant 240 : i32
        %dma_start3A_252 = arith.constant 0 : i32
        %dma_start3A_253 = tpu.memref_slice %arg7[%dma_start3A_251, %dma_start3A_252] : memref<400x32xf32, #tpu.memory_space<vmem>> -> memref<80x32xf32, #tpu.memory_space<vmem>>
        %dma_start3A_254 = tpu.memref_slice %arg8[%mul3A_250] : memref<6000xi32, #tpu.memory_space<vmem>> -> memref<80xi32, #tpu.memory_space<vmem>>
        %dma_start3A_255 = arith.constant 0 : i32
        %dma_start3A_256 = arith.constant 0 : i32
        %dma_start3A_257 = tpu.memref_slice %arg11[%dma_start3A_255, %dma_start3A_256] : memref<10240x32xf32, #tpu.memory_space<vmem_shared>> -> memref<10240x32xf32, #tpu.memory_space<vmem_shared>>
        tpu.enqueue_indirect_dma source(%dma_start3A_253 : memref<80x32xf32, #tpu.memory_space<vmem>>) target(%dma_start3A_257 : memref<10240x32xf32, #tpu.memory_space<vmem_shared>>) offsets(%dma_start3A_254 : memref<80xi32, #tpu.memory_space<vmem>>) semaphore(%arg14 : memref<!tpu.dma_semaphore, #tpu.memory_space<semaphore_mem>>) {add = true}
        %dma_start3A_258 = tpu.memref_slice %arg8[%mul3A_250] : memref<6000xi32, #tpu.memory_space<vmem>> -> memref<80xi32, #tpu.memory_space<vmem>>
        %dma_start3A_259 = arith.constant 0 : i32
        %dma_start3A_260 = arith.constant 0 : i32
        %dma_start3A_261 = tpu.memref_slice %arg12[%dma_start3A_259, %dma_start3A_260] : memref<10240x32xf32, #tpu.memory_space<vmem_shared>> -> memref<10240x32xf32, #tpu.memory_space<vmem_shared>>
        tpu.enqueue_indirect_dma source(%arg10 : memref<80x32xf32, #tpu.memory_space<vmem>>) target(%dma_start3A_261 : memref<10240x32xf32, #tpu.memory_space<vmem_shared>>) offsets(%dma_start3A_258 : memref<80xi32, #tpu.memory_space<vmem>>) semaphore(%arg14 : memref<!tpu.dma_semaphore, #tpu.memory_space<semaphore_mem>>) {add = true}
        %mul3A_262 = arith.constant 5 : i32
        %mul3A_263 = arith.muli %scan3A_133, %mul3A_262 : i32
        %add3A_264 = arith.constant 4 : i32
        %add3A_265 = arith.addi %mul3A_263, %add3A_264 : i32
        %mul3A_266 = arith.constant 80 : i32
        %mul3A_267 = arith.muli %add3A_265, %mul3A_266 : i32
        %dma_start3A_268 = arith.constant 320 : i32
        %dma_start3A_269 = arith.constant 0 : i32
        %dma_start3A_270 = tpu.memref_slice %arg7[%dma_start3A_268, %dma_start3A_269] : memref<400x32xf32, #tpu.memory_space<vmem>> -> memref<80x32xf32, #tpu.memory_space<vmem>>
        %dma_start3A_271 = tpu.memref_slice %arg8[%mul3A_267] : memref<6000xi32, #tpu.memory_space<vmem>> -> memref<80xi32, #tpu.memory_space<vmem>>
        %dma_start3A_272 = arith.constant 0 : i32
        %dma_start3A_273 = arith.constant 0 : i32
        %dma_start3A_274 = tpu.memref_slice %arg11[%dma_start3A_272, %dma_start3A_273] : memref<10240x32xf32, #tpu.memory_space<vmem_shared>> -> memref<10240x32xf32, #tpu.memory_space<vmem_shared>>
        tpu.enqueue_indirect_dma source(%dma_start3A_270 : memref<80x32xf32, #tpu.memory_space<vmem>>) target(%dma_start3A_274 : memref<10240x32xf32, #tpu.memory_space<vmem_shared>>) offsets(%dma_start3A_271 : memref<80xi32, #tpu.memory_space<vmem>>) semaphore(%arg14 : memref<!tpu.dma_semaphore, #tpu.memory_space<semaphore_mem>>) {add = true}
        %dma_start3A_275 = tpu.memref_slice %arg8[%mul3A_267] : memref<6000xi32, #tpu.memory_space<vmem>> -> memref<80xi32, #tpu.memory_space<vmem>>
        %dma_start3A_276 = arith.constant 0 : i32
        %dma_start3A_277 = arith.constant 0 : i32
        %dma_start3A_278 = tpu.memref_slice %arg12[%dma_start3A_276, %dma_start3A_277] : memref<10240x32xf32, #tpu.memory_space<vmem_shared>> -> memref<10240x32xf32, #tpu.memory_space<vmem_shared>>
        tpu.enqueue_indirect_dma source(%arg10 : memref<80x32xf32, #tpu.memory_space<vmem>>) target(%dma_start3A_278 : memref<10240x32xf32, #tpu.memory_space<vmem_shared>>) offsets(%dma_start3A_275 : memref<80xi32, #tpu.memory_space<vmem>>) semaphore(%arg14 : memref<!tpu.dma_semaphore, #tpu.memory_space<semaphore_mem>>) {add = true}
      } else {
      }
    }
    %scan3A_59 = arith.constant 15 : i32
    %dma_wait3A = arith.constant 0 : i32
    %dma_wait3A_60 = arith.constant 0 : i32
    %dma_wait3A_61 = tpu.memref_slice %arg6[%dma_wait3A, %dma_wait3A_60] : memref<400x32xf32, #tpu.memory_space<vmem>> -> memref<80x32xf32, #tpu.memory_space<vmem>>
    %dma_wait3A_62 = arith.constant 5600 : i32
    %dma_wait3A_63 = tpu.memref_slice %arg8[%dma_wait3A_62] : memref<6000xi32, #tpu.memory_space<vmem>> -> memref<80xi32, #tpu.memory_space<vmem>>
    %dma_wait3A_64 = arith.constant 0 : i32
    %dma_wait3A_65 = arith.constant 0 : i32
    %dma_wait3A_66 = tpu.memref_slice %arg11[%dma_wait3A_64, %dma_wait3A_65] : memref<10240x32xf32, #tpu.memory_space<vmem_shared>> -> memref<10240x32xf32, #tpu.memory_space<vmem_shared>>
    tpu.wait_indirect_dma semaphore(%arg14 : memref<!tpu.dma_semaphore, #tpu.memory_space<semaphore_mem>>) src(%dma_wait3A_61 : memref<80x32xf32, #tpu.memory_space<vmem>>) dst(%dma_wait3A_66 : memref<10240x32xf32, #tpu.memory_space<vmem_shared>>)
    %dma_wait3A_67 = arith.constant 5600 : i32
    %dma_wait3A_68 = tpu.memref_slice %arg8[%dma_wait3A_67] : memref<6000xi32, #tpu.memory_space<vmem>> -> memref<80xi32, #tpu.memory_space<vmem>>
    %dma_wait3A_69 = arith.constant 0 : i32
    %dma_wait3A_70 = arith.constant 0 : i32
    %dma_wait3A_71 = tpu.memref_slice %arg12[%dma_wait3A_69, %dma_wait3A_70] : memref<10240x32xf32, #tpu.memory_space<vmem_shared>> -> memref<10240x32xf32, #tpu.memory_space<vmem_shared>>
    tpu.wait_indirect_dma semaphore(%arg14 : memref<!tpu.dma_semaphore, #tpu.memory_space<semaphore_mem>>) src(%arg10 : memref<80x32xf32, #tpu.memory_space<vmem>>) dst(%dma_wait3A_71 : memref<10240x32xf32, #tpu.memory_space<vmem_shared>>)
    %dma_wait3A_72 = arith.constant 80 : i32
    %dma_wait3A_73 = arith.constant 0 : i32
    %dma_wait3A_74 = tpu.memref_slice %arg6[%dma_wait3A_72, %dma_wait3A_73] : memref<400x32xf32, #tpu.memory_space<vmem>> -> memref<80x32xf32, #tpu.memory_space<vmem>>
    %dma_wait3A_75 = arith.constant 5680 : i32
    %dma_wait3A_76 = tpu.memref_slice %arg8[%dma_wait3A_75] : memref<6000xi32, #tpu.memory_space<vmem>> -> memref<80xi32, #tpu.memory_space<vmem>>
    %dma_wait3A_77 = arith.constant 0 : i32
    %dma_wait3A_78 = arith.constant 0 : i32
    %dma_wait3A_79 = tpu.memref_slice %arg11[%dma_wait3A_77, %dma_wait3A_78] : memref<10240x32xf32, #tpu.memory_space<vmem_shared>> -> memref<10240x32xf32, #tpu.memory_space<vmem_shared>>
    tpu.wait_indirect_dma semaphore(%arg14 : memref<!tpu.dma_semaphore, #tpu.memory_space<semaphore_mem>>) src(%dma_wait3A_74 : memref<80x32xf32, #tpu.memory_space<vmem>>) dst(%dma_wait3A_79 : memref<10240x32xf32, #tpu.memory_space<vmem_shared>>)
    %dma_wait3A_80 = arith.constant 5680 : i32
    %dma_wait3A_81 = tpu.memref_slice %arg8[%dma_wait3A_80] : memref<6000xi32, #tpu.memory_space<vmem>> -> memref<80xi32, #tpu.memory_space<vmem>>
    %dma_wait3A_82 = arith.constant 0 : i32
    %dma_wait3A_83 = arith.constant 0 : i32
    %dma_wait3A_84 = tpu.memref_slice %arg12[%dma_wait3A_82, %dma_wait3A_83] : memref<10240x32xf32, #tpu.memory_space<vmem_shared>> -> memref<10240x32xf32, #tpu.memory_space<vmem_shared>>
    tpu.wait_indirect_dma semaphore(%arg14 : memref<!tpu.dma_semaphore, #tpu.memory_space<semaphore_mem>>) src(%arg10 : memref<80x32xf32, #tpu.memory_space<vmem>>) dst(%dma_wait3A_84 : memref<10240x32xf32, #tpu.memory_space<vmem_shared>>)
    %dma_wait3A_85 = arith.constant 160 : i32
    %dma_wait3A_86 = arith.constant 0 : i32
    %dma_wait3A_87 = tpu.memref_slice %arg6[%dma_wait3A_85, %dma_wait3A_86] : memref<400x32xf32, #tpu.memory_space<vmem>> -> memref<80x32xf32, #tpu.memory_space<vmem>>
    %dma_wait3A_88 = arith.constant 5760 : i32
    %dma_wait3A_89 = tpu.memref_slice %arg8[%dma_wait3A_88] : memref<6000xi32, #tpu.memory_space<vmem>> -> memref<80xi32, #tpu.memory_space<vmem>>
    %dma_wait3A_90 = arith.constant 0 : i32
    %dma_wait3A_91 = arith.constant 0 : i32
    %dma_wait3A_92 = tpu.memref_slice %arg11[%dma_wait3A_90, %dma_wait3A_91] : memref<10240x32xf32, #tpu.memory_space<vmem_shared>> -> memref<10240x32xf32, #tpu.memory_space<vmem_shared>>
    tpu.wait_indirect_dma semaphore(%arg14 : memref<!tpu.dma_semaphore, #tpu.memory_space<semaphore_mem>>) src(%dma_wait3A_87 : memref<80x32xf32, #tpu.memory_space<vmem>>) dst(%dma_wait3A_92 : memref<10240x32xf32, #tpu.memory_space<vmem_shared>>)
    %dma_wait3A_93 = arith.constant 5760 : i32
    %dma_wait3A_94 = tpu.memref_slice %arg8[%dma_wait3A_93] : memref<6000xi32, #tpu.memory_space<vmem>> -> memref<80xi32, #tpu.memory_space<vmem>>
    %dma_wait3A_95 = arith.constant 0 : i32
    %dma_wait3A_96 = arith.constant 0 : i32
    %dma_wait3A_97 = tpu.memref_slice %arg12[%dma_wait3A_95, %dma_wait3A_96] : memref<10240x32xf32, #tpu.memory_space<vmem_shared>> -> memref<10240x32xf32, #tpu.memory_space<vmem_shared>>
    tpu.wait_indirect_dma semaphore(%arg14 : memref<!tpu.dma_semaphore, #tpu.memory_space<semaphore_mem>>) src(%arg10 : memref<80x32xf32, #tpu.memory_space<vmem>>) dst(%dma_wait3A_97 : memref<10240x32xf32, #tpu.memory_space<vmem_shared>>)
    %dma_wait3A_98 = arith.constant 240 : i32
    %dma_wait3A_99 = arith.constant 0 : i32
    %dma_wait3A_100 = tpu.memref_slice %arg6[%dma_wait3A_98, %dma_wait3A_99] : memref<400x32xf32, #tpu.memory_space<vmem>> -> memref<80x32xf32, #tpu.memory_space<vmem>>
    %dma_wait3A_101 = arith.constant 5840 : i32
    %dma_wait3A_102 = tpu.memref_slice %arg8[%dma_wait3A_101] : memref<6000xi32, #tpu.memory_space<vmem>> -> memref<80xi32, #tpu.memory_space<vmem>>
    %dma_wait3A_103 = arith.constant 0 : i32
    %dma_wait3A_104 = arith.constant 0 : i32
    %dma_wait3A_105 = tpu.memref_slice %arg11[%dma_wait3A_103, %dma_wait3A_104] : memref<10240x32xf32, #tpu.memory_space<vmem_shared>> -> memref<10240x32xf32, #tpu.memory_space<vmem_shared>>
    tpu.wait_indirect_dma semaphore(%arg14 : memref<!tpu.dma_semaphore, #tpu.memory_space<semaphore_mem>>) src(%dma_wait3A_100 : memref<80x32xf32, #tpu.memory_space<vmem>>) dst(%dma_wait3A_105 : memref<10240x32xf32, #tpu.memory_space<vmem_shared>>)
    %dma_wait3A_106 = arith.constant 5840 : i32
    %dma_wait3A_107 = tpu.memref_slice %arg8[%dma_wait3A_106] : memref<6000xi32, #tpu.memory_space<vmem>> -> memref<80xi32, #tpu.memory_space<vmem>>
    %dma_wait3A_108 = arith.constant 0 : i32
    %dma_wait3A_109 = arith.constant 0 : i32
    %dma_wait3A_110 = tpu.memref_slice %arg12[%dma_wait3A_108, %dma_wait3A_109] : memref<10240x32xf32, #tpu.memory_space<vmem_shared>> -> memref<10240x32xf32, #tpu.memory_space<vmem_shared>>
    tpu.wait_indirect_dma semaphore(%arg14 : memref<!tpu.dma_semaphore, #tpu.memory_space<semaphore_mem>>) src(%arg10 : memref<80x32xf32, #tpu.memory_space<vmem>>) dst(%dma_wait3A_110 : memref<10240x32xf32, #tpu.memory_space<vmem_shared>>)
    %dma_wait3A_111 = arith.constant 320 : i32
    %dma_wait3A_112 = arith.constant 0 : i32
    %dma_wait3A_113 = tpu.memref_slice %arg6[%dma_wait3A_111, %dma_wait3A_112] : memref<400x32xf32, #tpu.memory_space<vmem>> -> memref<80x32xf32, #tpu.memory_space<vmem>>
    %dma_wait3A_114 = arith.constant 5920 : i32
    %dma_wait3A_115 = tpu.memref_slice %arg8[%dma_wait3A_114] : memref<6000xi32, #tpu.memory_space<vmem>> -> memref<80xi32, #tpu.memory_space<vmem>>
    %dma_wait3A_116 = arith.constant 0 : i32
    %dma_wait3A_117 = arith.constant 0 : i32
    %dma_wait3A_118 = tpu.memref_slice %arg11[%dma_wait3A_116, %dma_wait3A_117] : memref<10240x32xf32, #tpu.memory_space<vmem_shared>> -> memref<10240x32xf32, #tpu.memory_space<vmem_shared>>
    tpu.wait_indirect_dma semaphore(%arg14 : memref<!tpu.dma_semaphore, #tpu.memory_space<semaphore_mem>>) src(%dma_wait3A_113 : memref<80x32xf32, #tpu.memory_space<vmem>>) dst(%dma_wait3A_118 : memref<10240x32xf32, #tpu.memory_space<vmem_shared>>)
    %dma_wait3A_119 = arith.constant 5920 : i32
    %dma_wait3A_120 = tpu.memref_slice %arg8[%dma_wait3A_119] : memref<6000xi32, #tpu.memory_space<vmem>> -> memref<80xi32, #tpu.memory_space<vmem>>
    %dma_wait3A_121 = arith.constant 0 : i32
    %dma_wait3A_122 = arith.constant 0 : i32
    %dma_wait3A_123 = tpu.memref_slice %arg12[%dma_wait3A_121, %dma_wait3A_122] : memref<10240x32xf32, #tpu.memory_space<vmem_shared>> -> memref<10240x32xf32, #tpu.memory_space<vmem_shared>>
    tpu.wait_indirect_dma semaphore(%arg14 : memref<!tpu.dma_semaphore, #tpu.memory_space<semaphore_mem>>) src(%arg10 : memref<80x32xf32, #tpu.memory_space<vmem>>) dst(%dma_wait3A_123 : memref<10240x32xf32, #tpu.memory_space<vmem_shared>>)
    %barrier3A_124 = arith.constant 0 : index
    tpu.barrier barrier_id(%barrier3A_124)
    %mul3A_125 = arith.constant 640 : i32
    %mul3A_126 = arith.muli %arg1, %mul3A_125 : i32
    %mul3A_127 = arith.constant 640 : i32
    %mul3A_128 = arith.muli %arg1, %mul3A_127 : i32
    "tpu.region"() ({
      %run_scoped3A = tpu.sem_alloc : memref<!tpu.dma_semaphore, #tpu.memory_space<semaphore_mem>>
      %dma_start3A_133 = arith.constant 0 : i32
      %dma_start3A_134 = tpu.memref_slice %arg4[%arg0, %mul3A_128, %dma_start3A_133] : memref<2x10240x32xf32, #tpu.memory_space<hbm>> -> memref<1x640x32xf32, #tpu.memory_space<hbm>>
      %dma_start3A_135 = tpu.memref_squeeze %dma_start3A_134 : memref<1x640x32xf32, #tpu.memory_space<hbm>> -> memref<640x32xf32, #tpu.memory_space<hbm>>
      %dma_start3A_136 = arith.constant 0 : i32
      %dma_start3A_137 = tpu.memref_slice %arg11[%mul3A_126, %dma_start3A_136] : memref<10240x32xf32, #tpu.memory_space<vmem_shared>> -> memref<640x32xf32, #tpu.memory_space<vmem_shared>>
      tpu.enqueue_dma source(%dma_start3A_137 : memref<640x32xf32, #tpu.memory_space<vmem_shared>>) target(%dma_start3A_135 : memref<640x32xf32, #tpu.memory_space<hbm>>) target_semaphore(%run_scoped3A : memref<!tpu.dma_semaphore, #tpu.memory_space<semaphore_mem>>)
      %dma_wait3A_138 = arith.constant 0 : i32
      %dma_wait3A_139 = tpu.memref_slice %arg4[%arg0, %mul3A_128, %dma_wait3A_138] : memref<2x10240x32xf32, #tpu.memory_space<hbm>> -> memref<1x640x32xf32, #tpu.memory_space<hbm>>
      %dma_wait3A_140 = tpu.memref_squeeze %dma_wait3A_139 : memref<1x640x32xf32, #tpu.memory_space<hbm>> -> memref<640x32xf32, #tpu.memory_space<hbm>>
      %dma_wait3A_141 = arith.constant 0 : i32
      %dma_wait3A_142 = tpu.memref_slice %arg11[%mul3A_126, %dma_wait3A_141] : memref<10240x32xf32, #tpu.memory_space<vmem_shared>> -> memref<640x32xf32, #tpu.memory_space<vmem_shared>>
      tpu.wait_dma2 semaphore(%run_scoped3A : memref<!tpu.dma_semaphore, #tpu.memory_space<semaphore_mem>>) src(%dma_wait3A_142 : memref<640x32xf32, #tpu.memory_space<vmem_shared>>) dst(%dma_wait3A_140 : memref<640x32xf32, #tpu.memory_space<hbm>>)
      tpu.yield
    }) : () -> ()
    %mul3A_129 = arith.constant 640 : i32
    %mul3A_130 = arith.muli %arg1, %mul3A_129 : i32
    %mul3A_131 = arith.constant 640 : i32
    %mul3A_132 = arith.muli %arg1, %mul3A_131 : i32
    "tpu.region"() ({
      %run_scoped3A = tpu.sem_alloc : memref<!tpu.dma_semaphore, #tpu.memory_space<semaphore_mem>>
      %dma_start3A_133 = arith.constant 0 : i32
      %dma_start3A_134 = tpu.memref_slice %arg5[%arg0, %mul3A_132, %dma_start3A_133] : memref<2x10240x32xf32, #tpu.memory_space<hbm>> -> memref<1x640x32xf32, #tpu.memory_space<hbm>>
      %dma_start3A_135 = tpu.memref_squeeze %dma_start3A_134 : memref<1x640x32xf32, #tpu.memory_space<hbm>> -> memref<640x32xf32, #tpu.memory_space<hbm>>
      %dma_start3A_136 = arith.constant 0 : i32
      %dma_start3A_137 = tpu.memref_slice %arg12[%mul3A_130, %dma_start3A_136] : memref<10240x32xf32, #tpu.memory_space<vmem_shared>> -> memref<640x32xf32, #tpu.memory_space<vmem_shared>>
      tpu.enqueue_dma source(%dma_start3A_137 : memref<640x32xf32, #tpu.memory_space<vmem_shared>>) target(%dma_start3A_135 : memref<640x32xf32, #tpu.memory_space<hbm>>) target_semaphore(%run_scoped3A : memref<!tpu.dma_semaphore, #tpu.memory_space<semaphore_mem>>)
      %dma_wait3A_138 = arith.constant 0 : i32
      %dma_wait3A_139 = tpu.memref_slice %arg5[%arg0, %mul3A_132, %dma_wait3A_138] : memref<2x10240x32xf32, #tpu.memory_space<hbm>> -> memref<1x640x32xf32, #tpu.memory_space<hbm>>
      %dma_wait3A_140 = tpu.memref_squeeze %dma_wait3A_139 : memref<1x640x32xf32, #tpu.memory_space<hbm>> -> memref<640x32xf32, #tpu.memory_space<hbm>>
      %dma_wait3A_141 = arith.constant 0 : i32
      %dma_wait3A_142 = tpu.memref_slice %arg12[%mul3A_130, %dma_wait3A_141] : memref<10240x32xf32, #tpu.memory_space<vmem_shared>> -> memref<640x32xf32, #tpu.memory_space<vmem_shared>>
      tpu.wait_dma2 semaphore(%run_scoped3A : memref<!tpu.dma_semaphore, #tpu.memory_space<semaphore_mem>>) src(%dma_wait3A_142 : memref<640x32xf32, #tpu.memory_space<vmem_shared>>) dst(%dma_wait3A_140 : memref<640x32xf32, #tpu.memory_space<hbm>>)
      tpu.yield
    }) : () -> ()
    return
  }
}

module attributes {stable_mosaic.version = 14 : i64} {
  func.func @_message_body(%arg0: i32, %arg1: memref<320000xi32, #tpu.memory_space<vmem>>, %arg2: memref<3200x128xf32, #tpu.memory_space<vmem>>, %arg3: memref<3200x128xf32, #tpu.memory_space<vmem>>, %arg4: memref<3200x128xf32, #tpu.memory_space<vmem>>, %arg5: memref<3200x128xf32, #tpu.memory_space<vmem>>, %arg6: memref<8x128xbf16, #tpu.memory_space<vmem>>, %arg7: memref<128x128xbf16, #tpu.memory_space<vmem>>, %arg8: memref<128x32xbf16, #tpu.memory_space<vmem>>, %arg9: memref<3200x128xf32, #tpu.memory_space<vmem>>) attributes {dimension_semantics = [#tpu.dimension_semantics<arbitrary>], iteration_bounds = array<i64: 10>, scalar_prefetch = 0 : i64, scratch_operands = 0 : i64, tpu.core_type = #tpu.core_type<tc>, window_params = [{pipeline_mode = #tpu.pipeline_mode<synchronous>, transform_indices = @transform_0, window_bounds = array<i64: 320000>}, {transform_indices = @transform_1, window_bounds = array<i64: 3200, 128>}, {transform_indices = @transform_2, window_bounds = array<i64: 3200, 128>}, {transform_indices = @transform_3, window_bounds = array<i64: 3200, 128>}, {transform_indices = @transform_4, window_bounds = array<i64: 3200, 128>}, {pipeline_mode = #tpu.pipeline_mode<synchronous>, transform_indices = @transform_5, window_bounds = array<i64: 8, 128>}, {pipeline_mode = #tpu.pipeline_mode<synchronous>, transform_indices = @transform_6, window_bounds = array<i64: 128, 128>}, {pipeline_mode = #tpu.pipeline_mode<synchronous>, transform_indices = @transform_7, window_bounds = array<i64: 128, 32>}, {transform_indices = @transform_8, window_bounds = array<i64: 3200, 128>}]} {
    %add3A = arith.constant 60 : i32
    %add3A_0 = arith.addi %add3A, %arg0 : i32
    %mul3A = arith.constant 3200 : i32
    %mul3A_1 = arith.muli %add3A_0, %mul3A : i32
    %get3A = arith.index_cast %mul3A_1 : i32 to index
    %get3A_2 = vector.load %arg1[%get3A] : memref<320000xi32, #tpu.memory_space<vmem>>, vector<3200xi32>
    %broadcast_in_dim3A = vector.shape_cast %get3A_2 : vector<3200xi32> to vector<1x3200xi32>
    %iota3A = tpu.iota {dimensions = array<i32: 0>} : vector<8x3200xi32>
    %eq3A = vector.broadcast %broadcast_in_dim3A : vector<1x3200xi32> to vector<8x3200xi32>
    %eq3A_3 = arith.cmpi eq, %iota3A, %eq3A : vector<8x3200xi32>
    %convert_element_type3A = arith.extui %eq3A_3 : vector<8x3200xi1> to vector<8x3200xi32>
    %convert_element_type3A_4 = arith.sitofp %convert_element_type3A : vector<8x3200xi32> to vector<8x3200xf32>
    %convert_element_type3A_5 = arith.truncf %convert_element_type3A_4 : vector<8x3200xf32> to vector<8x3200xbf16>
    %get3A_6 = arith.constant 0 : index
    %get3A_7 = arith.constant 0 : index
    %get3A_8 = vector.load %arg6[%get3A_6, %get3A_7] : memref<8x128xbf16, #tpu.memory_space<vmem>>, vector<8x128xbf16>
    %dot_general3A = arith.constant dense<0.000000e+00> : vector<3200x128xf32>
    %dot_general3A_9 = tpu.matmul %convert_element_type3A_5, %get3A_8, %dot_general3A {dimension_numbers = #tpu.dot_dimension_numbers<[0], [0], [1], [1], [0, 1, 1, 1], [], []>, transpose_lhs_hint = false} : vector<8x3200xbf16>, vector<8x128xbf16>, vector<3200x128xf32> -> vector<3200x128xf32>
    %get3A_10 = arith.constant 0 : index
    %get3A_11 = arith.constant 0 : index
    %get3A_12 = vector.load %arg2[%get3A_10, %get3A_11] : memref<3200x128xf32, #tpu.memory_space<vmem>>, vector<3200x128xf32>
    %convert_element_type3A_13 = arith.truncf %get3A_12 : vector<3200x128xf32> to vector<3200x128xbf16>
    %get3A_14 = arith.constant 0 : index
    %get3A_15 = arith.constant 0 : index
    %get3A_16 = vector.load %arg7[%get3A_14, %get3A_15] : memref<128x128xbf16, #tpu.memory_space<vmem>>, vector<128x128xbf16>
    %dot_general3A_17 = arith.constant dense<0.000000e+00> : vector<3200x128xf32>
    %dot_general3A_18 = tpu.matmul %convert_element_type3A_13, %get3A_16, %dot_general3A_17 {dimension_numbers = #tpu.dot_dimension_numbers<[1], [0], [0], [1], [0, 0, 1, 1], [], []>, transpose_lhs_hint = false} : vector<3200x128xbf16>, vector<128x128xbf16>, vector<3200x128xf32> -> vector<3200x128xf32>
    %mul3A_19 = arith.mulf %dot_general3A_9, %dot_general3A_18 : vector<3200x128xf32>
    %convert_element_type3A_20 = arith.truncf %mul3A_19 : vector<3200x128xf32> to vector<3200x128xbf16>
    %get3A_21 = arith.constant 0 : index
    %get3A_22 = arith.constant 0 : index
    %get3A_23 = vector.load %arg8[%get3A_21, %get3A_22] : memref<128x32xbf16, #tpu.memory_space<vmem>>, vector<128x32xbf16>
    %dot_general3A_24 = arith.constant dense<0.000000e+00> : vector<3200x32xf32>
    %dot_general3A_25 = tpu.matmul %convert_element_type3A_20, %get3A_23, %dot_general3A_24 {dimension_numbers = #tpu.dot_dimension_numbers<[1], [0], [0], [1], [0, 0, 1, 1], [], []>, transpose_lhs_hint = false} : vector<3200x128xbf16>, vector<128x32xbf16>, vector<3200x32xf32> -> vector<3200x32xf32>
    %add3A_26 = arith.constant 70 : i32
    %add3A_27 = arith.addi %add3A_26, %arg0 : i32
    %mul3A_28 = arith.constant 3200 : i32
    %mul3A_29 = arith.muli %add3A_27, %mul3A_28 : i32
    %get3A_30 = arith.index_cast %mul3A_29 : i32 to index
    %get3A_31 = vector.load %arg1[%get3A_30] : memref<320000xi32, #tpu.memory_space<vmem>>, vector<3200xi32>
    %broadcast_in_dim3A_32 = vector.shape_cast %get3A_31 : vector<3200xi32> to vector<1x3200xi32>
    %iota3A_33 = tpu.iota {dimensions = array<i32: 0>} : vector<8x3200xi32>
    %eq3A_34 = vector.broadcast %broadcast_in_dim3A_32 : vector<1x3200xi32> to vector<8x3200xi32>
    %eq3A_35 = arith.cmpi eq, %iota3A_33, %eq3A_34 : vector<8x3200xi32>
    %convert_element_type3A_36 = arith.extui %eq3A_35 : vector<8x3200xi1> to vector<8x3200xi32>
    %convert_element_type3A_37 = arith.sitofp %convert_element_type3A_36 : vector<8x3200xi32> to vector<8x3200xf32>
    %convert_element_type3A_38 = arith.truncf %convert_element_type3A_37 : vector<8x3200xf32> to vector<8x3200xbf16>
    %get3A_39 = arith.constant 0 : index
    %get3A_40 = arith.constant 0 : index
    %get3A_41 = vector.load %arg6[%get3A_39, %get3A_40] : memref<8x128xbf16, #tpu.memory_space<vmem>>, vector<8x128xbf16>
    %dot_general3A_42 = arith.constant dense<0.000000e+00> : vector<3200x128xf32>
    %dot_general3A_43 = tpu.matmul %convert_element_type3A_38, %get3A_41, %dot_general3A_42 {dimension_numbers = #tpu.dot_dimension_numbers<[0], [0], [1], [1], [0, 1, 1, 1], [], []>, transpose_lhs_hint = false} : vector<8x3200xbf16>, vector<8x128xbf16>, vector<3200x128xf32> -> vector<3200x128xf32>
    %get3A_44 = arith.constant 0 : index
    %get3A_45 = arith.constant 0 : index
    %get3A_46 = vector.load %arg3[%get3A_44, %get3A_45] : memref<3200x128xf32, #tpu.memory_space<vmem>>, vector<3200x128xf32>
    %convert_element_type3A_47 = arith.truncf %get3A_46 : vector<3200x128xf32> to vector<3200x128xbf16>
    %get3A_48 = arith.constant 0 : index
    %get3A_49 = arith.constant 0 : index
    %get3A_50 = vector.load %arg7[%get3A_48, %get3A_49] : memref<128x128xbf16, #tpu.memory_space<vmem>>, vector<128x128xbf16>
    %dot_general3A_51 = arith.constant dense<0.000000e+00> : vector<3200x128xf32>
    %dot_general3A_52 = tpu.matmul %convert_element_type3A_47, %get3A_50, %dot_general3A_51 {dimension_numbers = #tpu.dot_dimension_numbers<[1], [0], [0], [1], [0, 0, 1, 1], [], []>, transpose_lhs_hint = false} : vector<3200x128xbf16>, vector<128x128xbf16>, vector<3200x128xf32> -> vector<3200x128xf32>
    %mul3A_53 = arith.mulf %dot_general3A_43, %dot_general3A_52 : vector<3200x128xf32>
    %convert_element_type3A_54 = arith.truncf %mul3A_53 : vector<3200x128xf32> to vector<3200x128xbf16>
    %get3A_55 = arith.constant 0 : index
    %get3A_56 = arith.constant 0 : index
    %get3A_57 = vector.load %arg8[%get3A_55, %get3A_56] : memref<128x32xbf16, #tpu.memory_space<vmem>>, vector<128x32xbf16>
    %dot_general3A_58 = arith.constant dense<0.000000e+00> : vector<3200x32xf32>
    %dot_general3A_59 = tpu.matmul %convert_element_type3A_54, %get3A_57, %dot_general3A_58 {dimension_numbers = #tpu.dot_dimension_numbers<[1], [0], [0], [1], [0, 0, 1, 1], [], []>, transpose_lhs_hint = false} : vector<3200x128xbf16>, vector<128x32xbf16>, vector<3200x32xf32> -> vector<3200x32xf32>
    %add3A_60 = arith.constant 80 : i32
    %add3A_61 = arith.addi %add3A_60, %arg0 : i32
    %mul3A_62 = arith.constant 3200 : i32
    %mul3A_63 = arith.muli %add3A_61, %mul3A_62 : i32
    %get3A_64 = arith.index_cast %mul3A_63 : i32 to index
    %get3A_65 = vector.load %arg1[%get3A_64] : memref<320000xi32, #tpu.memory_space<vmem>>, vector<3200xi32>
    %broadcast_in_dim3A_66 = vector.shape_cast %get3A_65 : vector<3200xi32> to vector<1x3200xi32>
    %iota3A_67 = tpu.iota {dimensions = array<i32: 0>} : vector<8x3200xi32>
    %eq3A_68 = vector.broadcast %broadcast_in_dim3A_66 : vector<1x3200xi32> to vector<8x3200xi32>
    %eq3A_69 = arith.cmpi eq, %iota3A_67, %eq3A_68 : vector<8x3200xi32>
    %convert_element_type3A_70 = arith.extui %eq3A_69 : vector<8x3200xi1> to vector<8x3200xi32>
    %convert_element_type3A_71 = arith.sitofp %convert_element_type3A_70 : vector<8x3200xi32> to vector<8x3200xf32>
    %convert_element_type3A_72 = arith.truncf %convert_element_type3A_71 : vector<8x3200xf32> to vector<8x3200xbf16>
    %get3A_73 = arith.constant 0 : index
    %get3A_74 = arith.constant 0 : index
    %get3A_75 = vector.load %arg6[%get3A_73, %get3A_74] : memref<8x128xbf16, #tpu.memory_space<vmem>>, vector<8x128xbf16>
    %dot_general3A_76 = arith.constant dense<0.000000e+00> : vector<3200x128xf32>
    %dot_general3A_77 = tpu.matmul %convert_element_type3A_72, %get3A_75, %dot_general3A_76 {dimension_numbers = #tpu.dot_dimension_numbers<[0], [0], [1], [1], [0, 1, 1, 1], [], []>, transpose_lhs_hint = false} : vector<8x3200xbf16>, vector<8x128xbf16>, vector<3200x128xf32> -> vector<3200x128xf32>
    %get3A_78 = arith.constant 0 : index
    %get3A_79 = arith.constant 0 : index
    %get3A_80 = vector.load %arg4[%get3A_78, %get3A_79] : memref<3200x128xf32, #tpu.memory_space<vmem>>, vector<3200x128xf32>
    %convert_element_type3A_81 = arith.truncf %get3A_80 : vector<3200x128xf32> to vector<3200x128xbf16>
    %get3A_82 = arith.constant 0 : index
    %get3A_83 = arith.constant 0 : index
    %get3A_84 = vector.load %arg7[%get3A_82, %get3A_83] : memref<128x128xbf16, #tpu.memory_space<vmem>>, vector<128x128xbf16>
    %dot_general3A_85 = arith.constant dense<0.000000e+00> : vector<3200x128xf32>
    %dot_general3A_86 = tpu.matmul %convert_element_type3A_81, %get3A_84, %dot_general3A_85 {dimension_numbers = #tpu.dot_dimension_numbers<[1], [0], [0], [1], [0, 0, 1, 1], [], []>, transpose_lhs_hint = false} : vector<3200x128xbf16>, vector<128x128xbf16>, vector<3200x128xf32> -> vector<3200x128xf32>
    %mul3A_87 = arith.mulf %dot_general3A_77, %dot_general3A_86 : vector<3200x128xf32>
    %convert_element_type3A_88 = arith.truncf %mul3A_87 : vector<3200x128xf32> to vector<3200x128xbf16>
    %get3A_89 = arith.constant 0 : index
    %get3A_90 = arith.constant 0 : index
    %get3A_91 = vector.load %arg8[%get3A_89, %get3A_90] : memref<128x32xbf16, #tpu.memory_space<vmem>>, vector<128x32xbf16>
    %dot_general3A_92 = arith.constant dense<0.000000e+00> : vector<3200x32xf32>
    %dot_general3A_93 = tpu.matmul %convert_element_type3A_88, %get3A_91, %dot_general3A_92 {dimension_numbers = #tpu.dot_dimension_numbers<[1], [0], [0], [1], [0, 0, 1, 1], [], []>, transpose_lhs_hint = false} : vector<3200x128xbf16>, vector<128x32xbf16>, vector<3200x32xf32> -> vector<3200x32xf32>
    %add3A_94 = arith.constant 90 : i32
    %add3A_95 = arith.addi %add3A_94, %arg0 : i32
    %mul3A_96 = arith.constant 3200 : i32
    %mul3A_97 = arith.muli %add3A_95, %mul3A_96 : i32
    %get3A_98 = arith.index_cast %mul3A_97 : i32 to index
    %get3A_99 = vector.load %arg1[%get3A_98] : memref<320000xi32, #tpu.memory_space<vmem>>, vector<3200xi32>
    %broadcast_in_dim3A_100 = vector.shape_cast %get3A_99 : vector<3200xi32> to vector<1x3200xi32>
    %iota3A_101 = tpu.iota {dimensions = array<i32: 0>} : vector<8x3200xi32>
    %eq3A_102 = vector.broadcast %broadcast_in_dim3A_100 : vector<1x3200xi32> to vector<8x3200xi32>
    %eq3A_103 = arith.cmpi eq, %iota3A_101, %eq3A_102 : vector<8x3200xi32>
    %convert_element_type3A_104 = arith.extui %eq3A_103 : vector<8x3200xi1> to vector<8x3200xi32>
    %convert_element_type3A_105 = arith.sitofp %convert_element_type3A_104 : vector<8x3200xi32> to vector<8x3200xf32>
    %convert_element_type3A_106 = arith.truncf %convert_element_type3A_105 : vector<8x3200xf32> to vector<8x3200xbf16>
    %get3A_107 = arith.constant 0 : index
    %get3A_108 = arith.constant 0 : index
    %get3A_109 = vector.load %arg6[%get3A_107, %get3A_108] : memref<8x128xbf16, #tpu.memory_space<vmem>>, vector<8x128xbf16>
    %dot_general3A_110 = arith.constant dense<0.000000e+00> : vector<3200x128xf32>
    %dot_general3A_111 = tpu.matmul %convert_element_type3A_106, %get3A_109, %dot_general3A_110 {dimension_numbers = #tpu.dot_dimension_numbers<[0], [0], [1], [1], [0, 1, 1, 1], [], []>, transpose_lhs_hint = false} : vector<8x3200xbf16>, vector<8x128xbf16>, vector<3200x128xf32> -> vector<3200x128xf32>
    %get3A_112 = arith.constant 0 : index
    %get3A_113 = arith.constant 0 : index
    %get3A_114 = vector.load %arg5[%get3A_112, %get3A_113] : memref<3200x128xf32, #tpu.memory_space<vmem>>, vector<3200x128xf32>
    %convert_element_type3A_115 = arith.truncf %get3A_114 : vector<3200x128xf32> to vector<3200x128xbf16>
    %get3A_116 = arith.constant 0 : index
    %get3A_117 = arith.constant 0 : index
    %get3A_118 = vector.load %arg7[%get3A_116, %get3A_117] : memref<128x128xbf16, #tpu.memory_space<vmem>>, vector<128x128xbf16>
    %dot_general3A_119 = arith.constant dense<0.000000e+00> : vector<3200x128xf32>
    %dot_general3A_120 = tpu.matmul %convert_element_type3A_115, %get3A_118, %dot_general3A_119 {dimension_numbers = #tpu.dot_dimension_numbers<[1], [0], [0], [1], [0, 0, 1, 1], [], []>, transpose_lhs_hint = false} : vector<3200x128xbf16>, vector<128x128xbf16>, vector<3200x128xf32> -> vector<3200x128xf32>
    %mul3A_121 = arith.mulf %dot_general3A_111, %dot_general3A_120 : vector<3200x128xf32>
    %convert_element_type3A_122 = arith.truncf %mul3A_121 : vector<3200x128xf32> to vector<3200x128xbf16>
    %get3A_123 = arith.constant 0 : index
    %get3A_124 = arith.constant 0 : index
    %get3A_125 = vector.load %arg8[%get3A_123, %get3A_124] : memref<128x32xbf16, #tpu.memory_space<vmem>>, vector<128x32xbf16>
    %dot_general3A_126 = arith.constant dense<0.000000e+00> : vector<3200x32xf32>
    %dot_general3A_127 = tpu.matmul %convert_element_type3A_122, %get3A_125, %dot_general3A_126 {dimension_numbers = #tpu.dot_dimension_numbers<[1], [0], [0], [1], [0, 0, 1, 1], [], []>, transpose_lhs_hint = false} : vector<3200x128xbf16>, vector<128x32xbf16>, vector<3200x32xf32> -> vector<3200x32xf32>
    %concatenate3A = tpu.concatenate %dot_general3A_25, %dot_general3A_59, %dot_general3A_93, %dot_general3A_127 in 1 : vector<3200x32xf32>, vector<3200x32xf32>, vector<3200x32xf32>, vector<3200x32xf32> -> vector<3200x128xf32>
    %swap3A = arith.constant 0 : index
    %swap3A_128 = arith.constant 0 : index
    %swap3A_129 = vector.load %arg9[%swap3A, %swap3A_128] : memref<3200x128xf32, #tpu.memory_space<vmem>>, vector<3200x128xf32>
    tpu.vector_store %arg9[%swap3A, %swap3A_128], %concatenate3A {strides = array<i32>} : memref<3200x128xf32, #tpu.memory_space<vmem>>, vector<3200x128xf32>,
    return
  }
  func.func @transform_0(%arg0: i32) -> i32 {
    %c0_i32 = arith.constant 0 : i32
    %c0_i32_0 = arith.constant 0 : i32
    return %c0_i32 : i32
  }
  func.func @transform_1(%arg0: i32) -> (i32, i32) {
    %add3A = arith.constant 60 : i32
    %add3A_0 = arith.addi %add3A, %arg0 : i32
    %c0_i32 = arith.constant 0 : i32
    %c0_i32_1 = arith.constant 0 : i32
    return %add3A_0, %c0_i32 : i32, i32
  }
  func.func @transform_2(%arg0: i32) -> (i32, i32) {
    %add3A = arith.constant 70 : i32
    %add3A_0 = arith.addi %add3A, %arg0 : i32
    %c0_i32 = arith.constant 0 : i32
    %c0_i32_1 = arith.constant 0 : i32
    return %add3A_0, %c0_i32 : i32, i32
  }
  func.func @transform_3(%arg0: i32) -> (i32, i32) {
    %add3A = arith.constant 80 : i32
    %add3A_0 = arith.addi %add3A, %arg0 : i32
    %c0_i32 = arith.constant 0 : i32
    %c0_i32_1 = arith.constant 0 : i32
    return %add3A_0, %c0_i32 : i32, i32
  }
  func.func @transform_4(%arg0: i32) -> (i32, i32) {
    %add3A = arith.constant 90 : i32
    %add3A_0 = arith.addi %add3A, %arg0 : i32
    %c0_i32 = arith.constant 0 : i32
    %c0_i32_1 = arith.constant 0 : i32
    return %add3A_0, %c0_i32 : i32, i32
  }
  func.func @transform_5(%arg0: i32) -> (i32, i32) {
    %c0_i32 = arith.constant 0 : i32
    %c0_i32_0 = arith.constant 0 : i32
    %c0_i32_1 = arith.constant 0 : i32
    return %c0_i32, %c0_i32_0 : i32, i32
  }
  func.func @transform_6(%arg0: i32) -> (i32, i32) {
    %c0_i32 = arith.constant 0 : i32
    %c0_i32_0 = arith.constant 0 : i32
    %c0_i32_1 = arith.constant 0 : i32
    return %c0_i32, %c0_i32_0 : i32, i32
  }
  func.func @transform_7(%arg0: i32) -> (i32, i32) {
    %c0_i32 = arith.constant 0 : i32
    %c0_i32_0 = arith.constant 0 : i32
    %c0_i32_1 = arith.constant 0 : i32
    return %c0_i32, %c0_i32_0 : i32, i32
  }
  func.func @transform_8(%arg0: i32) -> (i32, i32) {
    %c0_i32 = arith.constant 0 : i32
    %c0_i32_0 = arith.constant 0 : i32
    return %arg0, %c0_i32 : i32, i32
  }
}

module attributes {stable_mosaic.version = 14 : i64} {
  func.func @_message_body(%arg0: i32, %arg1: memref<320000xi32, #tpu.memory_space<vmem>>, %arg2: memref<3200x128xf32, #tpu.memory_space<vmem>>, %arg3: memref<3200x128xf32, #tpu.memory_space<vmem>>, %arg4: memref<3200x128xf32, #tpu.memory_space<vmem>>, %arg5: memref<3200x128xf32, #tpu.memory_space<vmem>>, %arg6: memref<8x128xbf16, #tpu.memory_space<vmem>>, %arg7: memref<128x128xbf16, #tpu.memory_space<vmem>>, %arg8: memref<128x32xbf16, #tpu.memory_space<vmem>>, %arg9: memref<3200x128xf32, #tpu.memory_space<vmem>>) attributes {dimension_semantics = [#tpu.dimension_semantics<arbitrary>], iteration_bounds = array<i64: 15>, scalar_prefetch = 0 : i64, scratch_operands = 0 : i64, tpu.core_type = #tpu.core_type<tc>, window_params = [{pipeline_mode = #tpu.pipeline_mode<synchronous>, transform_indices = @transform_0, window_bounds = array<i64: 320000>}, {transform_indices = @transform_1, window_bounds = array<i64: 3200, 128>}, {transform_indices = @transform_2, window_bounds = array<i64: 3200, 128>}, {transform_indices = @transform_3, window_bounds = array<i64: 3200, 128>}, {transform_indices = @transform_4, window_bounds = array<i64: 3200, 128>}, {pipeline_mode = #tpu.pipeline_mode<synchronous>, transform_indices = @transform_5, window_bounds = array<i64: 8, 128>}, {pipeline_mode = #tpu.pipeline_mode<synchronous>, transform_indices = @transform_6, window_bounds = array<i64: 128, 128>}, {pipeline_mode = #tpu.pipeline_mode<synchronous>, transform_indices = @transform_7, window_bounds = array<i64: 128, 32>}, {transform_indices = @transform_8, window_bounds = array<i64: 3200, 128>}]} {
    %add3A = arith.constant 0 : i32
    %add3A_0 = arith.addi %add3A, %arg0 : i32
    %mul3A = arith.constant 3200 : i32
    %mul3A_1 = arith.muli %add3A_0, %mul3A : i32
    %get3A = arith.index_cast %mul3A_1 : i32 to index
    %get3A_2 = vector.load %arg1[%get3A] : memref<320000xi32, #tpu.memory_space<vmem>>, vector<3200xi32>
    %broadcast_in_dim3A = vector.shape_cast %get3A_2 : vector<3200xi32> to vector<1x3200xi32>
    %iota3A = tpu.iota {dimensions = array<i32: 0>} : vector<8x3200xi32>
    %eq3A = vector.broadcast %broadcast_in_dim3A : vector<1x3200xi32> to vector<8x3200xi32>
    %eq3A_3 = arith.cmpi eq, %iota3A, %eq3A : vector<8x3200xi32>
    %convert_element_type3A = arith.extui %eq3A_3 : vector<8x3200xi1> to vector<8x3200xi32>
    %convert_element_type3A_4 = arith.sitofp %convert_element_type3A : vector<8x3200xi32> to vector<8x3200xf32>
    %convert_element_type3A_5 = arith.truncf %convert_element_type3A_4 : vector<8x3200xf32> to vector<8x3200xbf16>
    %get3A_6 = arith.constant 0 : index
    %get3A_7 = arith.constant 0 : index
    %get3A_8 = vector.load %arg6[%get3A_6, %get3A_7] : memref<8x128xbf16, #tpu.memory_space<vmem>>, vector<8x128xbf16>
    %dot_general3A = arith.constant dense<0.000000e+00> : vector<3200x128xf32>
    %dot_general3A_9 = tpu.matmul %convert_element_type3A_5, %get3A_8, %dot_general3A {dimension_numbers = #tpu.dot_dimension_numbers<[0], [0], [1], [1], [0, 1, 1, 1], [], []>, transpose_lhs_hint = false} : vector<8x3200xbf16>, vector<8x128xbf16>, vector<3200x128xf32> -> vector<3200x128xf32>
    %get3A_10 = arith.constant 0 : index
    %get3A_11 = arith.constant 0 : index
    %get3A_12 = vector.load %arg2[%get3A_10, %get3A_11] : memref<3200x128xf32, #tpu.memory_space<vmem>>, vector<3200x128xf32>
    %convert_element_type3A_13 = arith.truncf %get3A_12 : vector<3200x128xf32> to vector<3200x128xbf16>
    %get3A_14 = arith.constant 0 : index
    %get3A_15 = arith.constant 0 : index
    %get3A_16 = vector.load %arg7[%get3A_14, %get3A_15] : memref<128x128xbf16, #tpu.memory_space<vmem>>, vector<128x128xbf16>
    %dot_general3A_17 = arith.constant dense<0.000000e+00> : vector<3200x128xf32>
    %dot_general3A_18 = tpu.matmul %convert_element_type3A_13, %get3A_16, %dot_general3A_17 {dimension_numbers = #tpu.dot_dimension_numbers<[1], [0], [0], [1], [0, 0, 1, 1], [], []>, transpose_lhs_hint = false} : vector<3200x128xbf16>, vector<128x128xbf16>, vector<3200x128xf32> -> vector<3200x128xf32>
    %mul3A_19 = arith.mulf %dot_general3A_9, %dot_general3A_18 : vector<3200x128xf32>
    %convert_element_type3A_20 = arith.truncf %mul3A_19 : vector<3200x128xf32> to vector<3200x128xbf16>
    %get3A_21 = arith.constant 0 : index
    %get3A_22 = arith.constant 0 : index
    %get3A_23 = vector.load %arg8[%get3A_21, %get3A_22] : memref<128x32xbf16, #tpu.memory_space<vmem>>, vector<128x32xbf16>
    %dot_general3A_24 = arith.constant dense<0.000000e+00> : vector<3200x32xf32>
    %dot_general3A_25 = tpu.matmul %convert_element_type3A_20, %get3A_23, %dot_general3A_24 {dimension_numbers = #tpu.dot_dimension_numbers<[1], [0], [0], [1], [0, 0, 1, 1], [], []>, transpose_lhs_hint = false} : vector<3200x128xbf16>, vector<128x32xbf16>, vector<3200x32xf32> -> vector<3200x32xf32>
    %add3A_26 = arith.constant 15 : i32
    %add3A_27 = arith.addi %add3A_26, %arg0 : i32
    %mul3A_28 = arith.constant 3200 : i32
    %mul3A_29 = arith.muli %add3A_27, %mul3A_28 : i32
    %get3A_30 = arith.index_cast %mul3A_29 : i32 to index
    %get3A_31 = vector.load %arg1[%get3A_30] : memref<320000xi32, #tpu.memory_space<vmem>>, vector<3200xi32>
    %broadcast_in_dim3A_32 = vector.shape_cast %get3A_31 : vector<3200xi32> to vector<1x3200xi32>
    %iota3A_33 = tpu.iota {dimensions = array<i32: 0>} : vector<8x3200xi32>
    %eq3A_34 = vector.broadcast %broadcast_in_dim3A_32 : vector<1x3200xi32> to vector<8x3200xi32>
    %eq3A_35 = arith.cmpi eq, %iota3A_33, %eq3A_34 : vector<8x3200xi32>
    %convert_element_type3A_36 = arith.extui %eq3A_35 : vector<8x3200xi1> to vector<8x3200xi32>
    %convert_element_type3A_37 = arith.sitofp %convert_element_type3A_36 : vector<8x3200xi32> to vector<8x3200xf32>
    %convert_element_type3A_38 = arith.truncf %convert_element_type3A_37 : vector<8x3200xf32> to vector<8x3200xbf16>
    %get3A_39 = arith.constant 0 : index
    %get3A_40 = arith.constant 0 : index
    %get3A_41 = vector.load %arg6[%get3A_39, %get3A_40] : memref<8x128xbf16, #tpu.memory_space<vmem>>, vector<8x128xbf16>
    %dot_general3A_42 = arith.constant dense<0.000000e+00> : vector<3200x128xf32>
    %dot_general3A_43 = tpu.matmul %convert_element_type3A_38, %get3A_41, %dot_general3A_42 {dimension_numbers = #tpu.dot_dimension_numbers<[0], [0], [1], [1], [0, 1, 1, 1], [], []>, transpose_lhs_hint = false} : vector<8x3200xbf16>, vector<8x128xbf16>, vector<3200x128xf32> -> vector<3200x128xf32>
    %get3A_44 = arith.constant 0 : index
    %get3A_45 = arith.constant 0 : index
    %get3A_46 = vector.load %arg3[%get3A_44, %get3A_45] : memref<3200x128xf32, #tpu.memory_space<vmem>>, vector<3200x128xf32>
    %convert_element_type3A_47 = arith.truncf %get3A_46 : vector<3200x128xf32> to vector<3200x128xbf16>
    %get3A_48 = arith.constant 0 : index
    %get3A_49 = arith.constant 0 : index
    %get3A_50 = vector.load %arg7[%get3A_48, %get3A_49] : memref<128x128xbf16, #tpu.memory_space<vmem>>, vector<128x128xbf16>
    %dot_general3A_51 = arith.constant dense<0.000000e+00> : vector<3200x128xf32>
    %dot_general3A_52 = tpu.matmul %convert_element_type3A_47, %get3A_50, %dot_general3A_51 {dimension_numbers = #tpu.dot_dimension_numbers<[1], [0], [0], [1], [0, 0, 1, 1], [], []>, transpose_lhs_hint = false} : vector<3200x128xbf16>, vector<128x128xbf16>, vector<3200x128xf32> -> vector<3200x128xf32>
    %mul3A_53 = arith.mulf %dot_general3A_43, %dot_general3A_52 : vector<3200x128xf32>
    %convert_element_type3A_54 = arith.truncf %mul3A_53 : vector<3200x128xf32> to vector<3200x128xbf16>
    %get3A_55 = arith.constant 0 : index
    %get3A_56 = arith.constant 0 : index
    %get3A_57 = vector.load %arg8[%get3A_55, %get3A_56] : memref<128x32xbf16, #tpu.memory_space<vmem>>, vector<128x32xbf16>
    %dot_general3A_58 = arith.constant dense<0.000000e+00> : vector<3200x32xf32>
    %dot_general3A_59 = tpu.matmul %convert_element_type3A_54, %get3A_57, %dot_general3A_58 {dimension_numbers = #tpu.dot_dimension_numbers<[1], [0], [0], [1], [0, 0, 1, 1], [], []>, transpose_lhs_hint = false} : vector<3200x128xbf16>, vector<128x32xbf16>, vector<3200x32xf32> -> vector<3200x32xf32>
    %add3A_60 = arith.constant 30 : i32
    %add3A_61 = arith.addi %add3A_60, %arg0 : i32
    %mul3A_62 = arith.constant 3200 : i32
    %mul3A_63 = arith.muli %add3A_61, %mul3A_62 : i32
    %get3A_64 = arith.index_cast %mul3A_63 : i32 to index
    %get3A_65 = vector.load %arg1[%get3A_64] : memref<320000xi32, #tpu.memory_space<vmem>>, vector<3200xi32>
    %broadcast_in_dim3A_66 = vector.shape_cast %get3A_65 : vector<3200xi32> to vector<1x3200xi32>
    %iota3A_67 = tpu.iota {dimensions = array<i32: 0>} : vector<8x3200xi32>
    %eq3A_68 = vector.broadcast %broadcast_in_dim3A_66 : vector<1x3200xi32> to vector<8x3200xi32>
    %eq3A_69 = arith.cmpi eq, %iota3A_67, %eq3A_68 : vector<8x3200xi32>
    %convert_element_type3A_70 = arith.extui %eq3A_69 : vector<8x3200xi1> to vector<8x3200xi32>
    %convert_element_type3A_71 = arith.sitofp %convert_element_type3A_70 : vector<8x3200xi32> to vector<8x3200xf32>
    %convert_element_type3A_72 = arith.truncf %convert_element_type3A_71 : vector<8x3200xf32> to vector<8x3200xbf16>
    %get3A_73 = arith.constant 0 : index
    %get3A_74 = arith.constant 0 : index
    %get3A_75 = vector.load %arg6[%get3A_73, %get3A_74] : memref<8x128xbf16, #tpu.memory_space<vmem>>, vector<8x128xbf16>
    %dot_general3A_76 = arith.constant dense<0.000000e+00> : vector<3200x128xf32>
    %dot_general3A_77 = tpu.matmul %convert_element_type3A_72, %get3A_75, %dot_general3A_76 {dimension_numbers = #tpu.dot_dimension_numbers<[0], [0], [1], [1], [0, 1, 1, 1], [], []>, transpose_lhs_hint = false} : vector<8x3200xbf16>, vector<8x128xbf16>, vector<3200x128xf32> -> vector<3200x128xf32>
    %get3A_78 = arith.constant 0 : index
    %get3A_79 = arith.constant 0 : index
    %get3A_80 = vector.load %arg4[%get3A_78, %get3A_79] : memref<3200x128xf32, #tpu.memory_space<vmem>>, vector<3200x128xf32>
    %convert_element_type3A_81 = arith.truncf %get3A_80 : vector<3200x128xf32> to vector<3200x128xbf16>
    %get3A_82 = arith.constant 0 : index
    %get3A_83 = arith.constant 0 : index
    %get3A_84 = vector.load %arg7[%get3A_82, %get3A_83] : memref<128x128xbf16, #tpu.memory_space<vmem>>, vector<128x128xbf16>
    %dot_general3A_85 = arith.constant dense<0.000000e+00> : vector<3200x128xf32>
    %dot_general3A_86 = tpu.matmul %convert_element_type3A_81, %get3A_84, %dot_general3A_85 {dimension_numbers = #tpu.dot_dimension_numbers<[1], [0], [0], [1], [0, 0, 1, 1], [], []>, transpose_lhs_hint = false} : vector<3200x128xbf16>, vector<128x128xbf16>, vector<3200x128xf32> -> vector<3200x128xf32>
    %mul3A_87 = arith.mulf %dot_general3A_77, %dot_general3A_86 : vector<3200x128xf32>
    %convert_element_type3A_88 = arith.truncf %mul3A_87 : vector<3200x128xf32> to vector<3200x128xbf16>
    %get3A_89 = arith.constant 0 : index
    %get3A_90 = arith.constant 0 : index
    %get3A_91 = vector.load %arg8[%get3A_89, %get3A_90] : memref<128x32xbf16, #tpu.memory_space<vmem>>, vector<128x32xbf16>
    %dot_general3A_92 = arith.constant dense<0.000000e+00> : vector<3200x32xf32>
    %dot_general3A_93 = tpu.matmul %convert_element_type3A_88, %get3A_91, %dot_general3A_92 {dimension_numbers = #tpu.dot_dimension_numbers<[1], [0], [0], [1], [0, 0, 1, 1], [], []>, transpose_lhs_hint = false} : vector<3200x128xbf16>, vector<128x32xbf16>, vector<3200x32xf32> -> vector<3200x32xf32>
    %add3A_94 = arith.constant 45 : i32
    %add3A_95 = arith.addi %add3A_94, %arg0 : i32
    %mul3A_96 = arith.constant 3200 : i32
    %mul3A_97 = arith.muli %add3A_95, %mul3A_96 : i32
    %get3A_98 = arith.index_cast %mul3A_97 : i32 to index
    %get3A_99 = vector.load %arg1[%get3A_98] : memref<320000xi32, #tpu.memory_space<vmem>>, vector<3200xi32>
    %broadcast_in_dim3A_100 = vector.shape_cast %get3A_99 : vector<3200xi32> to vector<1x3200xi32>
    %iota3A_101 = tpu.iota {dimensions = array<i32: 0>} : vector<8x3200xi32>
    %eq3A_102 = vector.broadcast %broadcast_in_dim3A_100 : vector<1x3200xi32> to vector<8x3200xi32>
    %eq3A_103 = arith.cmpi eq, %iota3A_101, %eq3A_102 : vector<8x3200xi32>
    %convert_element_type3A_104 = arith.extui %eq3A_103 : vector<8x3200xi1> to vector<8x3200xi32>
    %convert_element_type3A_105 = arith.sitofp %convert_element_type3A_104 : vector<8x3200xi32> to vector<8x3200xf32>
    %convert_element_type3A_106 = arith.truncf %convert_element_type3A_105 : vector<8x3200xf32> to vector<8x3200xbf16>
    %get3A_107 = arith.constant 0 : index
    %get3A_108 = arith.constant 0 : index
    %get3A_109 = vector.load %arg6[%get3A_107, %get3A_108] : memref<8x128xbf16, #tpu.memory_space<vmem>>, vector<8x128xbf16>
    %dot_general3A_110 = arith.constant dense<0.000000e+00> : vector<3200x128xf32>
    %dot_general3A_111 = tpu.matmul %convert_element_type3A_106, %get3A_109, %dot_general3A_110 {dimension_numbers = #tpu.dot_dimension_numbers<[0], [0], [1], [1], [0, 1, 1, 1], [], []>, transpose_lhs_hint = false} : vector<8x3200xbf16>, vector<8x128xbf16>, vector<3200x128xf32> -> vector<3200x128xf32>
    %get3A_112 = arith.constant 0 : index
    %get3A_113 = arith.constant 0 : index
    %get3A_114 = vector.load %arg5[%get3A_112, %get3A_113] : memref<3200x128xf32, #tpu.memory_space<vmem>>, vector<3200x128xf32>
    %convert_element_type3A_115 = arith.truncf %get3A_114 : vector<3200x128xf32> to vector<3200x128xbf16>
    %get3A_116 = arith.constant 0 : index
    %get3A_117 = arith.constant 0 : index
    %get3A_118 = vector.load %arg7[%get3A_116, %get3A_117] : memref<128x128xbf16, #tpu.memory_space<vmem>>, vector<128x128xbf16>
    %dot_general3A_119 = arith.constant dense<0.000000e+00> : vector<3200x128xf32>
    %dot_general3A_120 = tpu.matmul %convert_element_type3A_115, %get3A_118, %dot_general3A_119 {dimension_numbers = #tpu.dot_dimension_numbers<[1], [0], [0], [1], [0, 0, 1, 1], [], []>, transpose_lhs_hint = false} : vector<3200x128xbf16>, vector<128x128xbf16>, vector<3200x128xf32> -> vector<3200x128xf32>
    %mul3A_121 = arith.mulf %dot_general3A_111, %dot_general3A_120 : vector<3200x128xf32>
    %convert_element_type3A_122 = arith.truncf %mul3A_121 : vector<3200x128xf32> to vector<3200x128xbf16>
    %get3A_123 = arith.constant 0 : index
    %get3A_124 = arith.constant 0 : index
    %get3A_125 = vector.load %arg8[%get3A_123, %get3A_124] : memref<128x32xbf16, #tpu.memory_space<vmem>>, vector<128x32xbf16>
    %dot_general3A_126 = arith.constant dense<0.000000e+00> : vector<3200x32xf32>
    %dot_general3A_127 = tpu.matmul %convert_element_type3A_122, %get3A_125, %dot_general3A_126 {dimension_numbers = #tpu.dot_dimension_numbers<[1], [0], [0], [1], [0, 0, 1, 1], [], []>, transpose_lhs_hint = false} : vector<3200x128xbf16>, vector<128x32xbf16>, vector<3200x32xf32> -> vector<3200x32xf32>
    %concatenate3A = tpu.concatenate %dot_general3A_25, %dot_general3A_59, %dot_general3A_93, %dot_general3A_127 in 1 : vector<3200x32xf32>, vector<3200x32xf32>, vector<3200x32xf32>, vector<3200x32xf32> -> vector<3200x128xf32>
    %swap3A = arith.constant 0 : index
    %swap3A_128 = arith.constant 0 : index
    %swap3A_129 = vector.load %arg9[%swap3A, %swap3A_128] : memref<3200x128xf32, #tpu.memory_space<vmem>>, vector<3200x128xf32>
    tpu.vector_store %arg9[%swap3A, %swap3A_128], %concatenate3A {strides = array<i32>} : memref<3200x128xf32, #tpu.memory_space<vmem>>, vector<3200x128xf32>,
    return
  }
  func.func @transform_0(%arg0: i32) -> i32 {
    %c0_i32 = arith.constant 0 : i32
    %c0_i32_0 = arith.constant 0 : i32
    return %c0_i32 : i32
  }
  func.func @transform_1(%arg0: i32) -> (i32, i32) {
    %add3A = arith.constant 0 : i32
    %add3A_0 = arith.addi %add3A, %arg0 : i32
    %c0_i32 = arith.constant 0 : i32
    %c0_i32_1 = arith.constant 0 : i32
    return %add3A_0, %c0_i32 : i32, i32
  }
  func.func @transform_2(%arg0: i32) -> (i32, i32) {
    %add3A = arith.constant 15 : i32
    %add3A_0 = arith.addi %add3A, %arg0 : i32
    %c0_i32 = arith.constant 0 : i32
    %c0_i32_1 = arith.constant 0 : i32
    return %add3A_0, %c0_i32 : i32, i32
  }
  func.func @transform_3(%arg0: i32) -> (i32, i32) {
    %add3A = arith.constant 30 : i32
    %add3A_0 = arith.addi %add3A, %arg0 : i32
    %c0_i32 = arith.constant 0 : i32
    %c0_i32_1 = arith.constant 0 : i32
    return %add3A_0, %c0_i32 : i32, i32
  }
  func.func @transform_4(%arg0: i32) -> (i32, i32) {
    %add3A = arith.constant 45 : i32
    %add3A_0 = arith.addi %add3A, %arg0 : i32
    %c0_i32 = arith.constant 0 : i32
    %c0_i32_1 = arith.constant 0 : i32
    return %add3A_0, %c0_i32 : i32, i32
  }
  func.func @transform_5(%arg0: i32) -> (i32, i32) {
    %c0_i32 = arith.constant 0 : i32
    %c0_i32_0 = arith.constant 0 : i32
    %c0_i32_1 = arith.constant 0 : i32
    return %c0_i32, %c0_i32_0 : i32, i32
  }
  func.func @transform_6(%arg0: i32) -> (i32, i32) {
    %c0_i32 = arith.constant 0 : i32
    %c0_i32_0 = arith.constant 0 : i32
    %c0_i32_1 = arith.constant 0 : i32
    return %c0_i32, %c0_i32_0 : i32, i32
  }
  func.func @transform_7(%arg0: i32) -> (i32, i32) {
    %c0_i32 = arith.constant 0 : i32
    %c0_i32_0 = arith.constant 0 : i32
    %c0_i32_1 = arith.constant 0 : i32
    return %c0_i32, %c0_i32_0 : i32, i32
  }
  func.func @transform_8(%arg0: i32) -> (i32, i32) {
    %c0_i32 = arith.constant 0 : i32
    %c0_i32_0 = arith.constant 0 : i32
    return %arg0, %c0_i32 : i32, i32
  }
}

module attributes {stable_mosaic.version = 14 : i64} {
  func.func @_final_body(%arg0: memref<2x2560x128xf32, #tpu.memory_space<vmem>>, %arg1: memref<2x2560x128xf32, #tpu.memory_space<vmem>>, %arg2: memref<2x2560x128xf32, #tpu.memory_space<vmem>>, %arg3: memref<2x2560x128xf32, #tpu.memory_space<vmem>>, %arg4: memref<2500x512xf32, #tpu.memory_space<vmem>>, %arg5: memref<512x128xf32, #tpu.memory_space<vmem>>, %arg6: memref<1x128xf32, #tpu.memory_space<vmem>>, %arg7: memref<2500x128xf32, #tpu.memory_space<vmem>>) attributes {dimension_semantics = [], scalar_prefetch = 0 : i64, scratch_operands = 0 : i64, tpu.core_type = #tpu.core_type<tc>} {
    %get3A = arith.constant 0 : index
    %get3A_0 = arith.constant 0 : index
    %get3A_1 = arith.constant 0 : index
    %get3A_2 = vector.load %arg0[%get3A, %get3A_0, %get3A_1] : memref<2x2560x128xf32, #tpu.memory_space<vmem>>, vector<1x2560x128xf32>
    %get3A_3 = vector.shape_cast %get3A_2 : vector<1x2560x128xf32> to vector<2560x128xf32>
    %get3A_4 = arith.constant 1 : index
    %get3A_5 = arith.constant 0 : index
    %get3A_6 = arith.constant 0 : index
    %get3A_7 = vector.load %arg0[%get3A_4, %get3A_5, %get3A_6] : memref<2x2560x128xf32, #tpu.memory_space<vmem>>, vector<1x2560x128xf32>
    %get3A_8 = vector.shape_cast %get3A_7 : vector<1x2560x128xf32> to vector<2560x128xf32>
    %add3A = arith.addf %get3A_3, %get3A_8 : vector<2560x128xf32>
    %get3A_9 = arith.constant 0 : index
    %get3A_10 = arith.constant 0 : index
    %get3A_11 = arith.constant 0 : index
    %get3A_12 = vector.load %arg1[%get3A_9, %get3A_10, %get3A_11] : memref<2x2560x128xf32, #tpu.memory_space<vmem>>, vector<1x2560x128xf32>
    %get3A_13 = vector.shape_cast %get3A_12 : vector<1x2560x128xf32> to vector<2560x128xf32>
    %add3A_14 = arith.addf %add3A, %get3A_13 : vector<2560x128xf32>
    %get3A_15 = arith.constant 1 : index
    %get3A_16 = arith.constant 0 : index
    %get3A_17 = arith.constant 0 : index
    %get3A_18 = vector.load %arg1[%get3A_15, %get3A_16, %get3A_17] : memref<2x2560x128xf32, #tpu.memory_space<vmem>>, vector<1x2560x128xf32>
    %get3A_19 = vector.shape_cast %get3A_18 : vector<1x2560x128xf32> to vector<2560x128xf32>
    %add3A_20 = arith.addf %add3A_14, %get3A_19 : vector<2560x128xf32>
    %get3A_21 = arith.constant 0 : index
    %get3A_22 = arith.constant 0 : index
    %get3A_23 = arith.constant 0 : index
    %get3A_24 = vector.load %arg2[%get3A_21, %get3A_22, %get3A_23] : memref<2x2560x128xf32, #tpu.memory_space<vmem>>, vector<1x2560x128xf32>
    %get3A_25 = vector.shape_cast %get3A_24 : vector<1x2560x128xf32> to vector<2560x128xf32>
    %get3A_26 = arith.constant 1 : index
    %get3A_27 = arith.constant 0 : index
    %get3A_28 = arith.constant 0 : index
    %get3A_29 = vector.load %arg2[%get3A_26, %get3A_27, %get3A_28] : memref<2x2560x128xf32, #tpu.memory_space<vmem>>, vector<1x2560x128xf32>
    %get3A_30 = vector.shape_cast %get3A_29 : vector<1x2560x128xf32> to vector<2560x128xf32>
    %add3A_31 = arith.addf %get3A_25, %get3A_30 : vector<2560x128xf32>
    %get3A_32 = arith.constant 0 : index
    %get3A_33 = arith.constant 0 : index
    %get3A_34 = arith.constant 0 : index
    %get3A_35 = vector.load %arg3[%get3A_32, %get3A_33, %get3A_34] : memref<2x2560x128xf32, #tpu.memory_space<vmem>>, vector<1x2560x128xf32>
    %get3A_36 = vector.shape_cast %get3A_35 : vector<1x2560x128xf32> to vector<2560x128xf32>
    %add3A_37 = arith.addf %add3A_31, %get3A_36 : vector<2560x128xf32>
    %get3A_38 = arith.constant 1 : index
    %get3A_39 = arith.constant 0 : index
    %get3A_40 = arith.constant 0 : index
    %get3A_41 = vector.load %arg3[%get3A_38, %get3A_39, %get3A_40] : memref<2x2560x128xf32, #tpu.memory_space<vmem>>, vector<1x2560x128xf32>
    %get3A_42 = vector.shape_cast %get3A_41 : vector<1x2560x128xf32> to vector<2560x128xf32>
    %add3A_43 = arith.addf %add3A_37, %get3A_42 : vector<2560x128xf32>
    %gt3A = arith.constant 0.000000e+00 : f32
    %gt3A_44 = vector.broadcast %gt3A : f32 to vector<2560x128xf32>
    %gt3A_45 = arith.cmpf ogt, %add3A_43, %gt3A_44 : vector<2560x128xf32>
    %max3A = arith.constant 1.000000e+00 : f32
    %max3A_46 = vector.broadcast %max3A : f32 to vector<2560x128xf32>
    %max3A_47 = arith.maximumf %add3A_43, %max3A_46 : vector<2560x128xf32>
    %div3A = arith.divf %add3A_20, %max3A_47 : vector<2560x128xf32>
    %jit3A = arith.constant 0.000000e+00 : f32
    %broadcast_in_dim3A = vector.broadcast %jit3A : f32 to vector<2560x128xf32>
    %select_n3A = arith.select %gt3A_45, %div3A, %broadcast_in_dim3A : vector<2560x128xi1>, vector<2560x128xf32>
    %slice3A = vector.extract_strided_slice %select_n3A {offsets = [0, 0], sizes = [2500, 128], strides = [1, 1]} : vector<2560x128xf32> to vector<2500x128xf32>
    %get3A_48 = arith.constant 0 : index
    %get3A_49 = arith.constant 0 : index
    %get3A_50 = vector.load %arg4[%get3A_48, %get3A_49] : memref<2500x512xf32, #tpu.memory_space<vmem>>, vector<2500x512xf32>
    %get3A_51 = arith.constant 0 : index
    %get3A_52 = arith.constant 0 : index
    %get3A_53 = vector.load %arg5[%get3A_51, %get3A_52] : memref<512x128xf32, #tpu.memory_space<vmem>>, vector<512x128xf32>
    %dot_general3A = arith.constant dense<0.000000e+00> : vector<2500x128xf32>
    %dot_general3A_54 = tpu.matmul %get3A_50, %get3A_53, %dot_general3A {dimension_numbers = #tpu.dot_dimension_numbers<[1], [0], [0], [1], [0, 0, 1, 1], [], []>, transpose_lhs_hint = false} : vector<2500x512xf32>, vector<512x128xf32>, vector<2500x128xf32> -> vector<2500x128xf32>
    %add3A_55 = arith.addf %slice3A, %dot_general3A_54 : vector<2500x128xf32>
    %get3A_56 = arith.constant 0 : index
    %get3A_57 = arith.constant 0 : index
    %get3A_58 = vector.load %arg6[%get3A_56, %get3A_57] : memref<1x128xf32, #tpu.memory_space<vmem>>, vector<1x128xf32>
    %add3A_59 = vector.broadcast %get3A_58 : vector<1x128xf32> to vector<2500x128xf32>
    %add3A_60 = arith.addf %add3A_55, %add3A_59 : vector<2500x128xf32>
    %max3A_61 = arith.constant 0.000000e+00 : f32
    %max3A_62 = vector.broadcast %max3A_61 : f32 to vector<2500x128xf32>
    %max3A_63 = arith.maximumf %add3A_60, %max3A_62 : vector<2500x128xf32>
    %swap3A = arith.constant 0 : index
    %swap3A_64 = arith.constant 0 : index
    %swap3A_65 = vector.load %arg7[%swap3A, %swap3A_64] : memref<2500x128xf32, #tpu.memory_space<vmem>>, vector<2500x128xf32>
    tpu.vector_store %arg7[%swap3A, %swap3A_64], %max3A_63 {strides = array<i32>} : memref<2500x128xf32, #tpu.memory_space<vmem>>, vector<2500x128xf32>,
    return
  }
}

</mosaic_0001>

<sc_bundles>
// kernel: kernel.10.cloned.1.call-start
scs
__scs_entry_jumppad:
0x0: {  	(pc) =	sbr.rel $0x88, $3  }
0x1: {  	(tag) =	ssettag $0x0;
	lr =	simm.s32 $0x1  }
0x2: {  	[smem:$0x3F99] =	sst lr;
	_ =	strace $0xD0000000  }
0x3: {  	_ = 	snop  }
0x4: {  	_ = 	snop  }
0x5: {  	_ = 	snop  }
0x6: {  	_ = 	snop  }
0x7: {  	_ = 	snop  }
__scs_overlays_trampoline_lowered:
0x8: {  	[smem:$0x3FA8] =	sst s0  }
0x9: {  	[smem:$0x3FA9] =	sst s1  }
0xa: {  	[smem:$0x3FAA] =	sst s2  }
0xb: {  	[smem:$0x3FAB] =	sst s3  }
0xc: {  	[smem:$0x3FAC] =	sst s4  }
0xd: {  	[smem:$0x3FAD] =	sst s5  }
0xe: {  	[smem:$0x3FAE] =	sst s6  }
0xf: {  	[smem:$0x3FAF] =	sst s7  }
0x10: {  	[smem:$0x3FB0] =	sst s8  }
0x11: {  	[smem:$0x3FB1] =	sst s9;
	s0 =	simm.s32 @!p0 $0x0  }
0x12: {  	s1 =	sld [smem:$0x3F97];
	s0 =	simm.s32 @p0 $0x1  }
0x13: {  	[smem:$0x3FB2] =	sst s0;
	s0 =	simm.s32 @!p1 $0x0  }
0x14: {  	s2 =	sld [smem:$0x3F96];
	s0 =	simm.s32 @p1 $0x1  }
0x15: {  	[smem:$0x3FB3] =	sst s0;
	s0 =	simm.s32 @!p2 $0x0  }
0x16: {  	s3 =	sld [smem:$0x3FDB];
	s0 =	simm.s32 @p2 $0x1  }
0x17: {  	s4 =	simm.s32 $0x1BF5;
	[smem:$0x3FB5] =	sst s0  }
0x18: {  	s0 =	sld [smem:$0x3F98];
	_ =	swait.ge [sflag:s4], $0x0  }
0x19: {  	s7 =	sld [smem:$0x3F99]  }
0x1a: {  	s8 =	sadd.s32 $0xFFFFE003, lr  }
0x1b: {  	s9 =	sadd.s32 $0xFFFFFEF7, lr;
	s5 =	simm.s32 $0xFFFFFFFF;
	p2 =	slt.u32 s8, $0xFFFFF086  }
0x1c: {  	p1 =	slt.u32 s9, $0xF7A;
	s5 =	simm.s32 @!p2 $0x0  }
0x1d: {  	s5 =	simm.s32 @p1 $0x1;
	p0 =	seq.s32 s7, s2  }
0x1e: {  	s7 =	smul.u32 @!p0 $0xF7A, s2;
	p2 =	seq.s32 @!p0 s5, $0x0  }
0x1f: {  	s9 =	smul.u32 $0xF7A, s1;
	s8 =	simm.s32 @!p0 $0x1BF5;
	p2 =	por !p2, p0  }
0x20: {  	[sflag:s8] =	ssyncset.s32 @!p0 $0xFFFFF086;
	s6 =	sadd.s32 @!p0 s3, s7;
	s7 =	simm.s32 @!p0 $0x108  }
0x21: {  	s3 =	sadd.s32 s3, s9;
	s6 =	sadd.s32 @!p0 $0x88, s6;
	s7 =	simm.s32 @p2 $0x1082  }
0x22: {  	[simem:s7], [sflag:s8] =	dma.local @!p0 [hbm:s6], $0xF7A  }
0x23: {  	s9 =	sor.u32 $0xD0000000, s2;
	s6 =	simm.s32 $0x108;
	_ =	swait.ge @!p0 [sflag:s8], $0x0  }
0x24: {  	s3 =	sadd.s32 $0x88, s3;
	s6 =	simm.s32 @!p1 $0x1082;
	[sflag:s4] =	ssyncset.s32 $0xFFFFF086  }
0x25: {  	[simem:s6], [sflag:s4] =	dma.local [hbm:s3], $0xF7A  }
0x26: {  	[smem:$0x3F99] =	sst s1;
	(tag) =	ssettag s2;
	_ =	strace s9  }
0x27: {  	s1 =	sld [smem:$0x3FA9]  }
0x28: {  	s2 =	sld [smem:$0x3FAA]  }
0x29: {  	s4 =	sld [smem:$0x3FAC]  }
0x2a: {  	p0 =	seq.s32 s5, $0x0;
	s5 =	sld [smem:$0x3FAD]  }
0x2b: {  	s6 =	sld [smem:$0x3FAE]  }
0x2c: {  	s7 =	sld [smem:$0x3FAF]  }
0x2d: {  	s3 =	simm.s32 $0x108;
	s8 =	sld [smem:$0x3FB0]  }
0x2e: {  	s3 =	simm.s32 @!p0 $0x1082;
	s9 =	sld [smem:$0x3FB1]  }
0x2f: {  	lr =	sadd.s32 s0, s3;
	s0 =	sld [smem:$0x3FA8]  }
0x30: {  	s3 =	sld [smem:$0x3FAB]  }
0x31: {  	[smem:$0x3FB4] =	sst s10  }
0x32: {  	s10 =	sld [smem:$0x3FB2];
	_ =	sdelay $0x3  }
0x33: {  	p0 =	seq.s32 s10, $0x1;
	s10 =	sld [smem:$0x3FB4];
	_ =	sdelay $0x3  }
0x34: {  	[smem:$0x3FB4] =	sst s10  }
0x35: {  	s10 =	sld [smem:$0x3FB3];
	_ =	sdelay $0x3  }
0x36: {  	p1 =	seq.s32 s10, $0x1;
	s10 =	sld [smem:$0x3FB4];
	_ =	sdelay $0x3  }
0x37: {  	[smem:$0x3FB4] =	sst s10  }
0x38: {  	s10 =	sld [smem:$0x3FB5]  }
0x39: {  	_ = 	snop;
	(pc) =	sbr.ind lr, $3  }
0x3a: {  	_ = 	snop  }
0x3b: {  	_ = 	snop  }
0x3c: {  	p2 =	seq.s32 s10, $0x1;
	s10 =	sld [smem:$0x3FB4]  }
0x3d: {  	_ =	shalt  }
0x3e: {  	_ =	shalt  }
0x3f: {  	_ =	shalt  }
0x40: {  	_ =	shalt  }
0x41: {  	_ =	shalt  }
0x42: {  	_ =	shalt  }
0x43: {  	_ =	shalt  }
0x44: {  	_ =	shalt  }
0x45: {  	_ =	shalt  }
0x46: {  	_ =	shalt  }
0x47: {  	_ =	shalt  }
0x48: {  	_ =	shalt  }
0x49: {  	_ =	shalt  }
0x4a: {  	_ =	shalt  }
0x4b: {  	_ =	shalt  }
0x4c: {  	_ =	shalt  }
0x4d: {  	_ =	shalt  }
0x4e: {  	_ =	shalt  }
0x4f: {  	_ =	shalt  }
0x50: {  	_ =	shalt  }
0x51: {  	_ =	shalt  }
0x52: {  	_ =	shalt  }
0x53: {  	_ =	shalt  }
0x54: {  	_ =	shalt  }
0x55: {  	_ =	shalt  }
0x56: {  	_ =	shalt  }
0x57: {  	_ =	shalt  }
0x58: {  	_ =	shalt  }
0x59: {  	_ =	shalt  }
0x5a: {  	_ =	shalt  }
0x5b: {  	_ =	shalt  }
0x5c: {  	_ =	shalt  }
0x5d: {  	_ =	shalt  }
0x5e: {  	_ =	shalt  }
0x5f: {  	_ =	shalt  }
0x60: {  	_ =	shalt  }
0x61: {  	_ =	shalt  }
0x62: {  	_ =	shalt  }
0x63: {  	_ =	shalt  }
0x64: {  	_ =	shalt  }
0x65: {  	_ =	shalt  }
0x66: {  	_ =	shalt  }
0x67: {  	_ =	shalt  }
0x68: {  	_ =	shalt  }
0x69: {  	_ =	shalt  }
0x6a: {  	_ =	shalt  }
0x6b: {  	_ =	shalt  }
0x6c: {  	_ =	shalt  }
0x6d: {  	_ =	shalt  }
0x6e: {  	_ =	shalt  }
0x6f: {  	_ =	shalt  }
0x70: {  	_ =	shalt  }
0x71: {  	_ =	shalt  }
0x72: {  	_ =	shalt  }
0x73: {  	_ =	shalt  }
0x74: {  	_ =	shalt  }
0x75: {  	_ =	shalt  }
0x76: {  	_ =	shalt  }
0x77: {  	_ =	shalt  }
0x78: {  	_ =	shalt  }
0x79: {  	_ =	shalt  }
0x7a: {  	_ =	shalt  }
0x7b: {  	_ =	shalt  }
0x7c: {  	_ =	shalt  }
0x7d: {  	_ =	shalt  }
0x7e: {  	_ =	shalt  }
0x7f: {  	_ =	shalt  }
0x80: {  	_ =	shalt  }
0x81: {  	_ =	shalt  }
0x82: {  	_ =	shalt  }
0x83: {  	_ =	shalt  }
0x84: {  	_ =	shalt  }
0x85: {  	_ =	shalt  }
0x86: {  	_ =	shalt  }
0x87: {  	_ =	shalt  }
.Lfunc_end0:
.L_simem_size_0:
called_computation.1_lowered:
.L_overlay_start_0:
0x88: {  	s2 =	sld [smem:$0x3FD9]  }
0x89: {  	s3 =	sld [smem:$0x3FFE];
	_ =	sdelay $0x1  }
0x8a: {  	s1 =	srdreg.scid  }
0x8b: {  	s0 =	sand.u32 $0x1, s1  }
0x8c: {  	s17 =	sshll.u32 s0, $0xA;
	s2 =	sadd.s32 s3, s2  }
0x8d: {  	s2 =	sadd.s32 s2, s17  }
0x8e: {  	[smem:$0x3FC0] =	sst s2  }
0x8f: {  	_ = 	snop  }
0x90: {  	s18 =	sld [smem:$0x3FC6];
	(tm) =	ssettm $0x1  }
0x91: {  	s19 =	sld [smem:$0x3FFB];
	_ =	sdelay $0x3  }
0x92: {  	_ =	strace s19  }
0x93: {  	s2 =	sld [smem:$0x3FFC];
	_ =	sdelay $0x3  }
0x94: {  	_ =	strace s2  }
0x95: {  	s2 =	sld [smem:$0x3FFD];
	_ =	sdelay $0x3  }
0x96: {  	_ =	strace s2  }
0x97: {  	_ =	strace $0x8FFFFFFF  }
0x98: {  	s20 =	sld [smem:$0x3FDB];
	_ =	sdelay $0x1  }
0x99: {  	s4 =	simm.s32 $_scs_section_size  }
0x9a: {  	s5 =	simm.s32 $_size__tile_overlayer_lowered;
	s6 =	simm.s32 $_tile_overlayer_lowered  }
0x9b: {  	s7 =	simm.s32 $0x1BFF;
	s21 =	sshll.u32 s6, $0x1;
	s4 =	sadd.s32 s4, s20  }
0x9c: {  	s22 =	simm.s32 $0x0;
	s5 =	sshll.u32 s5, $0x1;
	s6 =	sadd.s32 s21, s4  }
0x9d: {  	[timem:s22], [sflag:s7] =	dma.local [hbm:s6], s5  }
0x9e: {  	_ =	swait.ge [sflag:s7], s5  }
0x9f: {  	s5 =	ssub.s32 $0x0, s5;
	[sflag:s7] =	ssyncset.done $0x0  }
0xa0: {  	[sflag:s7] =	ssyncadd.s32 s5;
	_ =	sdelay $0x1  }
0xa1: {  	s23 =	simm.s32 $0x1B8B  }
0xa2: {  	_ =	swait.ge [sflag:s23], $0x1  }
0xa3: {  	[sflag:s23] =	ssyncset.done $0x0  }
0xa4: {  	[sflag:s23] =	ssyncadd.s32 $0xFFFFFFFF  }
0xa5: {  	s5 =	sld [smem:$0x0]  }
0xa6: {  	s6 =	sand.u32 $0xFFFFFFFE, s1  }
0xa7: {  	p0 =	sne.s32 s1, s6  }
0xa8: {  	s6 =	sshll.u32 @p0 s6, $0xE  }
0xa9: {  	s6 =	sadd.s32 @p0 $0x11B8D, s6;
	s7 =	sshll.u32 @p0 s5, $0x11  }
0xaa: {  	s6 =	sor.u32 @p0 s7, s6  }
0xab: {  	[sflag:s6] =	ssyncadd.remote.s32 @p0 $0x1;
	_ =	sdelay $0x1  }
0xac: {  	s6 =	simm.s32 @p0 $0x1B8D  }
0xad: {  	_ =	swait.eq @p0 [sflag:s6], $0x1  }
0xae: {  	[sflag:s6] =	ssyncadd.s32 @p0 $0xFFFFFFFF  }
0xaf: {  	s7 =	sshll.u32 @!p0 s1, $0xE  }
0xb0: {  	s7 =	sor.u32 @!p0 $0x4000, s7;
	s6 =	simm.s32 @!p0 $0x1B8D  }
0xb1: {  	s5 =	sshll.u32 @!p0 s5, $0x11;
	s7 =	sadd.s32 @!p0 $0x11B8D, s7;
	_ =	swait.eq @!p0 [sflag:s6], $0x1  }
0xb2: {  	s5 =	sor.u32 @!p0 s5, s7;
	[sflag:s6] =	ssyncadd.s32 @!p0 $0xFFFFFFFF  }
0xb3: {  	s25 =	simm.s32 $0x1B8E;
	s24 =	sld [smem:$0x3FFE];
	[sflag:s5] =	ssyncadd.remote.s32 @!p0 $0x1  }
0xb4: {  	s26 =	simm.s32 $execute0_lowered;
	[smem:$0x3FD2] =	sst s25  }
0xb5: {  	s6 =	sshll.u32 s26, $0x1;
	_ =	strace $0x80000049;
	[dreg:$0x1] =	wrdreg $0xFFFFFFFF  }
0xb6: {  	s28 =	simm.s32 $_size_execute0_lowered;
	s4 =	sadd.s32 s4, s6;
	[dreg:$0x0] =	wrdreg $0x0  }
0xb7: {  	s6 =	sshll.u32 s28, $0x1;
	[dreg:$0x2] =	wrdreg s4  }
0xb8: {  	[dreg:$0x3] =	wrdreg s6  }
0xb9: {  	[dreg:$0x4] =	wrdreg $0xC0  }
0xba: {  	_ =	task [dreg:s22], $0x5FFFF  }
0xbb: {  	[dreg:$0x1] =	wrdreg $0xFFFFFFFF  }
0xbc: {  	[dreg:$0x0] =	wrdreg $0x60  }
0xbd: {  	[dreg:$0x2] =	wrdreg s24  }
0xbe: {  	[dreg:$0x3] =	wrdreg s18  }
0xbf: {  	[dreg:$0x4] =	wrdreg $0xCDA00  }
0xc0: {  	[dreg:$0x5] =	wrdreg $0x11DA00  }
0xc1: {  	[dreg:$0x6] =	wrdreg $0xA  }
0xc2: {  	_ =	task.clear_ibuf [dreg:s22], $0x7FFFF;
	_ =	strace $0x90000049  }
0xc3: {  	s29 =	simm.s32 $0xA;
	_ =	strace $0x8000004B  }
0xc4: {  	_ =	swait.ge [sflag:s29], $0x1  }
0xc5: {  	[sflag:s29] =	ssyncadd.s32 $0xFFFFFFFF  }
0xc6: {  	_ =	strace $0x9000004B  }
0xc7: {  	_ =	sfence  }
0xc8: {  	s30 =	sld [smem:$0x0];
	_ =	sdelay $0x2  }
0xc9: {  	s31 =	sshll.u32 s1, $0xD;
	s1 =	sshrl.u32 s1, $0x2  }
0xca: {  	s4 =	sand.u32 $0x4000, s31;
	s1 =	sadd.s32 s1, s30  }
0xcb: {  	s0 =	sor.u32 s4, s0;
	s1 =	sshll.u32 s1, $0x11  }
0xcc: {  	s0 =	sor.u32 s1, s0  }
0xcd: {  	s0 =	sadd.s32 $0x8F2B, s0  }
0xce: {  	[sflag:s0] =	ssyncadd.remote.s32 $0x1  }
0xcf: {  	_ =	sfence.sel $0xFFFF  }
0xd0: {  	[dreg:$0x0] =	wrdreg $0xFFFFFFFF;
	(pc) =	sbr.abs _section_cstart, $3  }
0xd1: {  	[dreg:$0x1] =	wrdreg $0xFFFFFFFF  }
0xd2: {  	_ =	task.clear_ibuf [dreg:s22], $0x2FFFF;
	_ =	strace $0x9FFFFFFF  }
0xd3: {  	(tm) =	ssettm $0x7FFFFFFF  }
tec
execute0_lowered:
.L_overlay_start_1:
0x0: {  	(tag) =	ssettag $0x1  }
0x1: {  	s0 =	rddreg [dreg:$0x0]  }
0x2: {  	s7 =	rddreg [dreg:$0x1]  }
0x3: {  	s2 =	rddreg [dreg:$0x2]  }
0x4: {  	s3 =	rddreg [dreg:$0x3]  }
0x5: {  	s5 =	srdreg.scid;
	s1 =	stileid.u32  }
0x6: {  	s4 =	simm.s32 $0x0;
	s15 =	simm.s32 $0x3;
	s19 =	simm.s32 $0x2  }
0x7: {  	s20 =	simm.s32 $0x1;
	s21 =	simm.s32 $0x50;
	s22 =	simm.s32 $0x3200  }
0x8: {  	s23 =	simm.s32 $0xC3A0;
	s24 =	simm.s32 $0x3C00;
	s25 =	simm.s32 $0x4600  }
0x9: {  	s28 =	simm.s32 $0x5A00;
	s6 =	sand.u32 $0x1, s5;
	s8 =	smul.u32 $0x5000, s1  }
0xa: {  	[smem:$0x7FF] =	sst s4;
	s10 =	sshll.u32 s1, $0x1;
	s5 =	sadd.s32 $0xE5C00, s0  }
0xb: {  	s12 =	sshll.u32 s1, $0x3;
	s9 =	smul.u32 $0x50000, s6;
	_ =	strace $0x8000004A  }
0xc: {  	s10 =	sor.u32 s6, s10;
	s6 =	ssub.s32 $0x2, s6;
	s12 =	sand.u32 $0x60, s12  }
0xd: {  	s11 =	sand.u32 $0x7, s10;
	s10 =	smul.u32 $0xFA0, s10;
	s26 =	sshrl.u32 s6, $0x1  }
0xe: {  	s9 =	sadd.s32 s8, s9;
	s11 =	smul.u32 $0x7D000, s11;
	s13 =	ssub.s32 s6, s26  }
0xf: {  	s6 =	sadd.s32 s8, s2;
	s26 =	simm.s32 $0x5000;
	s9 =	sshrl.u32 s9, $0x3  }
.Ltmp0:
0x10: {  	s29 =	sshrl.u32 s10, $0x3;
	s0 =	sadd.s32 s9, s0;
	(pc) =	sbr.rel .LBB2_1-.Ltmp0, $4  }
0x11: {  	s14 =	sor.u32 s12, s11;
	s9 =	sadd.s32 s7, s29;
	s7 =	sadd.s32 s8, s3  }
0x12: {  	s12 =	smax.u32 s13, $0x1;
	s30 =	sshrl.u32 s14, $0x3;
	s10 =	sadd.s32 $0x162C00, s0  }
0x13: {  	s31 =	sadd.s32 $0x5DC0, s9;
	s11 =	sadd.s32 $0x176C00, s0;
	s13 =	sadd.s32 $0xC800, s14  }
0x14: {  	v0 =	vimm.f32 $0.0e+00;
	v1 =	vimm.f32 $1.000000000e+00;
	s14 =	simm.s32 $0x73A0;
	[dreg:$0x5] =	wrdreg s31;
	s9 =	sadd.s32 s5, s30  }
.LBB2_9:
0x15: {  	_ =	swait.ge [sflag:s19], $0xA00  }
0x16: {  	[sflag:s19] =	ssyncset.done $0x0  }
0x17: {  	[sflag:s19] =	ssyncadd.s32 $0xFFFFF600  }
0x18: {  	_ =	swait.ge [sflag:s19], $0xA00  }
0x19: {  	[sflag:s19] =	ssyncset.done $0x0  }
0x1a: {  	[sflag:s19] =	ssyncadd.s32 $0xFFFFF600  }
0x1b: {  	_ =	swait.ge [sflag:s19], $0xA00  }
0x1c: {  	[sflag:s19] =	ssyncset.done $0x0  }
0x1d: {  	[sflag:s19] =	ssyncadd.s32 $0xFFFFF600  }
0x1e: {  	_ =	swait.ge [sflag:s19], $0xA00  }
0x1f: {  	[sflag:s19] =	ssyncset.done $0x0  }
0x20: {  	[sflag:s19] =	ssyncadd.s32 $0xFFFFF600  }
0x21: {  	_ =	swait.ge [sflag:s19], $0xA00  }
0x22: {  	[sflag:s19] =	ssyncset.done $0x0  }
0x23: {  	[sflag:s19] =	ssyncadd.s32 $0xFFFFF600  }
0x24: {  	_ =	swait.ge [sflag:s19], $0xA00  }
0x25: {  	[sflag:s19] =	ssyncset.done $0x0  }
0x26: {  	[sflag:s19] =	ssyncadd.s32 $0xFFFFF600  }
0x27: {  	_ =	swait.ge [sflag:s19], $0xA00  }
0x28: {  	[sflag:s19] =	ssyncset.done $0x0  }
0x29: {  	[sflag:s19] =	ssyncadd.s32 $0xFFFFF600  }
0x2a: {  	_ =	swait.ge [sflag:s19], $0xA00  }
0x2b: {  	[sflag:s19] =	ssyncset.done $0x0  }
0x2c: {  	[sflag:s19] =	ssyncadd.s32 $0xFFFFF600  }
0x2d: {  	_ =	swait.ge [sflag:s19], $0xA00  }
0x2e: {  	[sflag:s19] =	ssyncset.done $0x0  }
0x2f: {  	[sflag:s19] =	ssyncadd.s32 $0xFFFFF600  }
0x30: {  	_ =	swait.ge [sflag:s19], $0xA00  }
0x31: {  	s0 =	stileid.u32;
	[sflag:s19] =	ssyncset.done $0x0  }
0x32: {  	s0 =	sshll.u32 s0, $0x6;
	[sflag:s19] =	ssyncadd.s32 $0xFFFFF600  }
0x33: {  	s1 =	sshrl.u32 s6, $0x3;
	s0 =	sor.u32 $0x1C03, s0;
	[bflag:$0x0] =	sbarrier.arrive $0xFFFF  }
0x34: {  	[hbm:s10], [sflag:s0] =	dma.local [spmem:s1], $0xA00  }
0x35: {  	s4 =	sadd.s32 $0x1, s4;
	_ =	swait.ge [sflag:s15], $0xA00  }
0x36: {  	p0 =	sne.s32 s4, s12;
	[sflag:s15] =	ssyncset.done $0x0  }
.Ltmp1:
0x37: {  	s31 =	sshrl.u32 s7, $0x3;
	[sflag:s15] =	ssyncadd.s32 $0xFFFFF600;
	(pc) =	sbr.rel @!p0 .LBB2_10-.Ltmp1, $4  }
0x38: {  	[hbm:s11], [sflag:s0] =	dma.local [spmem:s31], $0xA00  }
0x39: {  	_ =	swait.ge [sflag:s15], $0xA00  }
0x3a: {  	[sflag:s15] =	ssyncset.done $0x0  }
0x3b: {  	[sflag:s15] =	ssyncadd.s32 $0xFFFFF600  }
.LBB2_1:
0x3c: {  	s0 =	simm.s32 $0x0  }
.LBB2_2:
0x3d: {  	p0 =	sne.s32 s0, $0x13F80  }
.Ltmp2:
0x3e: {  	_ = 	snop;
	(pc) =	sbr.rel @p0 .LBB2_2-.Ltmp2, $4  }
0x3f: {  	_ = 	snop  }
0x40: {  	s29 =	sshra.s32 s0, $0x2  }
0x41: {  	[tilespmem:s29+$0x73A0] =	vst v0  }
0x42: {  	s0 =	sadd.s32 $0x80, s0;
	[tilespmem:s29+$0x73B0] =	vst v0  }
0x43: {  	s0 =	simm.s32 $0x80;
	s29 =	simm.s32 $0x0  }
.LBB2_4:
0x44: {  	p0 =	sne.s32 s0, $0x2780;
	[tilespmem:s29+$0xC3A0] =	vst v1;
	s30 =	smov.u32 s0;
	s0 =	sadd.s32 $0x80, s0  }
.Ltmp3:
0x45: {  	[tilespmem:s29+$0xC3B0] =	vst v1;
	(pc) =	sbr.rel @p0 .LBB2_4-.Ltmp3, $2  }
0x46: {  	_ =	sdelay $0x2  }
0x47: {  	s29 =	sshra.s32 s30, $0x2  }
0x48: {  	[tilespmem:s29+$0xC3A0] =	vst v1  }
0x49: {  	[tilespmem:s29+$0xC3B0] =	vst v1  }
0x4a: {  	[spmem:s6] =	stream.linear.scatter [tilespmem:s14], [sflag:$0x3], $0x5000, $0x38;
	[tilespmem:$0x16DA0] =	vst v63  }
0x4b: {  	_ =	swait.ge [sflag:s15], $0x5000  }
0x4c: {  	[sflag:s15] =	ssyncset.done $0x0  }
0x4d: {  	[sflag:s15] =	ssyncadd.s32 $0xFFFFB000  }
0x4e: {  	[spmem:s7] =	stream.linear.scatter [tilespmem:s14], [sflag:$0x3], $0x5000, $0x38;
	[tilespmem:$0x16DA0] =	vst v63  }
0x4f: {  	_ =	swait.ge [sflag:s15], $0x5000  }
0x50: {  	s29 =	simm.s32 $0x0;
	[sflag:s15] =	ssyncset.done $0x0  }
0x51: {  	s1 =	simm.s32 $0x6400;
	s0 =	rddreg [dreg:$0x5];
	[sflag:s15] =	ssyncadd.s32 $0xFFFFB000  }
0x52: {  	[tilespmem:s1], [sflag:$0x3] =	stream.linear.gather [hbm4b:s0+s29], $0xFA0, $0x38;
	[tilespmem:$0x16DA0] =	vst v63  }
.Ltmp4:
0x53: {  	_ =	swait.ge [sflag:s15], $0xFA0;
	(pc) =	sbr.rel .LBB2_6-.Ltmp4, $4  }
0x54: {  	[sflag:s15] =	ssyncset.done $0x0  }
0x55: {  	s17 =	simm.s32 $0x20;
	s18 =	simm.s32 $0x80;
	[sflag:s15] =	ssyncadd.s32 $0xFFFFF060  }
0x56: {  	s30 =	smov.u32 s13;
	s31 =	simm.s32 $0x0;
	[bflag:$0x0] =	sbarrier.arrive $0xFFFF  }
0x57: {  	[tilespmem:s29], [sflag:$0x1] =	stream.strided.gather [hbm4b:s9+s17], $0x3200, s18, s17, $0x38;
	[tilespmem:$0x16DA0] =	vst v63  }
.LBB2_8:
0x58: {  	s29 =	sadd.s32 $0x640, s29  }
0x59: {  	p0 =	sne.s32 s29, $0x3E80  }
.Ltmp5:
0x5a: {  	_ = 	snop;
	(pc) =	sbr.rel @!p0 .LBB2_9-.Ltmp5, $2  }
0x5b: {  	_ =	sdelay $0x2  }
0x5c: {  	s31 =	sadd.s32 $0x1, s31;
	s30 =	sadd.s32 $0xC800, s30  }
.LBB2_6:
0x5d: {  	s0 =	sand.u32 $0x1, s31  }
0x5e: {  	p0 =	seq.s32 s0, $0x1  }
0x5f: {  	s1 =	simm.s32 @!p0 $0x1  }
0x60: {  	p1 =	seq.s32 @!p0 s29, $0x0;
	_ =	swait.ge @!p0 [sflag:s1], $0x3200  }
0x61: {  	p1 =	por p1, p0;
	[sflag:s1] =	ssyncset.done @!p0 $0x0  }
0x62: {  	[sflag:s1] =	ssyncadd.s32 @!p0 $0xFFFFCE00;
	s1 =	simm.s32 @!p1 $0x2  }
0x63: {  	_ =	swait.ge @!p1 [sflag:s1], $0xA00  }
0x64: {  	[sflag:s1] =	ssyncset.done @!p1 $0x0  }
0x65: {  	[sflag:s1] =	ssyncadd.s32 @!p1 $0xFFFFF600  }
0x66: {  	_ =	swait.ge @!p1 [sflag:s1], $0xA00  }
0x67: {  	[sflag:s1] =	ssyncset.done @!p1 $0x0  }
0x68: {  	[sflag:s1] =	ssyncadd.s32 @!p1 $0xFFFFF600  }
0x69: {  	_ =	swait.ge @!p1 [sflag:s1], $0xA00  }
0x6a: {  	[sflag:s1] =	ssyncset.done @!p1 $0x0  }
0x6b: {  	[sflag:s1] =	ssyncadd.s32 @!p1 $0xFFFFF600  }
0x6c: {  	_ =	swait.ge @!p1 [sflag:s1], $0xA00  }
0x6d: {  	[sflag:s1] =	ssyncset.done @!p1 $0x0  }
0x6e: {  	[sflag:s1] =	ssyncadd.s32 @!p1 $0xFFFFF600  }
0x6f: {  	_ =	swait.ge @!p1 [sflag:s1], $0xA00  }
0x70: {  	[sflag:s1] =	ssyncset.done @!p1 $0x0  }
0x71: {  	[sflag:s1] =	ssyncadd.s32 @!p1 $0xFFFFF600  }
0x72: {  	_ =	swait.ge @!p1 [sflag:s1], $0xA00  }
0x73: {  	[sflag:s1] =	ssyncset.done @!p1 $0x0  }
0x74: {  	[sflag:s1] =	ssyncadd.s32 @!p1 $0xFFFFF600  }
0x75: {  	_ =	swait.ge @!p1 [sflag:s1], $0xA00  }
0x76: {  	[sflag:s1] =	ssyncset.done @!p1 $0x0  }
0x77: {  	[sflag:s1] =	ssyncadd.s32 @!p1 $0xFFFFF600  }
0x78: {  	_ =	swait.ge @!p1 [sflag:s1], $0xA00  }
0x79: {  	[sflag:s1] =	ssyncset.done @!p1 $0x0  }
0x7a: {  	[sflag:s1] =	ssyncadd.s32 @!p1 $0xFFFFF600  }
0x7b: {  	_ =	swait.ge @!p1 [sflag:s1], $0xA00  }
0x7c: {  	[sflag:s1] =	ssyncset.done @!p1 $0x0  }
0x7d: {  	[sflag:s1] =	ssyncadd.s32 @!p1 $0xFFFFF600  }
0x7e: {  	s16 =	sshrl.u32 @!p0 s30, $0x3;
	_ =	swait.ge @!p1 [sflag:s1], $0xA00  }
0x7f: {  	s17 =	simm.s32 @!p0 $0x80;
	s18 =	simm.s32 @!p0 $0x3200;
	[sflag:s1] =	ssyncset.done @!p1 $0x0  }
0x80: {  	[sflag:s1] =	ssyncadd.s32 @!p1 $0xFFFFF600;
	s1 =	sadd.s32 @!p0 s5, s16;
	s16 =	simm.s32 @!p0 $0x20  }
0x81: {  	[tilespmem:s18], [sflag:$0x1] =	stream.strided.gather @!p0 [hbm4b:s1+s16], $0x3200, s17, s16, $0x38;
	[tilespmem:$0x16DA0] =	vst v63  }
0x82: {  	s1 =	sshra.s32 @!p0 s29, $0x2  }
0x83: {  	s17 =	simm.s32 @!p0 $0x50;
	s18 =	simm.s32 @!p0 $0x0;
	s16 =	sadd.s32 @!p0 $0x6400, s1  }
0x84: {  	[spmem:s2] =	stream.indirect.scatter.add.f32 @!p0 [tilespmem:s18], [sflag:$0x2], $0x20, s16, s17, $0xb8;
	[tilespmem:$0x16DA0] =	vst v63  }
0x85: {  	s18 =	simm.s32 @!p0 $0xC3A0  }
0x86: {  	[spmem:s3] =	stream.indirect.scatter.add.f32 @!p0 [tilespmem:s18], [sflag:$0x2], $0x20, s16, s17, $0xb8;
	[tilespmem:$0x16DA0] =	vst v63  }
0x87: {  	s8 =	simm.s32 @!p0 $0xA00;
	s16 =	sadd.s32 @!p0 $0x6450, s1  }
0x88: {  	[spmem:s2] =	stream.indirect.scatter.add.f32 @!p0 [tilespmem:s8], [sflag:$0x2], $0x20, s16, s17, $0xb8;
	[tilespmem:$0x16DA0] =	vst v63  }
0x89: {  	_ = 	snop  }
0x8a: {  	[spmem:s3] =	stream.indirect.scatter.add.f32 @!p0 [tilespmem:s18], [sflag:$0x2], $0x20, s16, s17, $0xb8;
	[tilespmem:$0x16DA0] =	vst v63  }
0x8b: {  	s8 =	sadd.s32 @!p0 $0x64A0, s1;
	s16 =	simm.s32 @!p0 $0x1400  }
0x8c: {  	[spmem:s2] =	stream.indirect.scatter.add.f32 @!p0 [tilespmem:s16], [sflag:$0x2], $0x20, s8, s17, $0xb8;
	[tilespmem:$0x16DA0] =	vst v63  }
0x8d: {  	_ = 	snop  }
0x8e: {  	[spmem:s3] =	stream.indirect.scatter.add.f32 @!p0 [tilespmem:s18], [sflag:$0x2], $0x20, s8, s17, $0xb8;
	[tilespmem:$0x16DA0] =	vst v63  }
0x8f: {  	s16 =	simm.s32 @!p0 $0x1E00;
	s8 =	sadd.s32 @!p0 $0x64F0, s1  }
0x90: {  	[spmem:s2] =	stream.indirect.scatter.add.f32 @!p0 [tilespmem:s16], [sflag:$0x2], $0x20, s8, s17, $0xb8;
	[tilespmem:$0x16DA0] =	vst v63  }
0x91: {  	_ = 	snop  }
0x92: {  	[spmem:s3] =	stream.indirect.scatter.add.f32 @!p0 [tilespmem:s18], [sflag:$0x2], $0x20, s8, s17, $0xb8;
	[tilespmem:$0x16DA0] =	vst v63  }
0x93: {  	s1 =	sadd.s32 @!p0 $0x6540, s1;
	s8 =	simm.s32 @!p0 $0x2800  }
0x94: {  	[spmem:s2] =	stream.indirect.scatter.add.f32 @!p0 [tilespmem:s8], [sflag:$0x2], $0x20, s1, s17, $0xb8;
	[tilespmem:$0x16DA0] =	vst v63  }
0x95: {  	p1 =	seq.s32 @!p0 s0, $0x0  }
0x96: {  	[spmem:s3] =	stream.indirect.scatter.add.f32 @!p0 [tilespmem:s18], [sflag:$0x2], $0x20, s1, s17, $0xb8;
	[tilespmem:$0x16DA0] =	vst v63  }
0x97: {  	p0 =	por p0, !p1  }
.Ltmp6:
0x98: {  	_ = 	snop;
	(pc) =	sbr.rel @!p0 .LBB2_8-.Ltmp6, $1  }
0x99: {  	_ =	sdelay $0x3  }
0x9a: {  	_ =	swait.ge [sflag:s20], $0x3200  }
0x9b: {  	[sflag:s20] =	ssyncset.done $0x0  }
0x9c: {  	[sflag:s20] =	ssyncadd.s32 $0xFFFFCE00  }
0x9d: {  	_ =	swait.ge [sflag:s19], $0xA00  }
0x9e: {  	[sflag:s19] =	ssyncset.done $0x0  }
0x9f: {  	[sflag:s19] =	ssyncadd.s32 $0xFFFFF600  }
0xa0: {  	_ =	swait.ge [sflag:s19], $0xA00  }
0xa1: {  	[sflag:s19] =	ssyncset.done $0x0  }
0xa2: {  	[sflag:s19] =	ssyncadd.s32 $0xFFFFF600  }
0xa3: {  	_ =	swait.ge [sflag:s19], $0xA00  }
0xa4: {  	[sflag:s19] =	ssyncset.done $0x0  }
0xa5: {  	[sflag:s19] =	ssyncadd.s32 $0xFFFFF600  }
0xa6: {  	_ =	swait.ge [sflag:s19], $0xA00  }
0xa7: {  	[sflag:s19] =	ssyncset.done $0x0  }
0xa8: {  	[sflag:s19] =	ssyncadd.s32 $0xFFFFF600  }
0xa9: {  	_ =	swait.ge [sflag:s19], $0xA00  }
0xaa: {  	[sflag:s19] =	ssyncset.done $0x0  }
0xab: {  	[sflag:s19] =	ssyncadd.s32 $0xFFFFF600  }
0xac: {  	_ =	swait.ge [sflag:s19], $0xA00  }
0xad: {  	[sflag:s19] =	ssyncset.done $0x0  }
0xae: {  	[sflag:s19] =	ssyncadd.s32 $0xFFFFF600  }
0xaf: {  	_ =	swait.ge [sflag:s19], $0xA00  }
0xb0: {  	[sflag:s19] =	ssyncset.done $0x0  }
0xb1: {  	[sflag:s19] =	ssyncadd.s32 $0xFFFFF600  }
0xb2: {  	_ =	swait.ge [sflag:s19], $0xA00  }
0xb3: {  	[sflag:s19] =	ssyncset.done $0x0  }
0xb4: {  	[sflag:s19] =	ssyncadd.s32 $0xFFFFF600  }
0xb5: {  	_ =	swait.ge [sflag:s19], $0xA00  }
0xb6: {  	[sflag:s19] =	ssyncset.done $0x0  }
0xb7: {  	p0 =	seq.s32 s29, $0x3840;
	[sflag:s19] =	ssyncadd.s32 $0xFFFFF600  }
0xb8: {  	s0 =	sshrl.u32 @!p0 s30, $0x3;
	_ =	swait.ge [sflag:s19], $0xA00  }
0xb9: {  	s1 =	simm.s32 @!p0 $0x20;
	s8 =	simm.s32 @!p0 $0x80;
	[sflag:s19] =	ssyncset.done $0x0  }
0xba: {  	s16 =	simm.s32 @!p0 $0x0;
	s0 =	sadd.s32 @!p0 s5, s0;
	[sflag:s19] =	ssyncadd.s32 $0xFFFFF600  }
0xbb: {  	[tilespmem:s16], [sflag:$0x1] =	stream.strided.gather @!p0 [hbm4b:s0+s1], $0x3200, s8, s1, $0x38;
	[tilespmem:$0x16DA0] =	vst v63  }
0xbc: {  	s0 =	sshra.s32 s29, $0x2  }
0xbd: {  	s8 =	sadd.s32 $0x6400, s0  }
0xbe: {  	[spmem:s2] =	stream.indirect.scatter.add.f32 [tilespmem:s22], [sflag:$0x2], $0x20, s8, s21, $0xb8;
	[tilespmem:$0x16DA0] =	vst v63  }
0xbf: {  	_ = 	snop  }
0xc0: {  	[spmem:s3] =	stream.indirect.scatter.add.f32 [tilespmem:s23], [sflag:$0x2], $0x20, s8, s21, $0xb8;
	[tilespmem:$0x16DA0] =	vst v63  }
0xc1: {  	s16 =	sadd.s32 $0x6450, s0  }
0xc2: {  	[spmem:s2] =	stream.indirect.scatter.add.f32 [tilespmem:s24], [sflag:$0x2], $0x20, s16, s21, $0xb8;
	[tilespmem:$0x16DA0] =	vst v63  }
0xc3: {  	_ = 	snop  }
0xc4: {  	[spmem:s3] =	stream.indirect.scatter.add.f32 [tilespmem:s23], [sflag:$0x2], $0x20, s16, s21, $0xb8;
	[tilespmem:$0x16DA0] =	vst v63  }
0xc5: {  	s17 =	sadd.s32 $0x64A0, s0  }
0xc6: {  	[spmem:s2] =	stream.indirect.scatter.add.f32 [tilespmem:s25], [sflag:$0x2], $0x20, s17, s21, $0xb8;
	[tilespmem:$0x16DA0] =	vst v63  }
0xc7: {  	_ = 	snop  }
0xc8: {  	[spmem:s3] =	stream.indirect.scatter.add.f32 [tilespmem:s23], [sflag:$0x2], $0x20, s17, s21, $0xb8;
	[tilespmem:$0x16DA0] =	vst v63  }
0xc9: {  	s18 =	sadd.s32 $0x64F0, s0  }
0xca: {  	[spmem:s2] =	stream.indirect.scatter.add.f32 [tilespmem:s26], [sflag:$0x2], $0x20, s18, s21, $0xb8;
	[tilespmem:$0x16DA0] =	vst v63  }
0xcb: {  	_ = 	snop  }
0xcc: {  	[spmem:s3] =	stream.indirect.scatter.add.f32 [tilespmem:s23], [sflag:$0x2], $0x20, s18, s21, $0xb8;
	[tilespmem:$0x16DA0] =	vst v63  }
.Ltmp7:
0xcd: {  	_ = 	snop;
	(pc) =	sbr.rel .LBB2_8-.Ltmp7, $4  }
0xce: {  	s0 =	sadd.s32 $0x6540, s0  }
0xcf: {  	[spmem:s2] =	stream.indirect.scatter.add.f32 [tilespmem:s28], [sflag:$0x2], $0x20, s0, s21, $0xb8;
	[tilespmem:$0x16DA0] =	vst v63  }
0xd0: {  	_ = 	snop  }
0xd1: {  	[spmem:s3] =	stream.indirect.scatter.add.f32 [tilespmem:s23], [sflag:$0x2], $0x20, s0, s21, $0xb8;
	[tilespmem:$0x16DA0] =	vst v63  }
.LBB2_10:
0xd2: {  	_ =	sfence.sel $0x180000  }
0xd3: {  	[bflag:$0x0] =	sbarrier.arrive $0xFFFF  }
0xd4: {  	_ =	strace $0x9000004A  }
0xd5: {  	s0 =	stileid.u32;
	[bflag:$0x2] =	sbarrier.arrive $0xFFFF  }
0xd6: {  	p0 =	sne.s32 s0, $0x0;
	s0 =	rddreg [dreg:$0x4]  }
0xd7: {  	s0 =	sadd.s32 @!p0 $0x100000, s0  }
0xd8: {  	[sflag:s0] =	ssyncadd.tile.s32 @!p0 $0x1;
	_ =	shalt  }
.Lfunc_end2:
_tile_overlayer_lowered:
.L_overlay_start_2:
0xd9: {  	(tag) =	ssettag $0x2  }
0xda: {  	s0 =	rddreg [dreg:$0x0];
	s2 =	stileid.u32  }
0xdb: {  	s1 =	rddreg [dreg:$0x1];
	p0 =	sne.s32 s2, $0x0  }
0xdc: {  	s3 =	rddreg [dreg:$0x2];
	[bflag:$0x3] =	sbarrier.arrive $0xFFFF;
	s2 =	simm.s32 @!p0 $0x1C03  }
0xdd: {  	[timem:s3], [sflag:s2] =	dma.local @!p0 [hbm:s0], s1  }
0xde: {  	s0 =	simm.s32 @!p0 $0x3  }
0xdf: {  	_ =	swait.ge @!p0 [sflag:s0], s1  }
0xe0: {  	s1 =	ssub.s32 @!p0 $0x0, s1;
	[sflag:s0] =	ssyncset.done @!p0 $0x0  }
0xe1: {  	[sflag:s0] =	ssyncadd.s32 @!p0 s1  }
0xe2: {  	[bflag:$0x3] =	sbarrier.arrive $0xFFFF  }
0xe3: {  	_ =	shalt  }

// kernel: kernel.7.cloned.1.call-start
scs
__scs_entry_jumppad:
0x0: {  	(pc) =	sbr.rel $0x88, $3  }
0x1: {  	(tag) =	ssettag $0x0;
	lr =	simm.s32 $0x1  }
0x2: {  	[smem:$0x3F99] =	sst lr;
	_ =	strace $0xD0000000  }
0x3: {  	_ = 	snop  }
0x4: {  	_ = 	snop  }
0x5: {  	_ = 	snop  }
0x6: {  	_ = 	snop  }
0x7: {  	_ = 	snop  }
__scs_overlays_trampoline_lowered:
0x8: {  	[smem:$0x3FA8] =	sst s0  }
0x9: {  	[smem:$0x3FA9] =	sst s1  }
0xa: {  	[smem:$0x3FAA] =	sst s2  }
0xb: {  	[smem:$0x3FAB] =	sst s3  }
0xc: {  	[smem:$0x3FAC] =	sst s4  }
0xd: {  	[smem:$0x3FAD] =	sst s5  }
0xe: {  	[smem:$0x3FAE] =	sst s6  }
0xf: {  	[smem:$0x3FAF] =	sst s7  }
0x10: {  	[smem:$0x3FB0] =	sst s8  }
0x11: {  	[smem:$0x3FB1] =	sst s9;
	s0 =	simm.s32 @!p0 $0x0  }
0x12: {  	s1 =	sld [smem:$0x3F97];
	s0 =	simm.s32 @p0 $0x1  }
0x13: {  	[smem:$0x3FB2] =	sst s0;
	s0 =	simm.s32 @!p1 $0x0  }
0x14: {  	s2 =	sld [smem:$0x3F96];
	s0 =	simm.s32 @p1 $0x1  }
0x15: {  	[smem:$0x3FB3] =	sst s0;
	s0 =	simm.s32 @!p2 $0x0  }
0x16: {  	s3 =	sld [smem:$0x3FDB];
	s0 =	simm.s32 @p2 $0x1  }
0x17: {  	s4 =	simm.s32 $0x1BF5;
	[smem:$0x3FB5] =	sst s0  }
0x18: {  	s0 =	sld [smem:$0x3F98];
	_ =	swait.ge [sflag:s4], $0x0  }
0x19: {  	s7 =	sld [smem:$0x3F99]  }
0x1a: {  	s8 =	sadd.s32 $0xFFFFE003, lr  }
0x1b: {  	s9 =	sadd.s32 $0xFFFFFEF7, lr;
	s5 =	simm.s32 $0xFFFFFFFF;
	p2 =	slt.u32 s8, $0xFFFFF086  }
0x1c: {  	p1 =	slt.u32 s9, $0xF7A;
	s5 =	simm.s32 @!p2 $0x0  }
0x1d: {  	s5 =	simm.s32 @p1 $0x1;
	p0 =	seq.s32 s7, s2  }
0x1e: {  	s7 =	smul.u32 @!p0 $0xF7A, s2;
	p2 =	seq.s32 @!p0 s5, $0x0  }
0x1f: {  	s9 =	smul.u32 $0xF7A, s1;
	s8 =	simm.s32 @!p0 $0x1BF5;
	p2 =	por !p2, p0  }
0x20: {  	[sflag:s8] =	ssyncset.s32 @!p0 $0xFFFFF086;
	s6 =	sadd.s32 @!p0 s3, s7;
	s7 =	simm.s32 @!p0 $0x108  }
0x21: {  	s3 =	sadd.s32 s3, s9;
	s6 =	sadd.s32 @!p0 $0x88, s6;
	s7 =	simm.s32 @p2 $0x1082  }
0x22: {  	[simem:s7], [sflag:s8] =	dma.local @!p0 [hbm:s6], $0xF7A  }
0x23: {  	s9 =	sor.u32 $0xD0000000, s2;
	s6 =	simm.s32 $0x108;
	_ =	swait.ge @!p0 [sflag:s8], $0x0  }
0x24: {  	s3 =	sadd.s32 $0x88, s3;
	s6 =	simm.s32 @!p1 $0x1082;
	[sflag:s4] =	ssyncset.s32 $0xFFFFF086  }
0x25: {  	[simem:s6], [sflag:s4] =	dma.local [hbm:s3], $0xF7A  }
0x26: {  	[smem:$0x3F99] =	sst s1;
	(tag) =	ssettag s2;
	_ =	strace s9  }
0x27: {  	s1 =	sld [smem:$0x3FA9]  }
0x28: {  	s2 =	sld [smem:$0x3FAA]  }
0x29: {  	s4 =	sld [smem:$0x3FAC]  }
0x2a: {  	p0 =	seq.s32 s5, $0x0;
	s5 =	sld [smem:$0x3FAD]  }
0x2b: {  	s6 =	sld [smem:$0x3FAE]  }
0x2c: {  	s7 =	sld [smem:$0x3FAF]  }
0x2d: {  	s3 =	simm.s32 $0x108;
	s8 =	sld [smem:$0x3FB0]  }
0x2e: {  	s3 =	simm.s32 @!p0 $0x1082;
	s9 =	sld [smem:$0x3FB1]  }
0x2f: {  	lr =	sadd.s32 s0, s3;
	s0 =	sld [smem:$0x3FA8]  }
0x30: {  	s3 =	sld [smem:$0x3FAB]  }
0x31: {  	[smem:$0x3FB4] =	sst s10  }
0x32: {  	s10 =	sld [smem:$0x3FB2];
	_ =	sdelay $0x3  }
0x33: {  	p0 =	seq.s32 s10, $0x1;
	s10 =	sld [smem:$0x3FB4];
	_ =	sdelay $0x3  }
0x34: {  	[smem:$0x3FB4] =	sst s10  }
0x35: {  	s10 =	sld [smem:$0x3FB3];
	_ =	sdelay $0x3  }
0x36: {  	p1 =	seq.s32 s10, $0x1;
	s10 =	sld [smem:$0x3FB4];
	_ =	sdelay $0x3  }
0x37: {  	[smem:$0x3FB4] =	sst s10  }
0x38: {  	s10 =	sld [smem:$0x3FB5]  }
0x39: {  	_ = 	snop;
	(pc) =	sbr.ind lr, $3  }
0x3a: {  	_ = 	snop  }
0x3b: {  	_ = 	snop  }
0x3c: {  	p2 =	seq.s32 s10, $0x1;
	s10 =	sld [smem:$0x3FB4]  }
0x3d: {  	_ =	shalt  }
0x3e: {  	_ =	shalt  }
0x3f: {  	_ =	shalt  }
0x40: {  	_ =	shalt  }
0x41: {  	_ =	shalt  }
0x42: {  	_ =	shalt  }
0x43: {  	_ =	shalt  }
0x44: {  	_ =	shalt  }
0x45: {  	_ =	shalt  }
0x46: {  	_ =	shalt  }
0x47: {  	_ =	shalt  }
0x48: {  	_ =	shalt  }
0x49: {  	_ =	shalt  }
0x4a: {  	_ =	shalt  }
0x4b: {  	_ =	shalt  }
0x4c: {  	_ =	shalt  }
0x4d: {  	_ =	shalt  }
0x4e: {  	_ =	shalt  }
0x4f: {  	_ =	shalt  }
0x50: {  	_ =	shalt  }
0x51: {  	_ =	shalt  }
0x52: {  	_ =	shalt  }
0x53: {  	_ =	shalt  }
0x54: {  	_ =	shalt  }
0x55: {  	_ =	shalt  }
0x56: {  	_ =	shalt  }
0x57: {  	_ =	shalt  }
0x58: {  	_ =	shalt  }
0x59: {  	_ =	shalt  }
0x5a: {  	_ =	shalt  }
0x5b: {  	_ =	shalt  }
0x5c: {  	_ =	shalt  }
0x5d: {  	_ =	shalt  }
0x5e: {  	_ =	shalt  }
0x5f: {  	_ =	shalt  }
0x60: {  	_ =	shalt  }
0x61: {  	_ =	shalt  }
0x62: {  	_ =	shalt  }
0x63: {  	_ =	shalt  }
0x64: {  	_ =	shalt  }
0x65: {  	_ =	shalt  }
0x66: {  	_ =	shalt  }
0x67: {  	_ =	shalt  }
0x68: {  	_ =	shalt  }
0x69: {  	_ =	shalt  }
0x6a: {  	_ =	shalt  }
0x6b: {  	_ =	shalt  }
0x6c: {  	_ =	shalt  }
0x6d: {  	_ =	shalt  }
0x6e: {  	_ =	shalt  }
0x6f: {  	_ =	shalt  }
0x70: {  	_ =	shalt  }
0x71: {  	_ =	shalt  }
0x72: {  	_ =	shalt  }
0x73: {  	_ =	shalt  }
0x74: {  	_ =	shalt  }
0x75: {  	_ =	shalt  }
0x76: {  	_ =	shalt  }
0x77: {  	_ =	shalt  }
0x78: {  	_ =	shalt  }
0x79: {  	_ =	shalt  }
0x7a: {  	_ =	shalt  }
0x7b: {  	_ =	shalt  }
0x7c: {  	_ =	shalt  }
0x7d: {  	_ =	shalt  }
0x7e: {  	_ =	shalt  }
0x7f: {  	_ =	shalt  }
0x80: {  	_ =	shalt  }
0x81: {  	_ =	shalt  }
0x82: {  	_ =	shalt  }
0x83: {  	_ =	shalt  }
0x84: {  	_ =	shalt  }
0x85: {  	_ =	shalt  }
0x86: {  	_ =	shalt  }
0x87: {  	_ =	shalt  }
.Lfunc_end0:
.L_simem_size_0:
called_computation_lowered:
.L_overlay_start_0:
0x88: {  	s2 =	sld [smem:$0x3FD9]  }
0x89: {  	s3 =	sld [smem:$0x3FFE];
	_ =	sdelay $0x1  }
0x8a: {  	s1 =	srdreg.scid  }
0x8b: {  	s0 =	sand.u32 $0x1, s1  }
0x8c: {  	s17 =	sshll.u32 s0, $0xA;
	s2 =	sadd.s32 s3, s2  }
0x8d: {  	s2 =	sadd.s32 s2, s17  }
0x8e: {  	[smem:$0x3FC0] =	sst s2  }
0x8f: {  	_ = 	snop  }
0x90: {  	s2 =	sld [smem:$0x3FC6];
	(tm) =	ssettm $0x1  }
0x91: {  	s18 =	sld [smem:$0x3FFB];
	_ =	sdelay $0x3  }
0x92: {  	_ =	strace s18  }
0x93: {  	s3 =	sld [smem:$0x3FFC];
	_ =	sdelay $0x3  }
0x94: {  	_ =	strace s3  }
0x95: {  	s3 =	sld [smem:$0x3FFD];
	_ =	sdelay $0x3  }
0x96: {  	_ =	strace s3  }
0x97: {  	_ =	strace $0x8FFFFFFF  }
0x98: {  	s19 =	sld [smem:$0x3FDB];
	_ =	sdelay $0x1  }
0x99: {  	s4 =	simm.s32 $_scs_section_size  }
0x9a: {  	s5 =	simm.s32 $_size__tile_overlayer_lowered;
	s6 =	simm.s32 $_tile_overlayer_lowered  }
0x9b: {  	s22 =	simm.s32 $0x1BFF;
	s21 =	sshll.u32 s6, $0x1;
	s3 =	sadd.s32 s4, s19  }
0x9c: {  	s7 =	simm.s32 $0x0;
	s20 =	sshll.u32 s5, $0x1;
	s5 =	sadd.s32 s21, s3  }
0x9d: {  	[timem:s7], [sflag:s22] =	dma.local [hbm:s5], s20  }
0x9e: {  	_ =	swait.ge [sflag:s22], s20  }
0x9f: {  	s4 =	ssub.s32 $0x0, s20;
	[sflag:s22] =	ssyncset.done $0x0  }
0xa0: {  	[sflag:s22] =	ssyncadd.s32 s4;
	_ =	sdelay $0x1  }
0xa1: {  	s23 =	simm.s32 $0x1B8B  }
0xa2: {  	_ =	swait.ge [sflag:s23], $0x1  }
0xa3: {  	[sflag:s23] =	ssyncset.done $0x0  }
0xa4: {  	s25 =	simm.s32 $0x1B8E;
	s24 =	sld [smem:$0x3FFE];
	[sflag:s23] =	ssyncadd.s32 $0xFFFFFFFF  }
0xa5: {  	s26 =	simm.s32 $execute0_lowered;
	[smem:$0x3FD2] =	sst s25  }
0xa6: {  	s5 =	sshll.u32 s26, $0x1;
	_ =	strace $0x80000046;
	[dreg:$0x1] =	wrdreg $0xFFFFFFFF  }
0xa7: {  	s28 =	simm.s32 $_size_execute0_lowered;
	s3 =	sadd.s32 s3, s5;
	[dreg:$0x0] =	wrdreg $0x0  }
0xa8: {  	s5 =	sshll.u32 s28, $0x1;
	[dreg:$0x2] =	wrdreg s3  }
0xa9: {  	[dreg:$0x3] =	wrdreg s5  }
0xaa: {  	[dreg:$0x4] =	wrdreg $0xC0  }
0xab: {  	_ =	task [dreg:s7], $0x5FFFF  }
0xac: {  	[dreg:$0x1] =	wrdreg $0xFFFFFFFF  }
0xad: {  	[dreg:$0x0] =	wrdreg $0x60  }
0xae: {  	[dreg:$0x2] =	wrdreg s24  }
0xaf: {  	[dreg:$0x3] =	wrdreg s2  }
0xb0: {  	[dreg:$0x4] =	wrdreg $0xD5700  }
0xb1: {  	[dreg:$0x5] =	wrdreg $0x125700  }
0xb2: {  	[dreg:$0x6] =	wrdreg $0x9  }
0xb3: {  	_ =	task.clear_ibuf [dreg:s7], $0x7FFFF;
	_ =	strace $0x90000046  }
0xb4: {  	s29 =	simm.s32 $0x9;
	_ =	strace $0x80000048  }
0xb5: {  	_ =	swait.ge [sflag:s29], $0x1  }
0xb6: {  	[sflag:s29] =	ssyncadd.s32 $0xFFFFFFFF  }
0xb7: {  	_ =	strace $0x90000048  }
0xb8: {  	_ =	sfence  }
0xb9: {  	s30 =	sld [smem:$0x0];
	_ =	sdelay $0x2  }
0xba: {  	s31 =	sshll.u32 s1, $0xD;
	s1 =	sshrl.u32 s1, $0x2  }
0xbb: {  	s3 =	sand.u32 $0x4000, s31;
	s1 =	sadd.s32 s1, s30  }
0xbc: {  	s0 =	sor.u32 s3, s0;
	s1 =	sshll.u32 s1, $0x11  }
0xbd: {  	s0 =	sor.u32 s1, s0  }
0xbe: {  	s0 =	sadd.s32 $0x8F2B, s0  }
0xbf: {  	[sflag:s0] =	ssyncadd.remote.s32 $0x1  }
0xc0: {  	_ =	sfence.sel $0xFFFF  }
0xc1: {  	[dreg:$0x0] =	wrdreg $0xFFFFFFFF;
	(pc) =	sbr.abs _section_cstart, $3  }
0xc2: {  	[dreg:$0x1] =	wrdreg $0xFFFFFFFF  }
0xc3: {  	_ =	task.clear_ibuf [dreg:s7], $0x2FFFF;
	_ =	strace $0x9FFFFFFF  }
0xc4: {  	(tm) =	ssettm $0x7FFFFFFF  }
0xc5: {  	_ =	shalt  }
tec
execute0_lowered:
.L_overlay_start_1:
0x0: {  	(tag) =	ssettag $0x1  }
0x1: {  	s0 =	rddreg [dreg:$0x0]  }
0x2: {  	s1 =	rddreg [dreg:$0x1];
	s3 =	srdreg.scid  }
0x3: {  	s10 =	stileid.u32;
	s2 =	rddreg [dreg:$0x2]  }
0x4: {  	s4 =	simm.s32 $0x0;
	s15 =	simm.s32 $0x3;
	s17 =	simm.s32 $0x20  }
0x5: {  	s18 =	simm.s32 $0x80;
	s19 =	simm.s32 $0x1;
	s20 =	simm.s32 $0x2  }
0x6: {  	s21 =	simm.s32 $0x50;
	s22 =	simm.s32 $0x3200;
	s28 =	simm.s32 $0x5A00  }
0x7: {  	s29 =	simm.s32 $0xA00;
	s30 =	simm.s32 $0x1400;
	s31 =	simm.s32 $0x1E00  }
0x8: {  	s6 =	sand.u32 $0x1, s3;
	s7 =	smul.u32 $0x5000, s10;
	s3 =	rddreg [dreg:$0x3]  }
0x9: {  	[smem:$0x7FF] =	sst s4;
	s8 =	sshll.u32 s10, $0x1;
	s10 =	sshll.u32 s10, $0x3  }
0xa: {  	s5 =	smul.u32 $0x50000, s6;
	_ =	strace $0x80000047;
	s8 =	sor.u32 s6, s8  }
0xb: {  	s6 =	ssub.s32 $0x2, s6;
	s10 =	sand.u32 $0x60, s10;
	s23 =	sand.u32 $0x7, s8  }
0xc: {  	s11 =	sshrl.u32 s6, $0x1;
	s8 =	smul.u32 $0x2EE, s8;
	s5 =	sadd.s32 s7, s5  }
0xd: {  	s12 =	ssub.s32 s6, s11;
	s6 =	sadd.s32 s7, s2;
	s7 =	sadd.s32 s7, s3  }
0xe: {  	s9 =	sshrl.u32 s5, $0x3;
	s5 =	sadd.s32 $0x2400, s0;
	s1 =	sadd.s32 s1, s8  }
0xf: {  	s26 =	smax.u32 s12, $0x1;
	s0 =	sadd.s32 s9, s0;
	[dreg:$0x5] =	wrdreg s1  }
0x10: {  	s9 =	smul.u32 $0xBB800, s23;
	[dreg:$0x9] =	wrdreg s26;
	s23 =	simm.s32 $0xCB70  }
.Ltmp0:
0x11: {  	s26 =	simm.s32 $0x5000;
	s25 =	sadd.s32 $0xBDC00, s0;
	(pc) =	sbr.rel .LBB2_1-.Ltmp0, $4  }
0x12: {  	s0 =	sadd.s32 $0xD1C00, s0;
	s9 =	sor.u32 s10, s9;
	[dreg:$0x7] =	wrdreg s25  }
0x13: {  	[dreg:$0x8] =	wrdreg s0;
	s25 =	simm.s32 $0x4600;
	s24 =	sshrl.u32 s9, $0x3  }
0x14: {  	s0 =	simm.s32 $0x0;
	s8 =	sadd.s32 $0xC800, s9;
	s1 =	sadd.s32 s5, s24  }
0x15: {  	v0 =	vimm.f32 $0.0e+00;
	v1 =	vimm.f32 $1.000000000e+00;
	s24 =	simm.s32 $0x3C00;
	[dreg:$0x6] =	wrdreg s1;
	s1 =	simm.s32 $0x2800  }
.LBB2_10:
0x16: {  	_ =	swait.ge [sflag:s20], $0xA00  }
0x17: {  	[sflag:s20] =	ssyncset.done $0x0  }
0x18: {  	[sflag:s20] =	ssyncadd.s32 $0xFFFFF600  }
0x19: {  	_ =	swait.ge [sflag:s20], $0xA00  }
0x1a: {  	[sflag:s20] =	ssyncset.done $0x0  }
0x1b: {  	[sflag:s20] =	ssyncadd.s32 $0xFFFFF600  }
0x1c: {  	_ =	swait.ge [sflag:s20], $0xA00  }
0x1d: {  	[sflag:s20] =	ssyncset.done $0x0  }
0x1e: {  	[sflag:s20] =	ssyncadd.s32 $0xFFFFF600  }
0x1f: {  	_ =	swait.ge [sflag:s20], $0xA00  }
0x20: {  	[sflag:s20] =	ssyncset.done $0x0  }
0x21: {  	[sflag:s20] =	ssyncadd.s32 $0xFFFFF600  }
0x22: {  	_ =	swait.ge [sflag:s20], $0xA00  }
0x23: {  	[sflag:s20] =	ssyncset.done $0x0  }
0x24: {  	[sflag:s20] =	ssyncadd.s32 $0xFFFFF600  }
0x25: {  	_ =	swait.ge [sflag:s20], $0xA00  }
0x26: {  	[sflag:s20] =	ssyncset.done $0x0  }
0x27: {  	[sflag:s20] =	ssyncadd.s32 $0xFFFFF600  }
0x28: {  	_ =	swait.ge [sflag:s20], $0xA00  }
0x29: {  	[sflag:s20] =	ssyncset.done $0x0  }
0x2a: {  	[sflag:s20] =	ssyncadd.s32 $0xFFFFF600  }
0x2b: {  	_ =	swait.ge [sflag:s20], $0xA00  }
0x2c: {  	[sflag:s20] =	ssyncset.done $0x0  }
0x2d: {  	[sflag:s20] =	ssyncadd.s32 $0xFFFFF600  }
0x2e: {  	_ =	swait.ge [sflag:s20], $0xA00  }
0x2f: {  	[sflag:s20] =	ssyncset.done $0x0  }
0x30: {  	[sflag:s20] =	ssyncadd.s32 $0xFFFFF600  }
0x31: {  	_ =	swait.ge [sflag:s20], $0xA00  }
0x32: {  	[sflag:s20] =	ssyncset.done $0x0  }
0x33: {  	s9 =	stileid.u32;
	[sflag:s20] =	ssyncadd.s32 $0xFFFFF600  }
0x34: {  	s9 =	sshll.u32 s9, $0x6;
	[bflag:$0x0] =	sbarrier.arrive $0xFFFF  }
0x35: {  	s10 =	sshrl.u32 s6, $0x3;
	s9 =	sor.u32 $0x1C03, s9;
	s11 =	rddreg [dreg:$0x7]  }
0x36: {  	[hbm:s11], [sflag:s9] =	dma.local [spmem:s10], $0xA00  }
0x37: {  	_ =	swait.ge [sflag:s15], $0xA00  }
0x38: {  	[sflag:s15] =	ssyncset.done $0x0  }
0x39: {  	s13 =	sshrl.u32 s7, $0x3;
	s14 =	rddreg [dreg:$0x8];
	[sflag:s15] =	ssyncadd.s32 $0xFFFFF600  }
0x3a: {  	[hbm:s14], [sflag:s9] =	dma.local [spmem:s13], $0xA00  }
0x3b: {  	_ =	swait.ge [sflag:s15], $0xA00  }
0x3c: {  	s0 =	sadd.s32 $0x1, s0;
	s16 =	rddreg [dreg:$0x9]  }
0x3d: {  	p0 =	sne.s32 s0, s16  }
.Ltmp1:
0x3e: {  	_ = 	snop;
	(pc) =	sbr.rel @!p0 .LBB2_11-.Ltmp1, $3  }
0x3f: {  	_ =	sdelay $0x1  }
0x40: {  	[sflag:s15] =	ssyncset.done $0x0  }
0x41: {  	[sflag:s15] =	ssyncadd.s32 $0xFFFFF600  }
.LBB2_1:
0x42: {  	s9 =	simm.s32 $0x0  }
.LBB2_2:
0x43: {  	p0 =	sne.s32 s9, $0x13F80  }
.Ltmp2:
0x44: {  	_ = 	snop;
	(pc) =	sbr.rel @p0 .LBB2_2-.Ltmp2, $4  }
0x45: {  	_ = 	snop  }
0x46: {  	s13 =	sshra.s32 s9, $0x2  }
0x47: {  	[tilespmem:s13+$0x7B70] =	vst v0  }
0x48: {  	s9 =	sadd.s32 $0x80, s9;
	[tilespmem:s13+$0x7B80] =	vst v0  }
0x49: {  	s9 =	simm.s32 $0x80;
	s13 =	simm.s32 $0x0  }
.LBB2_4:
0x4a: {  	p0 =	sne.s32 s9, $0x2780;
	[tilespmem:s13+$0xCB70] =	vst v1;
	s14 =	smov.u32 s9;
	s9 =	sadd.s32 $0x80, s9  }
.Ltmp3:
0x4b: {  	[tilespmem:s13+$0xCB80] =	vst v1;
	(pc) =	sbr.rel @p0 .LBB2_4-.Ltmp3, $2  }
0x4c: {  	_ =	sdelay $0x2  }
0x4d: {  	s13 =	sshra.s32 s14, $0x2  }
0x4e: {  	[tilespmem:s13+$0xCB70] =	vst v1  }
0x4f: {  	[tilespmem:s13+$0xCB80] =	vst v1;
	s9 =	simm.s32 $0x7B70  }
0x50: {  	[spmem:s6] =	stream.linear.scatter [tilespmem:s9], [sflag:$0x3], $0x5000, $0x38;
	[tilespmem:$0x17570] =	vst v63  }
0x51: {  	_ =	swait.ge [sflag:s15], $0x5000  }
0x52: {  	[sflag:s15] =	ssyncset.done $0x0  }
0x53: {  	[sflag:s15] =	ssyncadd.s32 $0xFFFFB000  }
0x54: {  	[spmem:s7] =	stream.linear.scatter [tilespmem:s9], [sflag:$0x3], $0x5000, $0x38;
	[tilespmem:$0x17570] =	vst v63  }
0x55: {  	_ =	swait.ge [sflag:s15], $0x5000  }
0x56: {  	s16 =	simm.s32 $0x0;
	[sflag:s15] =	ssyncset.done $0x0  }
0x57: {  	s10 =	simm.s32 $0x6400;
	s13 =	rddreg [dreg:$0x5];
	[sflag:s15] =	ssyncadd.s32 $0xFFFFB000  }
0x58: {  	[tilespmem:s10], [sflag:$0x3] =	stream.linear.gather [hbm4b:s13+s16], $0x1770, $0x38;
	[tilespmem:$0x17570] =	vst v63  }
0x59: {  	_ =	swait.ge [sflag:s15], $0x1770  }
.Ltmp4:
0x5a: {  	[sflag:s15] =	ssyncset.done $0x0;
	(pc) =	sbr.rel .LBB2_6-.Ltmp4, $4  }
0x5b: {  	[sflag:s15] =	ssyncadd.s32 $0xFFFFE890  }
0x5c: {  	[bflag:$0x0] =	sbarrier.arrive $0xFFFF  }
0x5d: {  	s9 =	simm.s32 $0x0;
	s13 =	smov.u32 s8;
	s14 =	rddreg [dreg:$0x6]  }
0x5e: {  	[tilespmem:s16], [sflag:$0x1] =	stream.strided.gather [hbm4b:s14+s17], $0x3200, s18, s17, $0x38;
	[tilespmem:$0x17570] =	vst v63  }
.LBB2_8:
0x5f: {  	_ =	swait.ge [sflag:s19], $0x3200  }
0x60: {  	[sflag:s19] =	ssyncset.done $0x0  }
0x61: {  	[sflag:s19] =	ssyncadd.s32 $0xFFFFCE00  }
0x62: {  	_ =	swait.ge [sflag:s20], $0xA00  }
0x63: {  	[sflag:s20] =	ssyncset.done $0x0  }
0x64: {  	[sflag:s20] =	ssyncadd.s32 $0xFFFFF600  }
0x65: {  	_ =	swait.ge [sflag:s20], $0xA00  }
0x66: {  	[sflag:s20] =	ssyncset.done $0x0  }
0x67: {  	[sflag:s20] =	ssyncadd.s32 $0xFFFFF600  }
0x68: {  	_ =	swait.ge [sflag:s20], $0xA00  }
0x69: {  	[sflag:s20] =	ssyncset.done $0x0  }
0x6a: {  	[sflag:s20] =	ssyncadd.s32 $0xFFFFF600  }
0x6b: {  	_ =	swait.ge [sflag:s20], $0xA00  }
0x6c: {  	[sflag:s20] =	ssyncset.done $0x0  }
0x6d: {  	[sflag:s20] =	ssyncadd.s32 $0xFFFFF600  }
0x6e: {  	_ =	swait.ge [sflag:s20], $0xA00  }
0x6f: {  	[sflag:s20] =	ssyncset.done $0x0  }
0x70: {  	[sflag:s20] =	ssyncadd.s32 $0xFFFFF600  }
0x71: {  	_ =	swait.ge [sflag:s20], $0xA00  }
0x72: {  	[sflag:s20] =	ssyncset.done $0x0  }
0x73: {  	[sflag:s20] =	ssyncadd.s32 $0xFFFFF600  }
0x74: {  	_ =	swait.ge [sflag:s20], $0xA00  }
0x75: {  	[sflag:s20] =	ssyncset.done $0x0  }
0x76: {  	[sflag:s20] =	ssyncadd.s32 $0xFFFFF600  }
0x77: {  	_ =	swait.ge [sflag:s20], $0xA00  }
0x78: {  	[sflag:s20] =	ssyncset.done $0x0  }
0x79: {  	[sflag:s20] =	ssyncadd.s32 $0xFFFFF600  }
0x7a: {  	_ =	swait.ge [sflag:s20], $0xA00  }
0x7b: {  	[sflag:s20] =	ssyncset.done $0x0  }
0x7c: {  	p0 =	seq.s32 s16, $0x5780;
	[sflag:s20] =	ssyncadd.s32 $0xFFFFF600  }
0x7d: {  	s10 =	sshrl.u32 @!p0 s13, $0x3;
	_ =	swait.ge [sflag:s20], $0xA00  }
0x7e: {  	s11 =	simm.s32 @!p0 $0x20;
	s14 =	simm.s32 @!p0 $0x80;
	[sflag:s20] =	ssyncset.done $0x0  }
0x7f: {  	s12 =	simm.s32 @!p0 $0x0;
	s10 =	sadd.s32 @!p0 s5, s10;
	[sflag:s20] =	ssyncadd.s32 $0xFFFFF600  }
0x80: {  	[tilespmem:s12], [sflag:$0x1] =	stream.strided.gather @!p0 [hbm4b:s10+s11], $0x3200, s14, s11, $0x38;
	[tilespmem:$0x17570] =	vst v63  }
0x81: {  	s10 =	sshra.s32 s16, $0x2  }
0x82: {  	s12 =	sadd.s32 $0x6400, s10  }
0x83: {  	[spmem:s2] =	stream.indirect.scatter.add.f32 [tilespmem:s22], [sflag:$0x2], $0x20, s12, s21, $0xb8;
	[tilespmem:$0x17570] =	vst v63  }
0x84: {  	_ = 	snop  }
0x85: {  	[spmem:s3] =	stream.indirect.scatter.add.f32 [tilespmem:s23], [sflag:$0x2], $0x20, s12, s21, $0xb8;
	[tilespmem:$0x17570] =	vst v63  }
0x86: {  	s14 =	sadd.s32 $0x6450, s10  }
0x87: {  	[spmem:s2] =	stream.indirect.scatter.add.f32 [tilespmem:s24], [sflag:$0x2], $0x20, s14, s21, $0xb8;
	[tilespmem:$0x17570] =	vst v63  }
0x88: {  	_ = 	snop  }
0x89: {  	[spmem:s3] =	stream.indirect.scatter.add.f32 [tilespmem:s23], [sflag:$0x2], $0x20, s14, s21, $0xb8;
	[tilespmem:$0x17570] =	vst v63  }
0x8a: {  	s12 =	sadd.s32 $0x64A0, s10  }
0x8b: {  	[spmem:s2] =	stream.indirect.scatter.add.f32 [tilespmem:s25], [sflag:$0x2], $0x20, s12, s21, $0xb8;
	[tilespmem:$0x17570] =	vst v63  }
0x8c: {  	_ = 	snop  }
0x8d: {  	[spmem:s3] =	stream.indirect.scatter.add.f32 [tilespmem:s23], [sflag:$0x2], $0x20, s12, s21, $0xb8;
	[tilespmem:$0x17570] =	vst v63  }
0x8e: {  	s14 =	sadd.s32 $0x64F0, s10  }
0x8f: {  	[spmem:s2] =	stream.indirect.scatter.add.f32 [tilespmem:s26], [sflag:$0x2], $0x20, s14, s21, $0xb8;
	[tilespmem:$0x17570] =	vst v63  }
0x90: {  	_ = 	snop  }
0x91: {  	[spmem:s3] =	stream.indirect.scatter.add.f32 [tilespmem:s23], [sflag:$0x2], $0x20, s14, s21, $0xb8;
	[tilespmem:$0x17570] =	vst v63  }
0x92: {  	s10 =	sadd.s32 $0x6540, s10  }
0x93: {  	[spmem:s2] =	stream.indirect.scatter.add.f32 [tilespmem:s28], [sflag:$0x2], $0x20, s10, s21, $0xb8;
	[tilespmem:$0x17570] =	vst v63  }
0x94: {  	_ = 	snop  }
0x95: {  	[spmem:s3] =	stream.indirect.scatter.add.f32 [tilespmem:s23], [sflag:$0x2], $0x20, s10, s21, $0xb8;
	[tilespmem:$0x17570] =	vst v63  }
.LBB2_9:
0x96: {  	s16 =	sadd.s32 $0x640, s16  }
0x97: {  	p0 =	sne.s32 s16, $0x5DC0  }
.Ltmp5:
0x98: {  	_ = 	snop;
	(pc) =	sbr.rel @!p0 .LBB2_10-.Ltmp5, $2  }
0x99: {  	_ =	sdelay $0x2  }
0x9a: {  	s9 =	sadd.s32 $0x1, s9;
	s13 =	sadd.s32 $0xC800, s13  }
.LBB2_6:
0x9b: {  	s14 =	sand.u32 $0x1, s9  }
0x9c: {  	p0 =	seq.s32 s14, $0x1  }
.Ltmp6:
0x9d: {  	_ = 	snop;
	(pc) =	sbr.rel @p0 .LBB2_8-.Ltmp6, $1  }
0x9e: {  	_ =	sdelay $0x3  }
0x9f: {  	_ =	swait.ge [sflag:s19], $0x3200  }
0xa0: {  	p0 =	seq.s32 s16, $0x0;
	[sflag:s19] =	ssyncset.done $0x0  }
0xa1: {  	s10 =	simm.s32 @!p0 $0x2;
	[sflag:s19] =	ssyncadd.s32 $0xFFFFCE00  }
0xa2: {  	_ =	swait.ge @!p0 [sflag:s10], $0xA00  }
0xa3: {  	[sflag:s10] =	ssyncset.done @!p0 $0x0  }
0xa4: {  	[sflag:s10] =	ssyncadd.s32 @!p0 $0xFFFFF600  }
0xa5: {  	_ =	swait.ge @!p0 [sflag:s10], $0xA00  }
0xa6: {  	[sflag:s10] =	ssyncset.done @!p0 $0x0  }
0xa7: {  	[sflag:s10] =	ssyncadd.s32 @!p0 $0xFFFFF600  }
0xa8: {  	_ =	swait.ge @!p0 [sflag:s10], $0xA00  }
0xa9: {  	[sflag:s10] =	ssyncset.done @!p0 $0x0  }
0xaa: {  	[sflag:s10] =	ssyncadd.s32 @!p0 $0xFFFFF600  }
0xab: {  	_ =	swait.ge @!p0 [sflag:s10], $0xA00  }
0xac: {  	[sflag:s10] =	ssyncset.done @!p0 $0x0  }
0xad: {  	[sflag:s10] =	ssyncadd.s32 @!p0 $0xFFFFF600  }
0xae: {  	_ =	swait.ge @!p0 [sflag:s10], $0xA00  }
0xaf: {  	[sflag:s10] =	ssyncset.done @!p0 $0x0  }
0xb0: {  	[sflag:s10] =	ssyncadd.s32 @!p0 $0xFFFFF600  }
0xb1: {  	_ =	swait.ge @!p0 [sflag:s10], $0xA00  }
0xb2: {  	[sflag:s10] =	ssyncset.done @!p0 $0x0  }
0xb3: {  	[sflag:s10] =	ssyncadd.s32 @!p0 $0xFFFFF600  }
0xb4: {  	_ =	swait.ge @!p0 [sflag:s10], $0xA00  }
0xb5: {  	[sflag:s10] =	ssyncset.done @!p0 $0x0  }
0xb6: {  	[sflag:s10] =	ssyncadd.s32 @!p0 $0xFFFFF600  }
0xb7: {  	_ =	swait.ge @!p0 [sflag:s10], $0xA00  }
0xb8: {  	[sflag:s10] =	ssyncset.done @!p0 $0x0  }
0xb9: {  	[sflag:s10] =	ssyncadd.s32 @!p0 $0xFFFFF600  }
0xba: {  	_ =	swait.ge @!p0 [sflag:s10], $0xA00  }
0xbb: {  	[sflag:s10] =	ssyncset.done @!p0 $0x0  }
0xbc: {  	[sflag:s10] =	ssyncadd.s32 @!p0 $0xFFFFF600  }
0xbd: {  	p1 =	seq.s32 @!p0 s16, $0x5780;
	_ =	swait.ge @!p0 [sflag:s10], $0xA00  }
0xbe: {  	p1 =	por p0, !p1;
	[sflag:s10] =	ssyncset.done @!p0 $0x0  }
0xbf: {  	[sflag:s10] =	ssyncadd.s32 @!p0 $0xFFFFF600;
	s10 =	sshrl.u32 @p1 s13, $0x3  }
0xc0: {  	s10 =	sadd.s32 @p1 s5, s10  }
0xc1: {  	[tilespmem:s22], [sflag:$0x1] =	stream.strided.gather @p1 [hbm4b:s10+s17], $0x3200, s18, s17, $0x38;
	[tilespmem:$0x17570] =	vst v63  }
0xc2: {  	s10 =	sshra.s32 s16, $0x2  }
0xc3: {  	s11 =	sadd.s32 $0x6400, s10  }
0xc4: {  	[spmem:s2] =	stream.indirect.scatter.add.f32 [tilespmem:s4], [sflag:$0x2], $0x20, s11, s21, $0xb8;
	[tilespmem:$0x17570] =	vst v63  }
0xc5: {  	_ = 	snop  }
0xc6: {  	[spmem:s3] =	stream.indirect.scatter.add.f32 [tilespmem:s23], [sflag:$0x2], $0x20, s11, s21, $0xb8;
	[tilespmem:$0x17570] =	vst v63  }
0xc7: {  	s12 =	sadd.s32 $0x6450, s10  }
0xc8: {  	[spmem:s2] =	stream.indirect.scatter.add.f32 [tilespmem:s29], [sflag:$0x2], $0x20, s12, s21, $0xb8;
	[tilespmem:$0x17570] =	vst v63  }
0xc9: {  	_ = 	snop  }
0xca: {  	[spmem:s3] =	stream.indirect.scatter.add.f32 [tilespmem:s23], [sflag:$0x2], $0x20, s12, s21, $0xb8;
	[tilespmem:$0x17570] =	vst v63  }
0xcb: {  	s12 =	sadd.s32 $0x64A0, s10  }
0xcc: {  	[spmem:s2] =	stream.indirect.scatter.add.f32 [tilespmem:s30], [sflag:$0x2], $0x20, s12, s21, $0xb8;
	[tilespmem:$0x17570] =	vst v63  }
0xcd: {  	_ = 	snop  }
0xce: {  	[spmem:s3] =	stream.indirect.scatter.add.f32 [tilespmem:s23], [sflag:$0x2], $0x20, s12, s21, $0xb8;
	[tilespmem:$0x17570] =	vst v63  }
0xcf: {  	s12 =	sadd.s32 $0x64F0, s10  }
0xd0: {  	[spmem:s2] =	stream.indirect.scatter.add.f32 [tilespmem:s31], [sflag:$0x2], $0x20, s12, s21, $0xb8;
	[tilespmem:$0x17570] =	vst v63  }
0xd1: {  	p0 =	seq.s32 s14, $0x0  }
0xd2: {  	[spmem:s3] =	stream.indirect.scatter.add.f32 [tilespmem:s23], [sflag:$0x2], $0x20, s12, s21, $0xb8;
	[tilespmem:$0x17570] =	vst v63  }
.Ltmp7:
0xd3: {  	_ = 	snop;
	(pc) =	sbr.rel @p0 .LBB2_9-.Ltmp7, $4  }
.Ltmp8:
0xd4: {  	s10 =	sadd.s32 $0x6540, s10;
	(pc) =	sbr.rel @!p0 .LBB2_8-.Ltmp8, $4  }
0xd5: {  	[spmem:s2] =	stream.indirect.scatter.add.f32 [tilespmem:s1], [sflag:$0x2], $0x20, s10, s21, $0xb8;
	[tilespmem:$0x17570] =	vst v63  }
0xd6: {  	_ = 	snop  }
0xd7: {  	[spmem:s3] =	stream.indirect.scatter.add.f32 [tilespmem:s23], [sflag:$0x2], $0x20, s10, s21, $0xb8;
	[tilespmem:$0x17570] =	vst v63  }
0xd8: {  	_ = 	snop  }
.LBB2_11:
0xd9: {  	_ =	sfence.sel $0x180000  }
0xda: {  	[bflag:$0x0] =	sbarrier.arrive $0xFFFF  }
0xdb: {  	_ =	strace $0x90000047  }
0xdc: {  	s0 =	stileid.u32;
	[bflag:$0x2] =	sbarrier.arrive $0xFFFF  }
0xdd: {  	p0 =	sne.s32 s0, $0x0;
	s0 =	rddreg [dreg:$0x4]  }
0xde: {  	s0 =	sadd.s32 @!p0 $0x100000, s0  }
0xdf: {  	[sflag:s0] =	ssyncadd.tile.s32 @!p0 $0x1;
	_ =	shalt  }
.Lfunc_end2:
_tile_overlayer_lowered:
.L_overlay_start_2:
0xe0: {  	(tag) =	ssettag $0x2  }
0xe1: {  	s0 =	rddreg [dreg:$0x0];
	s2 =	stileid.u32  }
0xe2: {  	s1 =	rddreg [dreg:$0x1];
	p0 =	sne.s32 s2, $0x0  }
0xe3: {  	s3 =	rddreg [dreg:$0x2];
	[bflag:$0x3] =	sbarrier.arrive $0xFFFF;
	s2 =	simm.s32 @!p0 $0x1C03  }
0xe4: {  	[timem:s3], [sflag:s2] =	dma.local @!p0 [hbm:s0], s1  }
0xe5: {  	s0 =	simm.s32 @!p0 $0x3  }
0xe6: {  	_ =	swait.ge @!p0 [sflag:s0], s1  }
0xe7: {  	s1 =	ssub.s32 @!p0 $0x0, s1;
	[sflag:s0] =	ssyncset.done @!p0 $0x0  }
0xe8: {  	[sflag:s0] =	ssyncadd.s32 @!p0 s1  }
0xe9: {  	[bflag:$0x3] =	sbarrier.arrive $0xFFFF  }
0xea: {  	_ =	shalt  }

</sc_bundles>
